<compile_context>
chip_gen: v7x
topology: tpu7x:2x2x1
jax: 0.10.2.dev20260603
libtpu: 0.0.44.dev20260713+nightly
codegen_flags: <defaults>
</compile_context>

<pallas_src>
import functools

import jax
import jax.numpy as jnp
from jax import lax
from jax.experimental import pallas as pl
from jax.experimental.pallas import tpu as pltpu
from jax.experimental.pallas import tpu_sc as plsc

_UNITS = 128
_N_ROWS = 160000
_TOTAL = _N_ROWS * _UNITS

_SC_ROWS = 40960
_TC_ROWS = _N_ROWS - _SC_ROWS
_SC_BASE = _TC_ROWS * _UNITS
_SC_ELEMS = _SC_ROWS * _UNITS

_ROWS_PER_BLOCK = 1920

_NW = 32
_PER_W = _SC_ELEMS // _NW
_CHUNK = 20480
_N_CHUNK = _PER_W // _CHUNK
_N_PAIR = _N_CHUNK // 2
_UNROLL = 4

_KS = (0, 42, 0x1BD11BDA ^ 42)
_ROT = ((13, 15, 26, 6), (17, 29, 16, 24))
_INJ = ((1, 2, 0), (2, 0, 1), (0, 1, 0), (1, 2, 1), (2, 0, 0))


def _rotl(x, r):
    return (x << r) | lax.shift_right_logical(x, 32 - r)


def _rounds(x0, x1, rots):
    for r in rots:
        x0 = x0 + x1
        x1 = _rotl(x1, r) ^ x0
    return x0, x1


def _threefry_bits(ctr):
    x0 = ctr
    x1 = _rotl(ctr, _ROT[0][0]) ^ ctr
    x0, x1 = _rounds(x0, x1, _ROT[0][1:])
    for i, (a, b, grp) in enumerate(_INJ, start=1):
        x0 = x0 + jnp.int32(_KS[a])
        x1 = x1 + jnp.int32(_KS[b] + i)
        if i < 5:
            x0, x1 = _rounds(x0, x1, _ROT[(grp + 1) % 2])
    return x0 ^ x1


def _tc_body(v_ref, o_ref, pat_ref):
    pid = pl.program_id(0)
    shape = v_ref.shape

    @pl.when(pid == 0)
    def _():
        row = lax.broadcasted_iota(jnp.int32, shape, 0)
        col = lax.broadcasted_iota(jnp.int32, shape, 1)
        pat_ref[...] = (row << 7) | col

    base = pid * (shape[0] * shape[1])
    ctr = (base + _KS[1]) + pat_ref[...]
    bits = _threefry_bits(ctr)
    o_ref[...] = jnp.where(bits >= 0, v_ref[...] * 2.0, 0.0)


def _tc_call(values):
    vals = values.reshape(_N_ROWS, _UNITS)
    return pl.pallas_call(
        _tc_body,
        grid=(_TC_ROWS // _ROWS_PER_BLOCK,),
        in_specs=[pl.BlockSpec((_ROWS_PER_BLOCK, _UNITS), lambda i: (i, 0))],
        out_specs=pl.BlockSpec((_ROWS_PER_BLOCK, _UNITS), lambda i: (i, 0)),
        out_shape=jax.ShapeDtypeStruct((_N_ROWS, _UNITS), jnp.float32),
        scratch_shapes=[pltpu.VMEM((_ROWS_PER_BLOCK, _UNITS), jnp.int32)],
        compiler_params=pltpu.CompilerParams(
            dimension_semantics=("arbitrary",)),
    )(vals)


def _sc_kernel_body(v_hbm, out_hbm, vin0, vin1, vout0, vout1,
                    si0, si1, so0, so1):
    wid = lax.axis_index("s") * 2 + lax.axis_index("c")
    wbase = wid * _PER_W

    def in_cp(c, buf, sem):
        off = _SC_BASE + wbase + c * _CHUNK
        return pltpu.make_async_copy(v_hbm.at[pl.ds(off, _CHUNK)], buf, sem)

    def out_cp(c, buf, sem):
        off = wbase + c * _CHUNK
        return pltpu.make_async_copy(buf, out_hbm.at[pl.ds(off, _CHUNK)], sem)

    def compute(vin, vout, c):
        base_ctr = _SC_BASE + wbase + c * _CHUNK + _KS[1]

        @plsc.parallel_loop(0, _CHUNK, 16 * _UNROLL)
        def vec_body(s_loc):
            iota = lax.iota(jnp.int32, 16)
            for u in range(_UNROLL):
                ctr = iota + (base_ctr + s_loc + u * 16)
                bits = _threefry_bits(ctr)
                sl = pl.ds(s_loc + u * 16, 16)
                vout[sl] = jnp.where(bits >= 0, vin[sl] * 2.0, 0.0)

    in_cp(0, vin0, si0).start()

    def pair_body(it, _):
        c0 = 2 * it
        c1 = c0 + 1
        in_cp(c1, vin1, si1).start()
        in_cp(c0, vin0, si0).wait()

        @pl.when(it > 0)
        def _():
            out_cp(c0 - 2, vout0, so0).wait()

        compute(vin0, vout0, c0)
        out_cp(c0, vout0, so0).start()

        @pl.when(it + 1 < _N_PAIR)
        def _():
            in_cp(c0 + 2, vin0, si0).start()

        in_cp(c1, vin1, si1).wait()

        @pl.when(it > 0)
        def _():
            out_cp(c1 - 2, vout1, so1).wait()

        compute(vin1, vout1, c1)
        out_cp(c1, vout1, so1).start()
        return 0

    lax.fori_loop(0, _N_PAIR, pair_body, 0)
    out_cp(_N_CHUNK - 2, vout0, so0).wait()
    out_cp(_N_CHUNK - 1, vout1, so1).wait()


def _sc_call(values):
    mesh = plsc.VectorSubcoreMesh(core_axis_name="c", subcore_axis_name="s")
    k = functools.partial(
        pl.kernel,
        mesh=mesh,
        out_type=jax.ShapeDtypeStruct((_SC_ELEMS,), jnp.float32),
        scratch_types=[
            pltpu.VMEM((_CHUNK,), jnp.float32),
            pltpu.VMEM((_CHUNK,), jnp.float32),
            pltpu.VMEM((_CHUNK,), jnp.float32),
            pltpu.VMEM((_CHUNK,), jnp.float32),
            pltpu.SemaphoreType.DMA,
            pltpu.SemaphoreType.DMA,
            pltpu.SemaphoreType.DMA,
            pltpu.SemaphoreType.DMA,
        ],
    )(_sc_kernel_body)
    return k(values)


def kernel(values, indices):
    del indices
    tc_out = _tc_call(values)
    sc_out = _sc_call(values)
    return lax.dynamic_update_slice(tc_out.reshape(-1), sc_out, (_SC_BASE,))

# --- scband reference (transcript-rebuilt; emitter-appended) ---
"""Pipeline reference for scband-feature-dropout-layer-63170378989804 (READ-ONLY COPY).

The authoritative reference and input builder live on the scoring server;
editing this copy changes nothing except your own understanding.
"""

import jax, jax.numpy as jnp
import numpy as np

UNITS_IN = 128
UNITS_OUT = 128
DROPOUT_RATE = 0.5
NNZ = 160000
N_NODES = 10000

def setup_inputs(seed: int = 0) -> dict:
    key = jax.random.key(seed)
    k1, k2 = jax.random.split(key)
    values = jax.random.normal(k1, (NNZ * UNITS_IN,), dtype=jnp.float32)
    indices = jax.random.randint(k2, (NNZ, 2), 0, N_NODES, dtype=jnp.int32)
    return {"values": values, "indices": indices}

def reference(values, indices):
    # FeatureDropoutLayer.get_output on table_0: reshape flat values to [-1, units_in],
    # apply (inverted) dropout with rate, flatten back. indices/shape pass through unchanged.
    vals = values.reshape(-1, UNITS_IN)
    keep_prob = 1.0 - DROPOUT_RATE
    mask = jax.random.bernoulli(jax.random.key(42), p=keep_prob, shape=vals.shape)
    vals = jnp.where(mask, vals / keep_prob, jnp.zeros_like(vals))
    out_values = vals.reshape(-1)
    return out_values

if __name__ == "__main__":
    import jax
    _d = setup_inputs()
    print(jax.jit(kernel)(*tuple(_d.values())))

</pallas_src>

<mosaic_0001>
#map = affine_map<(d0, d1) -> (0)>
module attributes {stable_mosaic.version = 14 : i64} {
  func.func @_sc_kernel_body(%arg0: i32, %arg1: i32, %arg2: memref<20480000xf32, #tpu.memory_space<hbm>>, %arg3: memref<5242880xf32, #tpu.memory_space<hbm>>, %arg4: memref<20480xf32, #tpu.memory_space<vmem>>, %arg5: memref<20480xf32, #tpu.memory_space<vmem>>, %arg6: memref<20480xf32, #tpu.memory_space<vmem>>, %arg7: memref<20480xf32, #tpu.memory_space<vmem>>, %arg8: memref<!tpu.dma_semaphore, #tpu.memory_space<semaphore_mem>>, %arg9: memref<!tpu.dma_semaphore, #tpu.memory_space<semaphore_mem>>, %arg10: memref<!tpu.dma_semaphore, #tpu.memory_space<semaphore_mem>>, %arg11: memref<!tpu.dma_semaphore, #tpu.memory_space<semaphore_mem>>) attributes {dimension_semantics = [#tpu.dimension_semantics<core_parallel>, #tpu.dimension_semantics<subcore_parallel>], iteration_bounds = array<i64: 2, 16>, scalar_prefetch = 0 : i64, scratch_operands = 8 : i64, tpu.core_type = #tpu.core_type<sc_vector_subcore>, window_params = [{transform_indices = #map}, {transform_indices = #map}]} {
    %mul3A = arith.constant 2 : i32
    %mul3A_0 = arith.muli %arg1, %mul3A : i32
    %add3A = arith.addi %mul3A_0, %arg0 : i32
    %mul3A_1 = arith.constant 163840 : i32
    %mul3A_2 = arith.muli %add3A, %mul3A_1 : i32
    %add3A_3 = arith.constant 15237120 : i32
    %add3A_4 = arith.addi %add3A_3, %mul3A_2 : i32
    %add3A_5 = arith.constant 0 : i32
    %add3A_6 = arith.addi %add3A_4, %add3A_5 : i32
    %dma_start3A = tpu.memref_slice %arg2[%add3A_6] : memref<20480000xf32, #tpu.memory_space<hbm>> -> memref<20480xf32, #tpu.memory_space<hbm>>
    %dma_start3A_7 = tpu.memref_slice %arg2[%add3A_6] : memref<20480000xf32, #tpu.memory_space<hbm>> -> memref<20480xf32, #tpu.memory_space<hbm>>
    tpu.enqueue_dma source(%dma_start3A_7 : memref<20480xf32, #tpu.memory_space<hbm>>) target(%arg4 : memref<20480xf32, #tpu.memory_space<vmem>>) target_semaphore(%arg8 : memref<!tpu.dma_semaphore, #tpu.memory_space<semaphore_mem>>)
    %scan3A = arith.constant 0 : i32
    %scan3A_8 = arith.constant 0 : i32
    %scan3A_9 = arith.constant 4 : i32
    %scan3A_10 = arith.addi %scan3A_8, %scan3A_9 : i32
    %scan3A_11 = arith.constant 1 : i32
    %scan3A_12 = scf.for %scan3A_21 = %scan3A_8 to %scan3A_10 step %scan3A_11 iter_args(%scan3A_22 = %scan3A) -> (i32)  : i32 {
      %mul3A_23 = arith.constant 2 : i32
      %mul3A_24 = arith.muli %mul3A_23, %scan3A_21 : i32
      %add3A_25 = arith.constant 1 : i32
      %add3A_26 = arith.addi %mul3A_24, %add3A_25 : i32
      %add3A_27 = arith.constant 15237120 : i32
      %add3A_28 = arith.addi %add3A_27, %mul3A_2 : i32
      %mul3A_29 = arith.constant 20480 : i32
      %mul3A_30 = arith.muli %add3A_26, %mul3A_29 : i32
      %add3A_31 = arith.addi %add3A_28, %mul3A_30 : i32
      %dma_start3A_32 = tpu.memref_slice %arg2[%add3A_31] : memref<20480000xf32, #tpu.memory_space<hbm>> -> memref<20480xf32, #tpu.memory_space<hbm>>
      %dma_start3A_33 = tpu.memref_slice %arg2[%add3A_31] : memref<20480000xf32, #tpu.memory_space<hbm>> -> memref<20480xf32, #tpu.memory_space<hbm>>
      tpu.enqueue_dma source(%dma_start3A_33 : memref<20480xf32, #tpu.memory_space<hbm>>) target(%arg5 : memref<20480xf32, #tpu.memory_space<vmem>>) target_semaphore(%arg9 : memref<!tpu.dma_semaphore, #tpu.memory_space<semaphore_mem>>)
      %add3A_34 = arith.constant 15237120 : i32
      %add3A_35 = arith.addi %add3A_34, %mul3A_2 : i32
      %mul3A_36 = arith.constant 20480 : i32
      %mul3A_37 = arith.muli %mul3A_24, %mul3A_36 : i32
      %add3A_38 = arith.addi %add3A_35, %mul3A_37 : i32
      %dma_wait3A_39 = tpu.memref_slice %arg2[%add3A_38] : memref<20480000xf32, #tpu.memory_space<hbm>> -> memref<20480xf32, #tpu.memory_space<hbm>>
      %dma_wait3A_40 = tpu.memref_slice %arg2[%add3A_38] : memref<20480000xf32, #tpu.memory_space<hbm>> -> memref<20480xf32, #tpu.memory_space<hbm>>
      tpu.wait_dma2 semaphore(%arg8 : memref<!tpu.dma_semaphore, #tpu.memory_space<semaphore_mem>>) src(%dma_wait3A_40 : memref<20480xf32, #tpu.memory_space<hbm>>) dst(%arg4 : memref<20480xf32, #tpu.memory_space<vmem>>)
      %gt3A = arith.constant 0 : i32
      %gt3A_41 = arith.cmpi sgt, %scan3A_21, %gt3A : i32
      %convert_element_type3A = arith.extui %gt3A_41 : i1 to i32
      %cond3A = arith.constant 0 : i32
      %cond3A_42 = arith.cmpi ne, %convert_element_type3A, %cond3A : i32
      scf.if %cond3A_42 {
        %sub3A = arith.constant 2 : i32
        %sub3A_91 = arith.subi %mul3A_24, %sub3A : i32
        %mul3A_92 = arith.constant 20480 : i32
        %mul3A_93 = arith.muli %sub3A_91, %mul3A_92 : i32
        %add3A_94 = arith.addi %mul3A_2, %mul3A_93 : i32
        %dma_wait3A_95 = tpu.memref_slice %arg3[%add3A_94] : memref<5242880xf32, #tpu.memory_space<hbm>> -> memref<20480xf32, #tpu.memory_space<hbm>>
        %dma_wait3A_96 = tpu.memref_slice %arg3[%add3A_94] : memref<5242880xf32, #tpu.memory_space<hbm>> -> memref<20480xf32, #tpu.memory_space<hbm>>
        tpu.wait_dma2 semaphore(%arg10 : memref<!tpu.dma_semaphore, #tpu.memory_space<semaphore_mem>>) src(%arg6 : memref<20480xf32, #tpu.memory_space<vmem>>) dst(%dma_wait3A_96 : memref<20480xf32, #tpu.memory_space<hbm>>)
      } else {
      }
      %add3A_43 = arith.constant 15237120 : i32
      %add3A_44 = arith.addi %add3A_43, %mul3A_2 : i32
      %mul3A_45 = arith.constant 20480 : i32
      %mul3A_46 = arith.muli %mul3A_24, %mul3A_45 : i32
      %add3A_47 = arith.addi %add3A_44, %mul3A_46 : i32
      %add3A_48 = arith.constant 42 : i32
      %add3A_49 = arith.addi %add3A_47, %add3A_48 : i32
      %parallel_loop3A = arith.constant 0 : i32
      %parallel_loop3A_50 = arith.constant 20480 : i32
      %parallel_loop3A_51 = arith.constant 64 : i32
      scf.for %parallel_loop3A_91 = %parallel_loop3A to %parallel_loop3A_50 step %parallel_loop3A_51  : i32 {
        %parallel_loop3A_92 = tpu.iota {dimensions = array<i32: 0>} : vector<16xi32>
        %parallel_loop3A_93 = arith.addi %add3A_49, %parallel_loop3A_91 : i32
        %parallel_loop3A_94 = arith.constant 0 : i32
        %parallel_loop3A_95 = arith.addi %parallel_loop3A_93, %parallel_loop3A_94 : i32
        %parallel_loop3A_96 = vector.broadcast %parallel_loop3A_95 : i32 to vector<16xi32>
        %parallel_loop3A_97 = arith.addi %parallel_loop3A_92, %parallel_loop3A_96 : vector<16xi32>
        %parallel_loop3A_98 = arith.constant 13 : i32
        %parallel_loop3A_99 = vector.broadcast %parallel_loop3A_98 : i32 to vector<16xi32>
        %parallel_loop3A_100 = arith.shli %parallel_loop3A_97, %parallel_loop3A_99 : vector<16xi32>
        %parallel_loop3A_101 = arith.constant 19 : i32
        %parallel_loop3A_102 = vector.broadcast %parallel_loop3A_101 : i32 to vector<16xi32>
        %parallel_loop3A_103 = arith.shrui %parallel_loop3A_97, %parallel_loop3A_102 : vector<16xi32>
        %parallel_loop3A_104 = arith.ori %parallel_loop3A_100, %parallel_loop3A_103 : vector<16xi32>
        %parallel_loop3A_105 = arith.xori %parallel_loop3A_104, %parallel_loop3A_97 : vector<16xi32>
        %parallel_loop3A_106 = arith.addi %parallel_loop3A_97, %parallel_loop3A_105 : vector<16xi32>
        %parallel_loop3A_107 = arith.constant 15 : i32
        %parallel_loop3A_108 = vector.broadcast %parallel_loop3A_107 : i32 to vector<16xi32>
        %parallel_loop3A_109 = arith.shli %parallel_loop3A_105, %parallel_loop3A_108 : vector<16xi32>
        %parallel_loop3A_110 = arith.constant 17 : i32
        %parallel_loop3A_111 = vector.broadcast %parallel_loop3A_110 : i32 to vector<16xi32>
        %parallel_loop3A_112 = arith.shrui %parallel_loop3A_105, %parallel_loop3A_111 : vector<16xi32>
        %parallel_loop3A_113 = arith.ori %parallel_loop3A_109, %parallel_loop3A_112 : vector<16xi32>
        %parallel_loop3A_114 = arith.xori %parallel_loop3A_113, %parallel_loop3A_106 : vector<16xi32>
        %parallel_loop3A_115 = arith.addi %parallel_loop3A_106, %parallel_loop3A_114 : vector<16xi32>
        %parallel_loop3A_116 = arith.constant 26 : i32
        %parallel_loop3A_117 = vector.broadcast %parallel_loop3A_116 : i32 to vector<16xi32>
        %parallel_loop3A_118 = arith.shli %parallel_loop3A_114, %parallel_loop3A_117 : vector<16xi32>
        %parallel_loop3A_119 = arith.constant 6 : i32
        %parallel_loop3A_120 = vector.broadcast %parallel_loop3A_119 : i32 to vector<16xi32>
        %parallel_loop3A_121 = arith.shrui %parallel_loop3A_114, %parallel_loop3A_120 : vector<16xi32>
        %parallel_loop3A_122 = arith.ori %parallel_loop3A_118, %parallel_loop3A_121 : vector<16xi32>
        %parallel_loop3A_123 = arith.xori %parallel_loop3A_122, %parallel_loop3A_115 : vector<16xi32>
        %parallel_loop3A_124 = arith.addi %parallel_loop3A_115, %parallel_loop3A_123 : vector<16xi32>
        %parallel_loop3A_125 = arith.constant 6 : i32
        %parallel_loop3A_126 = vector.broadcast %parallel_loop3A_125 : i32 to vector<16xi32>
        %parallel_loop3A_127 = arith.shli %parallel_loop3A_123, %parallel_loop3A_126 : vector<16xi32>
        %parallel_loop3A_128 = arith.constant 26 : i32
        %parallel_loop3A_129 = vector.broadcast %parallel_loop3A_128 : i32 to vector<16xi32>
        %parallel_loop3A_130 = arith.shrui %parallel_loop3A_123, %parallel_loop3A_129 : vector<16xi32>
        %parallel_loop3A_131 = arith.ori %parallel_loop3A_127, %parallel_loop3A_130 : vector<16xi32>
        %parallel_loop3A_132 = arith.xori %parallel_loop3A_131, %parallel_loop3A_124 : vector<16xi32>
        %parallel_loop3A_133 = arith.constant 42 : i32
        %parallel_loop3A_134 = vector.broadcast %parallel_loop3A_133 : i32 to vector<16xi32>
        %parallel_loop3A_135 = arith.addi %parallel_loop3A_124, %parallel_loop3A_134 : vector<16xi32>
        %parallel_loop3A_136 = arith.constant 466689009 : i32
        %parallel_loop3A_137 = vector.broadcast %parallel_loop3A_136 : i32 to vector<16xi32>
        %parallel_loop3A_138 = arith.addi %parallel_loop3A_132, %parallel_loop3A_137 : vector<16xi32>
        %parallel_loop3A_139 = arith.addi %parallel_loop3A_135, %parallel_loop3A_138 : vector<16xi32>
        %parallel_loop3A_140 = arith.constant 17 : i32
        %parallel_loop3A_141 = vector.broadcast %parallel_loop3A_140 : i32 to vector<16xi32>
        %parallel_loop3A_142 = arith.shli %parallel_loop3A_138, %parallel_loop3A_141 : vector<16xi32>
        %parallel_loop3A_143 = arith.constant 15 : i32
        %parallel_loop3A_144 = vector.broadcast %parallel_loop3A_143 : i32 to vector<16xi32>
        %parallel_loop3A_145 = arith.shrui %parallel_loop3A_138, %parallel_loop3A_144 : vector<16xi32>
        %parallel_loop3A_146 = arith.ori %parallel_loop3A_142, %parallel_loop3A_145 : vector<16xi32>
        %parallel_loop3A_147 = arith.xori %parallel_loop3A_146, %parallel_loop3A_139 : vector<16xi32>
        %parallel_loop3A_148 = arith.addi %parallel_loop3A_139, %parallel_loop3A_147 : vector<16xi32>
        %parallel_loop3A_149 = arith.constant 29 : i32
        %parallel_loop3A_150 = vector.broadcast %parallel_loop3A_149 : i32 to vector<16xi32>
        %parallel_loop3A_151 = arith.shli %parallel_loop3A_147, %parallel_loop3A_150 : vector<16xi32>
        %parallel_loop3A_152 = arith.constant 3 : i32
        %parallel_loop3A_153 = vector.broadcast %parallel_loop3A_152 : i32 to vector<16xi32>
        %parallel_loop3A_154 = arith.shrui %parallel_loop3A_147, %parallel_loop3A_153 : vector<16xi32>
        %parallel_loop3A_155 = arith.ori %parallel_loop3A_151, %parallel_loop3A_154 : vector<16xi32>
        %parallel_loop3A_156 = arith.xori %parallel_loop3A_155, %parallel_loop3A_148 : vector<16xi32>
        %parallel_loop3A_157 = arith.addi %parallel_loop3A_148, %parallel_loop3A_156 : vector<16xi32>
        %parallel_loop3A_158 = arith.constant 16 : i32
        %parallel_loop3A_159 = vector.broadcast %parallel_loop3A_158 : i32 to vector<16xi32>
        %parallel_loop3A_160 = arith.shli %parallel_loop3A_156, %parallel_loop3A_159 : vector<16xi32>
        %parallel_loop3A_161 = arith.constant 16 : i32
        %parallel_loop3A_162 = vector.broadcast %parallel_loop3A_161 : i32 to vector<16xi32>
        %parallel_loop3A_163 = arith.shrui %parallel_loop3A_156, %parallel_loop3A_162 : vector<16xi32>
        %parallel_loop3A_164 = arith.ori %parallel_loop3A_160, %parallel_loop3A_163 : vector<16xi32>
        %parallel_loop3A_165 = arith.xori %parallel_loop3A_164, %parallel_loop3A_157 : vector<16xi32>
        %parallel_loop3A_166 = arith.addi %parallel_loop3A_157, %parallel_loop3A_165 : vector<16xi32>
        %parallel_loop3A_167 = arith.constant 24 : i32
        %parallel_loop3A_168 = vector.broadcast %parallel_loop3A_167 : i32 to vector<16xi32>
        %parallel_loop3A_169 = arith.shli %parallel_loop3A_165, %parallel_loop3A_168 : vector<16xi32>
        %parallel_loop3A_170 = arith.constant 8 : i32
        %parallel_loop3A_171 = vector.broadcast %parallel_loop3A_170 : i32 to vector<16xi32>
        %parallel_loop3A_172 = arith.shrui %parallel_loop3A_165, %parallel_loop3A_171 : vector<16xi32>
        %parallel_loop3A_173 = arith.ori %parallel_loop3A_169, %parallel_loop3A_172 : vector<16xi32>
        %parallel_loop3A_174 = arith.xori %parallel_loop3A_173, %parallel_loop3A_166 : vector<16xi32>
        %parallel_loop3A_175 = arith.constant 466689008 : i32
        %parallel_loop3A_176 = vector.broadcast %parallel_loop3A_175 : i32 to vector<16xi32>
        %parallel_loop3A_177 = arith.addi %parallel_loop3A_166, %parallel_loop3A_176 : vector<16xi32>
        %parallel_loop3A_178 = arith.constant 2 : i32
        %parallel_loop3A_179 = vector.broadcast %parallel_loop3A_178 : i32 to vector<16xi32>
        %parallel_loop3A_180 = arith.addi %parallel_loop3A_174, %parallel_loop3A_179 : vector<16xi32>
        %parallel_loop3A_181 = arith.addi %parallel_loop3A_177, %parallel_loop3A_180 : vector<16xi32>
        %parallel_loop3A_182 = arith.constant 13 : i32
        %parallel_loop3A_183 = vector.broadcast %parallel_loop3A_182 : i32 to vector<16xi32>
        %parallel_loop3A_184 = arith.shli %parallel_loop3A_180, %parallel_loop3A_183 : vector<16xi32>
        %parallel_loop3A_185 = arith.constant 19 : i32
        %parallel_loop3A_186 = vector.broadcast %parallel_loop3A_185 : i32 to vector<16xi32>
        %parallel_loop3A_187 = arith.shrui %parallel_loop3A_180, %parallel_loop3A_186 : vector<16xi32>
        %parallel_loop3A_188 = arith.ori %parallel_loop3A_184, %parallel_loop3A_187 : vector<16xi32>
        %parallel_loop3A_189 = arith.xori %parallel_loop3A_188, %parallel_loop3A_181 : vector<16xi32>
        %parallel_loop3A_190 = arith.addi %parallel_loop3A_181, %parallel_loop3A_189 : vector<16xi32>
        %parallel_loop3A_191 = arith.constant 15 : i32
        %parallel_loop3A_192 = vector.broadcast %parallel_loop3A_191 : i32 to vector<16xi32>
        %parallel_loop3A_193 = arith.shli %parallel_loop3A_189, %parallel_loop3A_192 : vector<16xi32>
        %parallel_loop3A_194 = arith.constant 17 : i32
        %parallel_loop3A_195 = vector.broadcast %parallel_loop3A_194 : i32 to vector<16xi32>
        %parallel_loop3A_196 = arith.shrui %parallel_loop3A_189, %parallel_loop3A_195 : vector<16xi32>
        %parallel_loop3A_197 = arith.ori %parallel_loop3A_193, %parallel_loop3A_196 : vector<16xi32>
        %parallel_loop3A_198 = arith.xori %parallel_loop3A_197, %parallel_loop3A_190 : vector<16xi32>
        %parallel_loop3A_199 = arith.addi %parallel_loop3A_190, %parallel_loop3A_198 : vector<16xi32>
        %parallel_loop3A_200 = arith.constant 26 : i32
        %parallel_loop3A_201 = vector.broadcast %parallel_loop3A_200 : i32 to vector<16xi32>
        %parallel_loop3A_202 = arith.shli %parallel_loop3A_198, %parallel_loop3A_201 : vector<16xi32>
        %parallel_loop3A_203 = arith.constant 6 : i32
        %parallel_loop3A_204 = vector.broadcast %parallel_loop3A_203 : i32 to vector<16xi32>
        %parallel_loop3A_205 = arith.shrui %parallel_loop3A_198, %parallel_loop3A_204 : vector<16xi32>
        %parallel_loop3A_206 = arith.ori %parallel_loop3A_202, %parallel_loop3A_205 : vector<16xi32>
        %parallel_loop3A_207 = arith.xori %parallel_loop3A_206, %parallel_loop3A_199 : vector<16xi32>
        %parallel_loop3A_208 = arith.addi %parallel_loop3A_199, %parallel_loop3A_207 : vector<16xi32>
        %parallel_loop3A_209 = arith.constant 6 : i32
        %parallel_loop3A_210 = vector.broadcast %parallel_loop3A_209 : i32 to vector<16xi32>
        %parallel_loop3A_211 = arith.shli %parallel_loop3A_207, %parallel_loop3A_210 : vector<16xi32>
        %parallel_loop3A_212 = arith.constant 26 : i32
        %parallel_loop3A_213 = vector.broadcast %parallel_loop3A_212 : i32 to vector<16xi32>
        %parallel_loop3A_214 = arith.shrui %parallel_loop3A_207, %parallel_loop3A_213 : vector<16xi32>
        %parallel_loop3A_215 = arith.ori %parallel_loop3A_211, %parallel_loop3A_214 : vector<16xi32>
        %parallel_loop3A_216 = arith.xori %parallel_loop3A_215, %parallel_loop3A_208 : vector<16xi32>
        %parallel_loop3A_217 = arith.constant 0 : i32
        %parallel_loop3A_218 = vector.broadcast %parallel_loop3A_217 : i32 to vector<16xi32>
        %parallel_loop3A_219 = arith.addi %parallel_loop3A_208, %parallel_loop3A_218 : vector<16xi32>
        %parallel_loop3A_220 = arith.constant 45 : i32
        %parallel_loop3A_221 = vector.broadcast %parallel_loop3A_220 : i32 to vector<16xi32>
        %parallel_loop3A_222 = arith.addi %parallel_loop3A_216, %parallel_loop3A_221 : vector<16xi32>
        %parallel_loop3A_223 = arith.addi %parallel_loop3A_219, %parallel_loop3A_222 : vector<16xi32>
        %parallel_loop3A_224 = arith.constant 17 : i32
        %parallel_loop3A_225 = vector.broadcast %parallel_loop3A_224 : i32 to vector<16xi32>
        %parallel_loop3A_226 = arith.shli %parallel_loop3A_222, %parallel_loop3A_225 : vector<16xi32>
        %parallel_loop3A_227 = arith.constant 15 : i32
        %parallel_loop3A_228 = vector.broadcast %parallel_loop3A_227 : i32 to vector<16xi32>
        %parallel_loop3A_229 = arith.shrui %parallel_loop3A_222, %parallel_loop3A_228 : vector<16xi32>
        %parallel_loop3A_230 = arith.ori %parallel_loop3A_226, %parallel_loop3A_229 : vector<16xi32>
        %parallel_loop3A_231 = arith.xori %parallel_loop3A_230, %parallel_loop3A_223 : vector<16xi32>
        %parallel_loop3A_232 = arith.addi %parallel_loop3A_223, %parallel_loop3A_231 : vector<16xi32>
        %parallel_loop3A_233 = arith.constant 29 : i32
        %parallel_loop3A_234 = vector.broadcast %parallel_loop3A_233 : i32 to vector<16xi32>
        %parallel_loop3A_235 = arith.shli %parallel_loop3A_231, %parallel_loop3A_234 : vector<16xi32>
        %parallel_loop3A_236 = arith.constant 3 : i32
        %parallel_loop3A_237 = vector.broadcast %parallel_loop3A_236 : i32 to vector<16xi32>
        %parallel_loop3A_238 = arith.shrui %parallel_loop3A_231, %parallel_loop3A_237 : vector<16xi32>
        %parallel_loop3A_239 = arith.ori %parallel_loop3A_235, %parallel_loop3A_238 : vector<16xi32>
        %parallel_loop3A_240 = arith.xori %parallel_loop3A_239, %parallel_loop3A_232 : vector<16xi32>
        %parallel_loop3A_241 = arith.addi %parallel_loop3A_232, %parallel_loop3A_240 : vector<16xi32>
        %parallel_loop3A_242 = arith.constant 16 : i32
        %parallel_loop3A_243 = vector.broadcast %parallel_loop3A_242 : i32 to vector<16xi32>
        %parallel_loop3A_244 = arith.shli %parallel_loop3A_240, %parallel_loop3A_243 : vector<16xi32>
        %parallel_loop3A_245 = arith.constant 16 : i32
        %parallel_loop3A_246 = vector.broadcast %parallel_loop3A_245 : i32 to vector<16xi32>
        %parallel_loop3A_247 = arith.shrui %parallel_loop3A_240, %parallel_loop3A_246 : vector<16xi32>
        %parallel_loop3A_248 = arith.ori %parallel_loop3A_244, %parallel_loop3A_247 : vector<16xi32>
        %parallel_loop3A_249 = arith.xori %parallel_loop3A_248, %parallel_loop3A_241 : vector<16xi32>
        %parallel_loop3A_250 = arith.addi %parallel_loop3A_241, %parallel_loop3A_249 : vector<16xi32>
        %parallel_loop3A_251 = arith.constant 24 : i32
        %parallel_loop3A_252 = vector.broadcast %parallel_loop3A_251 : i32 to vector<16xi32>
        %parallel_loop3A_253 = arith.shli %parallel_loop3A_249, %parallel_loop3A_252 : vector<16xi32>
        %parallel_loop3A_254 = arith.constant 8 : i32
        %parallel_loop3A_255 = vector.broadcast %parallel_loop3A_254 : i32 to vector<16xi32>
        %parallel_loop3A_256 = arith.shrui %parallel_loop3A_249, %parallel_loop3A_255 : vector<16xi32>
        %parallel_loop3A_257 = arith.ori %parallel_loop3A_253, %parallel_loop3A_256 : vector<16xi32>
        %parallel_loop3A_258 = arith.xori %parallel_loop3A_257, %parallel_loop3A_250 : vector<16xi32>
        %parallel_loop3A_259 = arith.constant 42 : i32
        %parallel_loop3A_260 = vector.broadcast %parallel_loop3A_259 : i32 to vector<16xi32>
        %parallel_loop3A_261 = arith.addi %parallel_loop3A_250, %parallel_loop3A_260 : vector<16xi32>
        %parallel_loop3A_262 = arith.constant 466689012 : i32
        %parallel_loop3A_263 = vector.broadcast %parallel_loop3A_262 : i32 to vector<16xi32>
        %parallel_loop3A_264 = arith.addi %parallel_loop3A_258, %parallel_loop3A_263 : vector<16xi32>
        %parallel_loop3A_265 = arith.addi %parallel_loop3A_261, %parallel_loop3A_264 : vector<16xi32>
        %parallel_loop3A_266 = arith.constant 13 : i32
        %parallel_loop3A_267 = vector.broadcast %parallel_loop3A_266 : i32 to vector<16xi32>
        %parallel_loop3A_268 = arith.shli %parallel_loop3A_264, %parallel_loop3A_267 : vector<16xi32>
        %parallel_loop3A_269 = arith.constant 19 : i32
        %parallel_loop3A_270 = vector.broadcast %parallel_loop3A_269 : i32 to vector<16xi32>
        %parallel_loop3A_271 = arith.shrui %parallel_loop3A_264, %parallel_loop3A_270 : vector<16xi32>
        %parallel_loop3A_272 = arith.ori %parallel_loop3A_268, %parallel_loop3A_271 : vector<16xi32>
        %parallel_loop3A_273 = arith.xori %parallel_loop3A_272, %parallel_loop3A_265 : vector<16xi32>
        %parallel_loop3A_274 = arith.addi %parallel_loop3A_265, %parallel_loop3A_273 : vector<16xi32>
        %parallel_loop3A_275 = arith.constant 15 : i32
        %parallel_loop3A_276 = vector.broadcast %parallel_loop3A_275 : i32 to vector<16xi32>
        %parallel_loop3A_277 = arith.shli %parallel_loop3A_273, %parallel_loop3A_276 : vector<16xi32>
        %parallel_loop3A_278 = arith.constant 17 : i32
        %parallel_loop3A_279 = vector.broadcast %parallel_loop3A_278 : i32 to vector<16xi32>
        %parallel_loop3A_280 = arith.shrui %parallel_loop3A_273, %parallel_loop3A_279 : vector<16xi32>
        %parallel_loop3A_281 = arith.ori %parallel_loop3A_277, %parallel_loop3A_280 : vector<16xi32>
        %parallel_loop3A_282 = arith.xori %parallel_loop3A_281, %parallel_loop3A_274 : vector<16xi32>
        %parallel_loop3A_283 = arith.addi %parallel_loop3A_274, %parallel_loop3A_282 : vector<16xi32>
        %parallel_loop3A_284 = arith.constant 26 : i32
        %parallel_loop3A_285 = vector.broadcast %parallel_loop3A_284 : i32 to vector<16xi32>
        %parallel_loop3A_286 = arith.shli %parallel_loop3A_282, %parallel_loop3A_285 : vector<16xi32>
        %parallel_loop3A_287 = arith.constant 6 : i32
        %parallel_loop3A_288 = vector.broadcast %parallel_loop3A_287 : i32 to vector<16xi32>
        %parallel_loop3A_289 = arith.shrui %parallel_loop3A_282, %parallel_loop3A_288 : vector<16xi32>
        %parallel_loop3A_290 = arith.ori %parallel_loop3A_286, %parallel_loop3A_289 : vector<16xi32>
        %parallel_loop3A_291 = arith.xori %parallel_loop3A_290, %parallel_loop3A_283 : vector<16xi32>
        %parallel_loop3A_292 = arith.addi %parallel_loop3A_283, %parallel_loop3A_291 : vector<16xi32>
        %parallel_loop3A_293 = arith.constant 6 : i32
        %parallel_loop3A_294 = vector.broadcast %parallel_loop3A_293 : i32 to vector<16xi32>
        %parallel_loop3A_295 = arith.shli %parallel_loop3A_291, %parallel_loop3A_294 : vector<16xi32>
        %parallel_loop3A_296 = arith.constant 26 : i32
        %parallel_loop3A_297 = vector.broadcast %parallel_loop3A_296 : i32 to vector<16xi32>
        %parallel_loop3A_298 = arith.shrui %parallel_loop3A_291, %parallel_loop3A_297 : vector<16xi32>
        %parallel_loop3A_299 = arith.ori %parallel_loop3A_295, %parallel_loop3A_298 : vector<16xi32>
        %parallel_loop3A_300 = arith.xori %parallel_loop3A_299, %parallel_loop3A_292 : vector<16xi32>
        %parallel_loop3A_301 = arith.constant 466689008 : i32
        %parallel_loop3A_302 = vector.broadcast %parallel_loop3A_301 : i32 to vector<16xi32>
        %parallel_loop3A_303 = arith.addi %parallel_loop3A_292, %parallel_loop3A_302 : vector<16xi32>
        %parallel_loop3A_304 = arith.constant 5 : i32
        %parallel_loop3A_305 = vector.broadcast %parallel_loop3A_304 : i32 to vector<16xi32>
        %parallel_loop3A_306 = arith.addi %parallel_loop3A_300, %parallel_loop3A_305 : vector<16xi32>
        %parallel_loop3A_307 = arith.xori %parallel_loop3A_303, %parallel_loop3A_306 : vector<16xi32>
        %parallel_loop3A_308 = arith.constant 0 : i32
        %parallel_loop3A_309 = arith.addi %parallel_loop3A_91, %parallel_loop3A_308 : i32
        %parallel_loop3A_310 = arith.constant 0 : i32
        %parallel_loop3A_311 = vector.broadcast %parallel_loop3A_310 : i32 to vector<16xi32>
        %parallel_loop3A_312 = arith.cmpi sge, %parallel_loop3A_307, %parallel_loop3A_311 : vector<16xi32>
        %parallel_loop3A_313 = arith.index_cast %parallel_loop3A_309 : i32 to index
        %parallel_loop3A_314 = tpu.vector_load %arg4[%parallel_loop3A_313] {strides = array<i32>} : memref<20480xf32, #tpu.memory_space<vmem>>, vector<16xf32>,
        %parallel_loop3A_315 = vector.shape_cast %parallel_loop3A_314 : vector<16xf32> to vector<16xf32>
        %parallel_loop3A_316 = arith.constant 2.000000e+00 : f32
        %parallel_loop3A_317 = vector.broadcast %parallel_loop3A_316 : f32 to vector<16xf32>
        %parallel_loop3A_318 = arith.mulf %parallel_loop3A_315, %parallel_loop3A_317 : vector<16xf32>
        %parallel_loop3A_319 = arith.constant 0.000000e+00 : f32
        %parallel_loop3A_320 = vector.broadcast %parallel_loop3A_319 : f32 to vector<16xf32>
        %parallel_loop3A_321 = arith.select %parallel_loop3A_312, %parallel_loop3A_318, %parallel_loop3A_320 : vector<16xi1>, vector<16xf32>
        %parallel_loop3A_322 = arith.index_cast %parallel_loop3A_309 : i32 to index
        %parallel_loop3A_323 = tpu.vector_load %arg6[%parallel_loop3A_322] {strides = array<i32>} : memref<20480xf32, #tpu.memory_space<vmem>>, vector<16xf32>,
        %parallel_loop3A_324 = vector.shape_cast %parallel_loop3A_323 : vector<16xf32> to vector<16xf32>
        %parallel_loop3A_325 = vector.shape_cast %parallel_loop3A_321 : vector<16xf32> to vector<16xf32>
        tpu.vector_store %arg6[%parallel_loop3A_322], %parallel_loop3A_325 {strides = array<i32>} : memref<20480xf32, #tpu.memory_space<vmem>>, vector<16xf32>,
        %parallel_loop3A_326 = arith.addi %add3A_49, %parallel_loop3A_91 : i32
        %parallel_loop3A_327 = arith.constant 16 : i32
        %parallel_loop3A_328 = arith.addi %parallel_loop3A_326, %parallel_loop3A_327 : i32
        %parallel_loop3A_329 = vector.broadcast %parallel_loop3A_328 : i32 to vector<16xi32>
        %parallel_loop3A_330 = arith.addi %parallel_loop3A_92, %parallel_loop3A_329 : vector<16xi32>
        %parallel_loop3A_331 = arith.constant 13 : i32
        %parallel_loop3A_332 = vector.broadcast %parallel_loop3A_331 : i32 to vector<16xi32>
        %parallel_loop3A_333 = arith.shli %parallel_loop3A_330, %parallel_loop3A_332 : vector<16xi32>
        %parallel_loop3A_334 = arith.constant 19 : i32
        %parallel_loop3A_335 = vector.broadcast %parallel_loop3A_334 : i32 to vector<16xi32>
        %parallel_loop3A_336 = arith.shrui %parallel_loop3A_330, %parallel_loop3A_335 : vector<16xi32>
        %parallel_loop3A_337 = arith.ori %parallel_loop3A_333, %parallel_loop3A_336 : vector<16xi32>
        %parallel_loop3A_338 = arith.xori %parallel_loop3A_337, %parallel_loop3A_330 : vector<16xi32>
        %parallel_loop3A_339 = arith.addi %parallel_loop3A_330, %parallel_loop3A_338 : vector<16xi32>
        %parallel_loop3A_340 = arith.constant 15 : i32
        %parallel_loop3A_341 = vector.broadcast %parallel_loop3A_340 : i32 to vector<16xi32>
        %parallel_loop3A_342 = arith.shli %parallel_loop3A_338, %parallel_loop3A_341 : vector<16xi32>
        %parallel_loop3A_343 = arith.constant 17 : i32
        %parallel_loop3A_344 = vector.broadcast %parallel_loop3A_343 : i32 to vector<16xi32>
        %parallel_loop3A_345 = arith.shrui %parallel_loop3A_338, %parallel_loop3A_344 : vector<16xi32>
        %parallel_loop3A_346 = arith.ori %parallel_loop3A_342, %parallel_loop3A_345 : vector<16xi32>
        %parallel_loop3A_347 = arith.xori %parallel_loop3A_346, %parallel_loop3A_339 : vector<16xi32>
        %parallel_loop3A_348 = arith.addi %parallel_loop3A_339, %parallel_loop3A_347 : vector<16xi32>
        %parallel_loop3A_349 = arith.constant 26 : i32
        %parallel_loop3A_350 = vector.broadcast %parallel_loop3A_349 : i32 to vector<16xi32>
        %parallel_loop3A_351 = arith.shli %parallel_loop3A_347, %parallel_loop3A_350 : vector<16xi32>
        %parallel_loop3A_352 = arith.constant 6 : i32
        %parallel_loop3A_353 = vector.broadcast %parallel_loop3A_352 : i32 to vector<16xi32>
        %parallel_loop3A_354 = arith.shrui %parallel_loop3A_347, %parallel_loop3A_353 : vector<16xi32>
        %parallel_loop3A_355 = arith.ori %parallel_loop3A_351, %parallel_loop3A_354 : vector<16xi32>
        %parallel_loop3A_356 = arith.xori %parallel_loop3A_355, %parallel_loop3A_348 : vector<16xi32>
        %parallel_loop3A_357 = arith.addi %parallel_loop3A_348, %parallel_loop3A_356 : vector<16xi32>
        %parallel_loop3A_358 = arith.constant 6 : i32
        %parallel_loop3A_359 = vector.broadcast %parallel_loop3A_358 : i32 to vector<16xi32>
        %parallel_loop3A_360 = arith.shli %parallel_loop3A_356, %parallel_loop3A_359 : vector<16xi32>
        %parallel_loop3A_361 = arith.constant 26 : i32
        %parallel_loop3A_362 = vector.broadcast %parallel_loop3A_361 : i32 to vector<16xi32>
        %parallel_loop3A_363 = arith.shrui %parallel_loop3A_356, %parallel_loop3A_362 : vector<16xi32>
        %parallel_loop3A_364 = arith.ori %parallel_loop3A_360, %parallel_loop3A_363 : vector<16xi32>
        %parallel_loop3A_365 = arith.xori %parallel_loop3A_364, %parallel_loop3A_357 : vector<16xi32>
        %parallel_loop3A_366 = arith.constant 42 : i32
        %parallel_loop3A_367 = vector.broadcast %parallel_loop3A_366 : i32 to vector<16xi32>
        %parallel_loop3A_368 = arith.addi %parallel_loop3A_357, %parallel_loop3A_367 : vector<16xi32>
        %parallel_loop3A_369 = arith.constant 466689009 : i32
        %parallel_loop3A_370 = vector.broadcast %parallel_loop3A_369 : i32 to vector<16xi32>
        %parallel_loop3A_371 = arith.addi %parallel_loop3A_365, %parallel_loop3A_370 : vector<16xi32>
        %parallel_loop3A_372 = arith.addi %parallel_loop3A_368, %parallel_loop3A_371 : vector<16xi32>
        %parallel_loop3A_373 = arith.constant 17 : i32
        %parallel_loop3A_374 = vector.broadcast %parallel_loop3A_373 : i32 to vector<16xi32>
        %parallel_loop3A_375 = arith.shli %parallel_loop3A_371, %parallel_loop3A_374 : vector<16xi32>
        %parallel_loop3A_376 = arith.constant 15 : i32
        %parallel_loop3A_377 = vector.broadcast %parallel_loop3A_376 : i32 to vector<16xi32>
        %parallel_loop3A_378 = arith.shrui %parallel_loop3A_371, %parallel_loop3A_377 : vector<16xi32>
        %parallel_loop3A_379 = arith.ori %parallel_loop3A_375, %parallel_loop3A_378 : vector<16xi32>
        %parallel_loop3A_380 = arith.xori %parallel_loop3A_379, %parallel_loop3A_372 : vector<16xi32>
        %parallel_loop3A_381 = arith.addi %parallel_loop3A_372, %parallel_loop3A_380 : vector<16xi32>
        %parallel_loop3A_382 = arith.constant 29 : i32
        %parallel_loop3A_383 = vector.broadcast %parallel_loop3A_382 : i32 to vector<16xi32>
        %parallel_loop3A_384 = arith.shli %parallel_loop3A_380, %parallel_loop3A_383 : vector<16xi32>
        %parallel_loop3A_385 = arith.constant 3 : i32
        %parallel_loop3A_386 = vector.broadcast %parallel_loop3A_385 : i32 to vector<16xi32>
        %parallel_loop3A_387 = arith.shrui %parallel_loop3A_380, %parallel_loop3A_386 : vector<16xi32>
        %parallel_loop3A_388 = arith.ori %parallel_loop3A_384, %parallel_loop3A_387 : vector<16xi32>
        %parallel_loop3A_389 = arith.xori %parallel_loop3A_388, %parallel_loop3A_381 : vector<16xi32>
        %parallel_loop3A_390 = arith.addi %parallel_loop3A_381, %parallel_loop3A_389 : vector<16xi32>
        %parallel_loop3A_391 = arith.constant 16 : i32
        %parallel_loop3A_392 = vector.broadcast %parallel_loop3A_391 : i32 to vector<16xi32>
        %parallel_loop3A_393 = arith.shli %parallel_loop3A_389, %parallel_loop3A_392 : vector<16xi32>
        %parallel_loop3A_394 = arith.constant 16 : i32
        %parallel_loop3A_395 = vector.broadcast %parallel_loop3A_394 : i32 to vector<16xi32>
        %parallel_loop3A_396 = arith.shrui %parallel_loop3A_389, %parallel_loop3A_395 : vector<16xi32>
        %parallel_loop3A_397 = arith.ori %parallel_loop3A_393, %parallel_loop3A_396 : vector<16xi32>
        %parallel_loop3A_398 = arith.xori %parallel_loop3A_397, %parallel_loop3A_390 : vector<16xi32>
        %parallel_loop3A_399 = arith.addi %parallel_loop3A_390, %parallel_loop3A_398 : vector<16xi32>
        %parallel_loop3A_400 = arith.constant 24 : i32
        %parallel_loop3A_401 = vector.broadcast %parallel_loop3A_400 : i32 to vector<16xi32>
        %parallel_loop3A_402 = arith.shli %parallel_loop3A_398, %parallel_loop3A_401 : vector<16xi32>
        %parallel_loop3A_403 = arith.constant 8 : i32
        %parallel_loop3A_404 = vector.broadcast %parallel_loop3A_403 : i32 to vector<16xi32>
        %parallel_loop3A_405 = arith.shrui %parallel_loop3A_398, %parallel_loop3A_404 : vector<16xi32>
        %parallel_loop3A_406 = arith.ori %parallel_loop3A_402, %parallel_loop3A_405 : vector<16xi32>
        %parallel_loop3A_407 = arith.xori %parallel_loop3A_406, %parallel_loop3A_399 : vector<16xi32>
        %parallel_loop3A_408 = arith.constant 466689008 : i32
        %parallel_loop3A_409 = vector.broadcast %parallel_loop3A_408 : i32 to vector<16xi32>
        %parallel_loop3A_410 = arith.addi %parallel_loop3A_399, %parallel_loop3A_409 : vector<16xi32>
        %parallel_loop3A_411 = arith.constant 2 : i32
        %parallel_loop3A_412 = vector.broadcast %parallel_loop3A_411 : i32 to vector<16xi32>
        %parallel_loop3A_413 = arith.addi %parallel_loop3A_407, %parallel_loop3A_412 : vector<16xi32>
        %parallel_loop3A_414 = arith.addi %parallel_loop3A_410, %parallel_loop3A_413 : vector<16xi32>
        %parallel_loop3A_415 = arith.constant 13 : i32
        %parallel_loop3A_416 = vector.broadcast %parallel_loop3A_415 : i32 to vector<16xi32>
        %parallel_loop3A_417 = arith.shli %parallel_loop3A_413, %parallel_loop3A_416 : vector<16xi32>
        %parallel_loop3A_418 = arith.constant 19 : i32
        %parallel_loop3A_419 = vector.broadcast %parallel_loop3A_418 : i32 to vector<16xi32>
        %parallel_loop3A_420 = arith.shrui %parallel_loop3A_413, %parallel_loop3A_419 : vector<16xi32>
        %parallel_loop3A_421 = arith.ori %parallel_loop3A_417, %parallel_loop3A_420 : vector<16xi32>
        %parallel_loop3A_422 = arith.xori %parallel_loop3A_421, %parallel_loop3A_414 : vector<16xi32>
        %parallel_loop3A_423 = arith.addi %parallel_loop3A_414, %parallel_loop3A_422 : vector<16xi32>
        %parallel_loop3A_424 = arith.constant 15 : i32
        %parallel_loop3A_425 = vector.broadcast %parallel_loop3A_424 : i32 to vector<16xi32>
        %parallel_loop3A_426 = arith.shli %parallel_loop3A_422, %parallel_loop3A_425 : vector<16xi32>
        %parallel_loop3A_427 = arith.constant 17 : i32
        %parallel_loop3A_428 = vector.broadcast %parallel_loop3A_427 : i32 to vector<16xi32>
        %parallel_loop3A_429 = arith.shrui %parallel_loop3A_422, %parallel_loop3A_428 : vector<16xi32>
        %parallel_loop3A_430 = arith.ori %parallel_loop3A_426, %parallel_loop3A_429 : vector<16xi32>
        %parallel_loop3A_431 = arith.xori %parallel_loop3A_430, %parallel_loop3A_423 : vector<16xi32>
        %parallel_loop3A_432 = arith.addi %parallel_loop3A_423, %parallel_loop3A_431 : vector<16xi32>
        %parallel_loop3A_433 = arith.constant 26 : i32
        %parallel_loop3A_434 = vector.broadcast %parallel_loop3A_433 : i32 to vector<16xi32>
        %parallel_loop3A_435 = arith.shli %parallel_loop3A_431, %parallel_loop3A_434 : vector<16xi32>
        %parallel_loop3A_436 = arith.constant 6 : i32
        %parallel_loop3A_437 = vector.broadcast %parallel_loop3A_436 : i32 to vector<16xi32>
        %parallel_loop3A_438 = arith.shrui %parallel_loop3A_431, %parallel_loop3A_437 : vector<16xi32>
        %parallel_loop3A_439 = arith.ori %parallel_loop3A_435, %parallel_loop3A_438 : vector<16xi32>
        %parallel_loop3A_440 = arith.xori %parallel_loop3A_439, %parallel_loop3A_432 : vector<16xi32>
        %parallel_loop3A_441 = arith.addi %parallel_loop3A_432, %parallel_loop3A_440 : vector<16xi32>
        %parallel_loop3A_442 = arith.constant 6 : i32
        %parallel_loop3A_443 = vector.broadcast %parallel_loop3A_442 : i32 to vector<16xi32>
        %parallel_loop3A_444 = arith.shli %parallel_loop3A_440, %parallel_loop3A_443 : vector<16xi32>
        %parallel_loop3A_445 = arith.constant 26 : i32
        %parallel_loop3A_446 = vector.broadcast %parallel_loop3A_445 : i32 to vector<16xi32>
        %parallel_loop3A_447 = arith.shrui %parallel_loop3A_440, %parallel_loop3A_446 : vector<16xi32>
        %parallel_loop3A_448 = arith.ori %parallel_loop3A_444, %parallel_loop3A_447 : vector<16xi32>
        %parallel_loop3A_449 = arith.xori %parallel_loop3A_448, %parallel_loop3A_441 : vector<16xi32>
        %parallel_loop3A_450 = arith.constant 0 : i32
        %parallel_loop3A_451 = vector.broadcast %parallel_loop3A_450 : i32 to vector<16xi32>
        %parallel_loop3A_452 = arith.addi %parallel_loop3A_441, %parallel_loop3A_451 : vector<16xi32>
        %parallel_loop3A_453 = arith.constant 45 : i32
        %parallel_loop3A_454 = vector.broadcast %parallel_loop3A_453 : i32 to vector<16xi32>
        %parallel_loop3A_455 = arith.addi %parallel_loop3A_449, %parallel_loop3A_454 : vector<16xi32>
        %parallel_loop3A_456 = arith.addi %parallel_loop3A_452, %parallel_loop3A_455 : vector<16xi32>
        %parallel_loop3A_457 = arith.constant 17 : i32
        %parallel_loop3A_458 = vector.broadcast %parallel_loop3A_457 : i32 to vector<16xi32>
        %parallel_loop3A_459 = arith.shli %parallel_loop3A_455, %parallel_loop3A_458 : vector<16xi32>
        %parallel_loop3A_460 = arith.constant 15 : i32
        %parallel_loop3A_461 = vector.broadcast %parallel_loop3A_460 : i32 to vector<16xi32>
        %parallel_loop3A_462 = arith.shrui %parallel_loop3A_455, %parallel_loop3A_461 : vector<16xi32>
        %parallel_loop3A_463 = arith.ori %parallel_loop3A_459, %parallel_loop3A_462 : vector<16xi32>
        %parallel_loop3A_464 = arith.xori %parallel_loop3A_463, %parallel_loop3A_456 : vector<16xi32>
        %parallel_loop3A_465 = arith.addi %parallel_loop3A_456, %parallel_loop3A_464 : vector<16xi32>
        %parallel_loop3A_466 = arith.constant 29 : i32
        %parallel_loop3A_467 = vector.broadcast %parallel_loop3A_466 : i32 to vector<16xi32>
        %parallel_loop3A_468 = arith.shli %parallel_loop3A_464, %parallel_loop3A_467 : vector<16xi32>
        %parallel_loop3A_469 = arith.constant 3 : i32
        %parallel_loop3A_470 = vector.broadcast %parallel_loop3A_469 : i32 to vector<16xi32>
        %parallel_loop3A_471 = arith.shrui %parallel_loop3A_464, %parallel_loop3A_470 : vector<16xi32>
        %parallel_loop3A_472 = arith.ori %parallel_loop3A_468, %parallel_loop3A_471 : vector<16xi32>
        %parallel_loop3A_473 = arith.xori %parallel_loop3A_472, %parallel_loop3A_465 : vector<16xi32>
        %parallel_loop3A_474 = arith.addi %parallel_loop3A_465, %parallel_loop3A_473 : vector<16xi32>
        %parallel_loop3A_475 = arith.constant 16 : i32
        %parallel_loop3A_476 = vector.broadcast %parallel_loop3A_475 : i32 to vector<16xi32>
        %parallel_loop3A_477 = arith.shli %parallel_loop3A_473, %parallel_loop3A_476 : vector<16xi32>
        %parallel_loop3A_478 = arith.constant 16 : i32
        %parallel_loop3A_479 = vector.broadcast %parallel_loop3A_478 : i32 to vector<16xi32>
        %parallel_loop3A_480 = arith.shrui %parallel_loop3A_473, %parallel_loop3A_479 : vector<16xi32>
        %parallel_loop3A_481 = arith.ori %parallel_loop3A_477, %parallel_loop3A_480 : vector<16xi32>
        %parallel_loop3A_482 = arith.xori %parallel_loop3A_481, %parallel_loop3A_474 : vector<16xi32>
        %parallel_loop3A_483 = arith.addi %parallel_loop3A_474, %parallel_loop3A_482 : vector<16xi32>
        %parallel_loop3A_484 = arith.constant 24 : i32
        %parallel_loop3A_485 = vector.broadcast %parallel_loop3A_484 : i32 to vector<16xi32>
        %parallel_loop3A_486 = arith.shli %parallel_loop3A_482, %parallel_loop3A_485 : vector<16xi32>
        %parallel_loop3A_487 = arith.constant 8 : i32
        %parallel_loop3A_488 = vector.broadcast %parallel_loop3A_487 : i32 to vector<16xi32>
        %parallel_loop3A_489 = arith.shrui %parallel_loop3A_482, %parallel_loop3A_488 : vector<16xi32>
        %parallel_loop3A_490 = arith.ori %parallel_loop3A_486, %parallel_loop3A_489 : vector<16xi32>
        %parallel_loop3A_491 = arith.xori %parallel_loop3A_490, %parallel_loop3A_483 : vector<16xi32>
        %parallel_loop3A_492 = arith.constant 42 : i32
        %parallel_loop3A_493 = vector.broadcast %parallel_loop3A_492 : i32 to vector<16xi32>
        %parallel_loop3A_494 = arith.addi %parallel_loop3A_483, %parallel_loop3A_493 : vector<16xi32>
        %parallel_loop3A_495 = arith.constant 466689012 : i32
        %parallel_loop3A_496 = vector.broadcast %parallel_loop3A_495 : i32 to vector<16xi32>
        %parallel_loop3A_497 = arith.addi %parallel_loop3A_491, %parallel_loop3A_496 : vector<16xi32>
        %parallel_loop3A_498 = arith.addi %parallel_loop3A_494, %parallel_loop3A_497 : vector<16xi32>
        %parallel_loop3A_499 = arith.constant 13 : i32
        %parallel_loop3A_500 = vector.broadcast %parallel_loop3A_499 : i32 to vector<16xi32>
        %parallel_loop3A_501 = arith.shli %parallel_loop3A_497, %parallel_loop3A_500 : vector<16xi32>
        %parallel_loop3A_502 = arith.constant 19 : i32
        %parallel_loop3A_503 = vector.broadcast %parallel_loop3A_502 : i32 to vector<16xi32>
        %parallel_loop3A_504 = arith.shrui %parallel_loop3A_497, %parallel_loop3A_503 : vector<16xi32>
        %parallel_loop3A_505 = arith.ori %parallel_loop3A_501, %parallel_loop3A_504 : vector<16xi32>
        %parallel_loop3A_506 = arith.xori %parallel_loop3A_505, %parallel_loop3A_498 : vector<16xi32>
        %parallel_loop3A_507 = arith.addi %parallel_loop3A_498, %parallel_loop3A_506 : vector<16xi32>
        %parallel_loop3A_508 = arith.constant 15 : i32
        %parallel_loop3A_509 = vector.broadcast %parallel_loop3A_508 : i32 to vector<16xi32>
        %parallel_loop3A_510 = arith.shli %parallel_loop3A_506, %parallel_loop3A_509 : vector<16xi32>
        %parallel_loop3A_511 = arith.constant 17 : i32
        %parallel_loop3A_512 = vector.broadcast %parallel_loop3A_511 : i32 to vector<16xi32>
        %parallel_loop3A_513 = arith.shrui %parallel_loop3A_506, %parallel_loop3A_512 : vector<16xi32>
        %parallel_loop3A_514 = arith.ori %parallel_loop3A_510, %parallel_loop3A_513 : vector<16xi32>
        %parallel_loop3A_515 = arith.xori %parallel_loop3A_514, %parallel_loop3A_507 : vector<16xi32>
        %parallel_loop3A_516 = arith.addi %parallel_loop3A_507, %parallel_loop3A_515 : vector<16xi32>
        %parallel_loop3A_517 = arith.constant 26 : i32
        %parallel_loop3A_518 = vector.broadcast %parallel_loop3A_517 : i32 to vector<16xi32>
        %parallel_loop3A_519 = arith.shli %parallel_loop3A_515, %parallel_loop3A_518 : vector<16xi32>
        %parallel_loop3A_520 = arith.constant 6 : i32
        %parallel_loop3A_521 = vector.broadcast %parallel_loop3A_520 : i32 to vector<16xi32>
        %parallel_loop3A_522 = arith.shrui %parallel_loop3A_515, %parallel_loop3A_521 : vector<16xi32>
        %parallel_loop3A_523 = arith.ori %parallel_loop3A_519, %parallel_loop3A_522 : vector<16xi32>
        %parallel_loop3A_524 = arith.xori %parallel_loop3A_523, %parallel_loop3A_516 : vector<16xi32>
        %parallel_loop3A_525 = arith.addi %parallel_loop3A_516, %parallel_loop3A_524 : vector<16xi32>
        %parallel_loop3A_526 = arith.constant 6 : i32
        %parallel_loop3A_527 = vector.broadcast %parallel_loop3A_526 : i32 to vector<16xi32>
        %parallel_loop3A_528 = arith.shli %parallel_loop3A_524, %parallel_loop3A_527 : vector<16xi32>
        %parallel_loop3A_529 = arith.constant 26 : i32
        %parallel_loop3A_530 = vector.broadcast %parallel_loop3A_529 : i32 to vector<16xi32>
        %parallel_loop3A_531 = arith.shrui %parallel_loop3A_524, %parallel_loop3A_530 : vector<16xi32>
        %parallel_loop3A_532 = arith.ori %parallel_loop3A_528, %parallel_loop3A_531 : vector<16xi32>
        %parallel_loop3A_533 = arith.xori %parallel_loop3A_532, %parallel_loop3A_525 : vector<16xi32>
        %parallel_loop3A_534 = arith.constant 466689008 : i32
        %parallel_loop3A_535 = vector.broadcast %parallel_loop3A_534 : i32 to vector<16xi32>
        %parallel_loop3A_536 = arith.addi %parallel_loop3A_525, %parallel_loop3A_535 : vector<16xi32>
        %parallel_loop3A_537 = arith.constant 5 : i32
        %parallel_loop3A_538 = vector.broadcast %parallel_loop3A_537 : i32 to vector<16xi32>
        %parallel_loop3A_539 = arith.addi %parallel_loop3A_533, %parallel_loop3A_538 : vector<16xi32>
        %parallel_loop3A_540 = arith.xori %parallel_loop3A_536, %parallel_loop3A_539 : vector<16xi32>
        %parallel_loop3A_541 = arith.constant 16 : i32
        %parallel_loop3A_542 = arith.addi %parallel_loop3A_91, %parallel_loop3A_541 : i32
        %parallel_loop3A_543 = arith.constant 0 : i32
        %parallel_loop3A_544 = vector.broadcast %parallel_loop3A_543 : i32 to vector<16xi32>
        %parallel_loop3A_545 = arith.cmpi sge, %parallel_loop3A_540, %parallel_loop3A_544 : vector<16xi32>
        %parallel_loop3A_546 = arith.index_cast %parallel_loop3A_542 : i32 to index
        %parallel_loop3A_547 = tpu.vector_load %arg4[%parallel_loop3A_546] {strides = array<i32>} : memref<20480xf32, #tpu.memory_space<vmem>>, vector<16xf32>,
        %parallel_loop3A_548 = vector.shape_cast %parallel_loop3A_547 : vector<16xf32> to vector<16xf32>
        %parallel_loop3A_549 = arith.constant 2.000000e+00 : f32
        %parallel_loop3A_550 = vector.broadcast %parallel_loop3A_549 : f32 to vector<16xf32>
        %parallel_loop3A_551 = arith.mulf %parallel_loop3A_548, %parallel_loop3A_550 : vector<16xf32>
        %parallel_loop3A_552 = arith.constant 0.000000e+00 : f32
        %parallel_loop3A_553 = vector.broadcast %parallel_loop3A_552 : f32 to vector<16xf32>
        %parallel_loop3A_554 = arith.select %parallel_loop3A_545, %parallel_loop3A_551, %parallel_loop3A_553 : vector<16xi1>, vector<16xf32>
        %parallel_loop3A_555 = arith.index_cast %parallel_loop3A_542 : i32 to index
        %parallel_loop3A_556 = tpu.vector_load %arg6[%parallel_loop3A_555] {strides = array<i32>} : memref<20480xf32, #tpu.memory_space<vmem>>, vector<16xf32>,
        %parallel_loop3A_557 = vector.shape_cast %parallel_loop3A_556 : vector<16xf32> to vector<16xf32>
        %parallel_loop3A_558 = vector.shape_cast %parallel_loop3A_554 : vector<16xf32> to vector<16xf32>
        tpu.vector_store %arg6[%parallel_loop3A_555], %parallel_loop3A_558 {strides = array<i32>} : memref<20480xf32, #tpu.memory_space<vmem>>, vector<16xf32>,
        %parallel_loop3A_559 = arith.addi %add3A_49, %parallel_loop3A_91 : i32
        %parallel_loop3A_560 = arith.constant 32 : i32
        %parallel_loop3A_561 = arith.addi %parallel_loop3A_559, %parallel_loop3A_560 : i32
        %parallel_loop3A_562 = vector.broadcast %parallel_loop3A_561 : i32 to vector<16xi32>
        %parallel_loop3A_563 = arith.addi %parallel_loop3A_92, %parallel_loop3A_562 : vector<16xi32>
        %parallel_loop3A_564 = arith.constant 13 : i32
        %parallel_loop3A_565 = vector.broadcast %parallel_loop3A_564 : i32 to vector<16xi32>
        %parallel_loop3A_566 = arith.shli %parallel_loop3A_563, %parallel_loop3A_565 : vector<16xi32>
        %parallel_loop3A_567 = arith.constant 19 : i32
        %parallel_loop3A_568 = vector.broadcast %parallel_loop3A_567 : i32 to vector<16xi32>
        %parallel_loop3A_569 = arith.shrui %parallel_loop3A_563, %parallel_loop3A_568 : vector<16xi32>
        %parallel_loop3A_570 = arith.ori %parallel_loop3A_566, %parallel_loop3A_569 : vector<16xi32>
        %parallel_loop3A_571 = arith.xori %parallel_loop3A_570, %parallel_loop3A_563 : vector<16xi32>
        %parallel_loop3A_572 = arith.addi %parallel_loop3A_563, %parallel_loop3A_571 : vector<16xi32>
        %parallel_loop3A_573 = arith.constant 15 : i32
        %parallel_loop3A_574 = vector.broadcast %parallel_loop3A_573 : i32 to vector<16xi32>
        %parallel_loop3A_575 = arith.shli %parallel_loop3A_571, %parallel_loop3A_574 : vector<16xi32>
        %parallel_loop3A_576 = arith.constant 17 : i32
        %parallel_loop3A_577 = vector.broadcast %parallel_loop3A_576 : i32 to vector<16xi32>
        %parallel_loop3A_578 = arith.shrui %parallel_loop3A_571, %parallel_loop3A_577 : vector<16xi32>
        %parallel_loop3A_579 = arith.ori %parallel_loop3A_575, %parallel_loop3A_578 : vector<16xi32>
        %parallel_loop3A_580 = arith.xori %parallel_loop3A_579, %parallel_loop3A_572 : vector<16xi32>
        %parallel_loop3A_581 = arith.addi %parallel_loop3A_572, %parallel_loop3A_580 : vector<16xi32>
        %parallel_loop3A_582 = arith.constant 26 : i32
        %parallel_loop3A_583 = vector.broadcast %parallel_loop3A_582 : i32 to vector<16xi32>
        %parallel_loop3A_584 = arith.shli %parallel_loop3A_580, %parallel_loop3A_583 : vector<16xi32>
        %parallel_loop3A_585 = arith.constant 6 : i32
        %parallel_loop3A_586 = vector.broadcast %parallel_loop3A_585 : i32 to vector<16xi32>
        %parallel_loop3A_587 = arith.shrui %parallel_loop3A_580, %parallel_loop3A_586 : vector<16xi32>
        %parallel_loop3A_588 = arith.ori %parallel_loop3A_584, %parallel_loop3A_587 : vector<16xi32>
        %parallel_loop3A_589 = arith.xori %parallel_loop3A_588, %parallel_loop3A_581 : vector<16xi32>
        %parallel_loop3A_590 = arith.addi %parallel_loop3A_581, %parallel_loop3A_589 : vector<16xi32>
        %parallel_loop3A_591 = arith.constant 6 : i32
        %parallel_loop3A_592 = vector.broadcast %parallel_loop3A_591 : i32 to vector<16xi32>
        %parallel_loop3A_593 = arith.shli %parallel_loop3A_589, %parallel_loop3A_592 : vector<16xi32>
        %parallel_loop3A_594 = arith.constant 26 : i32
        %parallel_loop3A_595 = vector.broadcast %parallel_loop3A_594 : i32 to vector<16xi32>
        %parallel_loop3A_596 = arith.shrui %parallel_loop3A_589, %parallel_loop3A_595 : vector<16xi32>
        %parallel_loop3A_597 = arith.ori %parallel_loop3A_593, %parallel_loop3A_596 : vector<16xi32>
        %parallel_loop3A_598 = arith.xori %parallel_loop3A_597, %parallel_loop3A_590 : vector<16xi32>
        %parallel_loop3A_599 = arith.constant 42 : i32
        %parallel_loop3A_600 = vector.broadcast %parallel_loop3A_599 : i32 to vector<16xi32>
        %parallel_loop3A_601 = arith.addi %parallel_loop3A_590, %parallel_loop3A_600 : vector<16xi32>
        %parallel_loop3A_602 = arith.constant 466689009 : i32
        %parallel_loop3A_603 = vector.broadcast %parallel_loop3A_602 : i32 to vector<16xi32>
        %parallel_loop3A_604 = arith.addi %parallel_loop3A_598, %parallel_loop3A_603 : vector<16xi32>
        %parallel_loop3A_605 = arith.addi %parallel_loop3A_601, %parallel_loop3A_604 : vector<16xi32>
        %parallel_loop3A_606 = arith.constant 17 : i32
        %parallel_loop3A_607 = vector.broadcast %parallel_loop3A_606 : i32 to vector<16xi32>
        %parallel_loop3A_608 = arith.shli %parallel_loop3A_604, %parallel_loop3A_607 : vector<16xi32>
        %parallel_loop3A_609 = arith.constant 15 : i32
        %parallel_loop3A_610 = vector.broadcast %parallel_loop3A_609 : i32 to vector<16xi32>
        %parallel_loop3A_611 = arith.shrui %parallel_loop3A_604, %parallel_loop3A_610 : vector<16xi32>
        %parallel_loop3A_612 = arith.ori %parallel_loop3A_608, %parallel_loop3A_611 : vector<16xi32>
        %parallel_loop3A_613 = arith.xori %parallel_loop3A_612, %parallel_loop3A_605 : vector<16xi32>
        %parallel_loop3A_614 = arith.addi %parallel_loop3A_605, %parallel_loop3A_613 : vector<16xi32>
        %parallel_loop3A_615 = arith.constant 29 : i32
        %parallel_loop3A_616 = vector.broadcast %parallel_loop3A_615 : i32 to vector<16xi32>
        %parallel_loop3A_617 = arith.shli %parallel_loop3A_613, %parallel_loop3A_616 : vector<16xi32>
        %parallel_loop3A_618 = arith.constant 3 : i32
        %parallel_loop3A_619 = vector.broadcast %parallel_loop3A_618 : i32 to vector<16xi32>
        %parallel_loop3A_620 = arith.shrui %parallel_loop3A_613, %parallel_loop3A_619 : vector<16xi32>
        %parallel_loop3A_621 = arith.ori %parallel_loop3A_617, %parallel_loop3A_620 : vector<16xi32>
        %parallel_loop3A_622 = arith.xori %parallel_loop3A_621, %parallel_loop3A_614 : vector<16xi32>
        %parallel_loop3A_623 = arith.addi %parallel_loop3A_614, %parallel_loop3A_622 : vector<16xi32>
        %parallel_loop3A_624 = arith.constant 16 : i32
        %parallel_loop3A_625 = vector.broadcast %parallel_loop3A_624 : i32 to vector<16xi32>
        %parallel_loop3A_626 = arith.shli %parallel_loop3A_622, %parallel_loop3A_625 : vector<16xi32>
        %parallel_loop3A_627 = arith.constant 16 : i32
        %parallel_loop3A_628 = vector.broadcast %parallel_loop3A_627 : i32 to vector<16xi32>
        %parallel_loop3A_629 = arith.shrui %parallel_loop3A_622, %parallel_loop3A_628 : vector<16xi32>
        %parallel_loop3A_630 = arith.ori %parallel_loop3A_626, %parallel_loop3A_629 : vector<16xi32>
        %parallel_loop3A_631 = arith.xori %parallel_loop3A_630, %parallel_loop3A_623 : vector<16xi32>
        %parallel_loop3A_632 = arith.addi %parallel_loop3A_623, %parallel_loop3A_631 : vector<16xi32>
        %parallel_loop3A_633 = arith.constant 24 : i32
        %parallel_loop3A_634 = vector.broadcast %parallel_loop3A_633 : i32 to vector<16xi32>
        %parallel_loop3A_635 = arith.shli %parallel_loop3A_631, %parallel_loop3A_634 : vector<16xi32>
        %parallel_loop3A_636 = arith.constant 8 : i32
        %parallel_loop3A_637 = vector.broadcast %parallel_loop3A_636 : i32 to vector<16xi32>
        %parallel_loop3A_638 = arith.shrui %parallel_loop3A_631, %parallel_loop3A_637 : vector<16xi32>
        %parallel_loop3A_639 = arith.ori %parallel_loop3A_635, %parallel_loop3A_638 : vector<16xi32>
        %parallel_loop3A_640 = arith.xori %parallel_loop3A_639, %parallel_loop3A_632 : vector<16xi32>
        %parallel_loop3A_641 = arith.constant 466689008 : i32
        %parallel_loop3A_642 = vector.broadcast %parallel_loop3A_641 : i32 to vector<16xi32>
        %parallel_loop3A_643 = arith.addi %parallel_loop3A_632, %parallel_loop3A_642 : vector<16xi32>
        %parallel_loop3A_644 = arith.constant 2 : i32
        %parallel_loop3A_645 = vector.broadcast %parallel_loop3A_644 : i32 to vector<16xi32>
        %parallel_loop3A_646 = arith.addi %parallel_loop3A_640, %parallel_loop3A_645 : vector<16xi32>
        %parallel_loop3A_647 = arith.addi %parallel_loop3A_643, %parallel_loop3A_646 : vector<16xi32>
        %parallel_loop3A_648 = arith.constant 13 : i32
        %parallel_loop3A_649 = vector.broadcast %parallel_loop3A_648 : i32 to vector<16xi32>
        %parallel_loop3A_650 = arith.shli %parallel_loop3A_646, %parallel_loop3A_649 : vector<16xi32>
        %parallel_loop3A_651 = arith.constant 19 : i32
        %parallel_loop3A_652 = vector.broadcast %parallel_loop3A_651 : i32 to vector<16xi32>
        %parallel_loop3A_653 = arith.shrui %parallel_loop3A_646, %parallel_loop3A_652 : vector<16xi32>
        %parallel_loop3A_654 = arith.ori %parallel_loop3A_650, %parallel_loop3A_653 : vector<16xi32>
        %parallel_loop3A_655 = arith.xori %parallel_loop3A_654, %parallel_loop3A_647 : vector<16xi32>
        %parallel_loop3A_656 = arith.addi %parallel_loop3A_647, %parallel_loop3A_655 : vector<16xi32>
        %parallel_loop3A_657 = arith.constant 15 : i32
        %parallel_loop3A_658 = vector.broadcast %parallel_loop3A_657 : i32 to vector<16xi32>
        %parallel_loop3A_659 = arith.shli %parallel_loop3A_655, %parallel_loop3A_658 : vector<16xi32>
        %parallel_loop3A_660 = arith.constant 17 : i32
        %parallel_loop3A_661 = vector.broadcast %parallel_loop3A_660 : i32 to vector<16xi32>
        %parallel_loop3A_662 = arith.shrui %parallel_loop3A_655, %parallel_loop3A_661 : vector<16xi32>
        %parallel_loop3A_663 = arith.ori %parallel_loop3A_659, %parallel_loop3A_662 : vector<16xi32>
        %parallel_loop3A_664 = arith.xori %parallel_loop3A_663, %parallel_loop3A_656 : vector<16xi32>
        %parallel_loop3A_665 = arith.addi %parallel_loop3A_656, %parallel_loop3A_664 : vector<16xi32>
        %parallel_loop3A_666 = arith.constant 26 : i32
        %parallel_loop3A_667 = vector.broadcast %parallel_loop3A_666 : i32 to vector<16xi32>
        %parallel_loop3A_668 = arith.shli %parallel_loop3A_664, %parallel_loop3A_667 : vector<16xi32>
        %parallel_loop3A_669 = arith.constant 6 : i32
        %parallel_loop3A_670 = vector.broadcast %parallel_loop3A_669 : i32 to vector<16xi32>
        %parallel_loop3A_671 = arith.shrui %parallel_loop3A_664, %parallel_loop3A_670 : vector<16xi32>
        %parallel_loop3A_672 = arith.ori %parallel_loop3A_668, %parallel_loop3A_671 : vector<16xi32>
        %parallel_loop3A_673 = arith.xori %parallel_loop3A_672, %parallel_loop3A_665 : vector<16xi32>
        %parallel_loop3A_674 = arith.addi %parallel_loop3A_665, %parallel_loop3A_673 : vector<16xi32>
        %parallel_loop3A_675 = arith.constant 6 : i32
        %parallel_loop3A_676 = vector.broadcast %parallel_loop3A_675 : i32 to vector<16xi32>
        %parallel_loop3A_677 = arith.shli %parallel_loop3A_673, %parallel_loop3A_676 : vector<16xi32>
        %parallel_loop3A_678 = arith.constant 26 : i32
        %parallel_loop3A_679 = vector.broadcast %parallel_loop3A_678 : i32 to vector<16xi32>
        %parallel_loop3A_680 = arith.shrui %parallel_loop3A_673, %parallel_loop3A_679 : vector<16xi32>
        %parallel_loop3A_681 = arith.ori %parallel_loop3A_677, %parallel_loop3A_680 : vector<16xi32>
        %parallel_loop3A_682 = arith.xori %parallel_loop3A_681, %parallel_loop3A_674 : vector<16xi32>
        %parallel_loop3A_683 = arith.constant 0 : i32
        %parallel_loop3A_684 = vector.broadcast %parallel_loop3A_683 : i32 to vector<16xi32>
        %parallel_loop3A_685 = arith.addi %parallel_loop3A_674, %parallel_loop3A_684 : vector<16xi32>
        %parallel_loop3A_686 = arith.constant 45 : i32
        %parallel_loop3A_687 = vector.broadcast %parallel_loop3A_686 : i32 to vector<16xi32>
        %parallel_loop3A_688 = arith.addi %parallel_loop3A_682, %parallel_loop3A_687 : vector<16xi32>
        %parallel_loop3A_689 = arith.addi %parallel_loop3A_685, %parallel_loop3A_688 : vector<16xi32>
        %parallel_loop3A_690 = arith.constant 17 : i32
        %parallel_loop3A_691 = vector.broadcast %parallel_loop3A_690 : i32 to vector<16xi32>
        %parallel_loop3A_692 = arith.shli %parallel_loop3A_688, %parallel_loop3A_691 : vector<16xi32>
        %parallel_loop3A_693 = arith.constant 15 : i32
        %parallel_loop3A_694 = vector.broadcast %parallel_loop3A_693 : i32 to vector<16xi32>
        %parallel_loop3A_695 = arith.shrui %parallel_loop3A_688, %parallel_loop3A_694 : vector<16xi32>
        %parallel_loop3A_696 = arith.ori %parallel_loop3A_692, %parallel_loop3A_695 : vector<16xi32>
        %parallel_loop3A_697 = arith.xori %parallel_loop3A_696, %parallel_loop3A_689 : vector<16xi32>
        %parallel_loop3A_698 = arith.addi %parallel_loop3A_689, %parallel_loop3A_697 : vector<16xi32>
        %parallel_loop3A_699 = arith.constant 29 : i32
        %parallel_loop3A_700 = vector.broadcast %parallel_loop3A_699 : i32 to vector<16xi32>
        %parallel_loop3A_701 = arith.shli %parallel_loop3A_697, %parallel_loop3A_700 : vector<16xi32>
        %parallel_loop3A_702 = arith.constant 3 : i32
        %parallel_loop3A_703 = vector.broadcast %parallel_loop3A_702 : i32 to vector<16xi32>
        %parallel_loop3A_704 = arith.shrui %parallel_loop3A_697, %parallel_loop3A_703 : vector<16xi32>
        %parallel_loop3A_705 = arith.ori %parallel_loop3A_701, %parallel_loop3A_704 : vector<16xi32>
        %parallel_loop3A_706 = arith.xori %parallel_loop3A_705, %parallel_loop3A_698 : vector<16xi32>
        %parallel_loop3A_707 = arith.addi %parallel_loop3A_698, %parallel_loop3A_706 : vector<16xi32>
        %parallel_loop3A_708 = arith.constant 16 : i32
        %parallel_loop3A_709 = vector.broadcast %parallel_loop3A_708 : i32 to vector<16xi32>
        %parallel_loop3A_710 = arith.shli %parallel_loop3A_706, %parallel_loop3A_709 : vector<16xi32>
        %parallel_loop3A_711 = arith.constant 16 : i32
        %parallel_loop3A_712 = vector.broadcast %parallel_loop3A_711 : i32 to vector<16xi32>
        %parallel_loop3A_713 = arith.shrui %parallel_loop3A_706, %parallel_loop3A_712 : vector<16xi32>
        %parallel_loop3A_714 = arith.ori %parallel_loop3A_710, %parallel_loop3A_713 : vector<16xi32>
        %parallel_loop3A_715 = arith.xori %parallel_loop3A_714, %parallel_loop3A_707 : vector<16xi32>
        %parallel_loop3A_716 = arith.addi %parallel_loop3A_707, %parallel_loop3A_715 : vector<16xi32>
        %parallel_loop3A_717 = arith.constant 24 : i32
        %parallel_loop3A_718 = vector.broadcast %parallel_loop3A_717 : i32 to vector<16xi32>
        %parallel_loop3A_719 = arith.shli %parallel_loop3A_715, %parallel_loop3A_718 : vector<16xi32>
        %parallel_loop3A_720 = arith.constant 8 : i32
        %parallel_loop3A_721 = vector.broadcast %parallel_loop3A_720 : i32 to vector<16xi32>
        %parallel_loop3A_722 = arith.shrui %parallel_loop3A_715, %parallel_loop3A_721 : vector<16xi32>
        %parallel_loop3A_723 = arith.ori %parallel_loop3A_719, %parallel_loop3A_722 : vector<16xi32>
        %parallel_loop3A_724 = arith.xori %parallel_loop3A_723, %parallel_loop3A_716 : vector<16xi32>
        %parallel_loop3A_725 = arith.constant 42 : i32
        %parallel_loop3A_726 = vector.broadcast %parallel_loop3A_725 : i32 to vector<16xi32>
        %parallel_loop3A_727 = arith.addi %parallel_loop3A_716, %parallel_loop3A_726 : vector<16xi32>
        %parallel_loop3A_728 = arith.constant 466689012 : i32
        %parallel_loop3A_729 = vector.broadcast %parallel_loop3A_728 : i32 to vector<16xi32>
        %parallel_loop3A_730 = arith.addi %parallel_loop3A_724, %parallel_loop3A_729 : vector<16xi32>
        %parallel_loop3A_731 = arith.addi %parallel_loop3A_727, %parallel_loop3A_730 : vector<16xi32>
        %parallel_loop3A_732 = arith.constant 13 : i32
        %parallel_loop3A_733 = vector.broadcast %parallel_loop3A_732 : i32 to vector<16xi32>
        %parallel_loop3A_734 = arith.shli %parallel_loop3A_730, %parallel_loop3A_733 : vector<16xi32>
        %parallel_loop3A_735 = arith.constant 19 : i32
        %parallel_loop3A_736 = vector.broadcast %parallel_loop3A_735 : i32 to vector<16xi32>
        %parallel_loop3A_737 = arith.shrui %parallel_loop3A_730, %parallel_loop3A_736 : vector<16xi32>
        %parallel_loop3A_738 = arith.ori %parallel_loop3A_734, %parallel_loop3A_737 : vector<16xi32>
        %parallel_loop3A_739 = arith.xori %parallel_loop3A_738, %parallel_loop3A_731 : vector<16xi32>
        %parallel_loop3A_740 = arith.addi %parallel_loop3A_731, %parallel_loop3A_739 : vector<16xi32>
        %parallel_loop3A_741 = arith.constant 15 : i32
        %parallel_loop3A_742 = vector.broadcast %parallel_loop3A_741 : i32 to vector<16xi32>
        %parallel_loop3A_743 = arith.shli %parallel_loop3A_739, %parallel_loop3A_742 : vector<16xi32>
        %parallel_loop3A_744 = arith.constant 17 : i32
        %parallel_loop3A_745 = vector.broadcast %parallel_loop3A_744 : i32 to vector<16xi32>
        %parallel_loop3A_746 = arith.shrui %parallel_loop3A_739, %parallel_loop3A_745 : vector<16xi32>
        %parallel_loop3A_747 = arith.ori %parallel_loop3A_743, %parallel_loop3A_746 : vector<16xi32>
        %parallel_loop3A_748 = arith.xori %parallel_loop3A_747, %parallel_loop3A_740 : vector<16xi32>
        %parallel_loop3A_749 = arith.addi %parallel_loop3A_740, %parallel_loop3A_748 : vector<16xi32>
        %parallel_loop3A_750 = arith.constant 26 : i32
        %parallel_loop3A_751 = vector.broadcast %parallel_loop3A_750 : i32 to vector<16xi32>
        %parallel_loop3A_752 = arith.shli %parallel_loop3A_748, %parallel_loop3A_751 : vector<16xi32>
        %parallel_loop3A_753 = arith.constant 6 : i32
        %parallel_loop3A_754 = vector.broadcast %parallel_loop3A_753 : i32 to vector<16xi32>
        %parallel_loop3A_755 = arith.shrui %parallel_loop3A_748, %parallel_loop3A_754 : vector<16xi32>
        %parallel_loop3A_756 = arith.ori %parallel_loop3A_752, %parallel_loop3A_755 : vector<16xi32>
        %parallel_loop3A_757 = arith.xori %parallel_loop3A_756, %parallel_loop3A_749 : vector<16xi32>
        %parallel_loop3A_758 = arith.addi %parallel_loop3A_749, %parallel_loop3A_757 : vector<16xi32>
        %parallel_loop3A_759 = arith.constant 6 : i32
        %parallel_loop3A_760 = vector.broadcast %parallel_loop3A_759 : i32 to vector<16xi32>
        %parallel_loop3A_761 = arith.shli %parallel_loop3A_757, %parallel_loop3A_760 : vector<16xi32>
        %parallel_loop3A_762 = arith.constant 26 : i32
        %parallel_loop3A_763 = vector.broadcast %parallel_loop3A_762 : i32 to vector<16xi32>
        %parallel_loop3A_764 = arith.shrui %parallel_loop3A_757, %parallel_loop3A_763 : vector<16xi32>
        %parallel_loop3A_765 = arith.ori %parallel_loop3A_761, %parallel_loop3A_764 : vector<16xi32>
        %parallel_loop3A_766 = arith.xori %parallel_loop3A_765, %parallel_loop3A_758 : vector<16xi32>
        %parallel_loop3A_767 = arith.constant 466689008 : i32
        %parallel_loop3A_768 = vector.broadcast %parallel_loop3A_767 : i32 to vector<16xi32>
        %parallel_loop3A_769 = arith.addi %parallel_loop3A_758, %parallel_loop3A_768 : vector<16xi32>
        %parallel_loop3A_770 = arith.constant 5 : i32
        %parallel_loop3A_771 = vector.broadcast %parallel_loop3A_770 : i32 to vector<16xi32>
        %parallel_loop3A_772 = arith.addi %parallel_loop3A_766, %parallel_loop3A_771 : vector<16xi32>
        %parallel_loop3A_773 = arith.xori %parallel_loop3A_769, %parallel_loop3A_772 : vector<16xi32>
        %parallel_loop3A_774 = arith.constant 32 : i32
        %parallel_loop3A_775 = arith.addi %parallel_loop3A_91, %parallel_loop3A_774 : i32
        %parallel_loop3A_776 = arith.constant 0 : i32
        %parallel_loop3A_777 = vector.broadcast %parallel_loop3A_776 : i32 to vector<16xi32>
        %parallel_loop3A_778 = arith.cmpi sge, %parallel_loop3A_773, %parallel_loop3A_777 : vector<16xi32>
        %parallel_loop3A_779 = arith.index_cast %parallel_loop3A_775 : i32 to index
        %parallel_loop3A_780 = tpu.vector_load %arg4[%parallel_loop3A_779] {strides = array<i32>} : memref<20480xf32, #tpu.memory_space<vmem>>, vector<16xf32>,
        %parallel_loop3A_781 = vector.shape_cast %parallel_loop3A_780 : vector<16xf32> to vector<16xf32>
        %parallel_loop3A_782 = arith.constant 2.000000e+00 : f32
        %parallel_loop3A_783 = vector.broadcast %parallel_loop3A_782 : f32 to vector<16xf32>
        %parallel_loop3A_784 = arith.mulf %parallel_loop3A_781, %parallel_loop3A_783 : vector<16xf32>
        %parallel_loop3A_785 = arith.constant 0.000000e+00 : f32
        %parallel_loop3A_786 = vector.broadcast %parallel_loop3A_785 : f32 to vector<16xf32>
        %parallel_loop3A_787 = arith.select %parallel_loop3A_778, %parallel_loop3A_784, %parallel_loop3A_786 : vector<16xi1>, vector<16xf32>
        %parallel_loop3A_788 = arith.index_cast %parallel_loop3A_775 : i32 to index
        %parallel_loop3A_789 = tpu.vector_load %arg6[%parallel_loop3A_788] {strides = array<i32>} : memref<20480xf32, #tpu.memory_space<vmem>>, vector<16xf32>,
        %parallel_loop3A_790 = vector.shape_cast %parallel_loop3A_789 : vector<16xf32> to vector<16xf32>
        %parallel_loop3A_791 = vector.shape_cast %parallel_loop3A_787 : vector<16xf32> to vector<16xf32>
        tpu.vector_store %arg6[%parallel_loop3A_788], %parallel_loop3A_791 {strides = array<i32>} : memref<20480xf32, #tpu.memory_space<vmem>>, vector<16xf32>,
        %parallel_loop3A_792 = arith.addi %add3A_49, %parallel_loop3A_91 : i32
        %parallel_loop3A_793 = arith.constant 48 : i32
        %parallel_loop3A_794 = arith.addi %parallel_loop3A_792, %parallel_loop3A_793 : i32
        %parallel_loop3A_795 = vector.broadcast %parallel_loop3A_794 : i32 to vector<16xi32>
        %parallel_loop3A_796 = arith.addi %parallel_loop3A_92, %parallel_loop3A_795 : vector<16xi32>
        %parallel_loop3A_797 = arith.constant 13 : i32
        %parallel_loop3A_798 = vector.broadcast %parallel_loop3A_797 : i32 to vector<16xi32>
        %parallel_loop3A_799 = arith.shli %parallel_loop3A_796, %parallel_loop3A_798 : vector<16xi32>
        %parallel_loop3A_800 = arith.constant 19 : i32
        %parallel_loop3A_801 = vector.broadcast %parallel_loop3A_800 : i32 to vector<16xi32>
        %parallel_loop3A_802 = arith.shrui %parallel_loop3A_796, %parallel_loop3A_801 : vector<16xi32>
        %parallel_loop3A_803 = arith.ori %parallel_loop3A_799, %parallel_loop3A_802 : vector<16xi32>
        %parallel_loop3A_804 = arith.xori %parallel_loop3A_803, %parallel_loop3A_796 : vector<16xi32>
        %parallel_loop3A_805 = arith.addi %parallel_loop3A_796, %parallel_loop3A_804 : vector<16xi32>
        %parallel_loop3A_806 = arith.constant 15 : i32
        %parallel_loop3A_807 = vector.broadcast %parallel_loop3A_806 : i32 to vector<16xi32>
        %parallel_loop3A_808 = arith.shli %parallel_loop3A_804, %parallel_loop3A_807 : vector<16xi32>
        %parallel_loop3A_809 = arith.constant 17 : i32
        %parallel_loop3A_810 = vector.broadcast %parallel_loop3A_809 : i32 to vector<16xi32>
        %parallel_loop3A_811 = arith.shrui %parallel_loop3A_804, %parallel_loop3A_810 : vector<16xi32>
        %parallel_loop3A_812 = arith.ori %parallel_loop3A_808, %parallel_loop3A_811 : vector<16xi32>
        %parallel_loop3A_813 = arith.xori %parallel_loop3A_812, %parallel_loop3A_805 : vector<16xi32>
        %parallel_loop3A_814 = arith.addi %parallel_loop3A_805, %parallel_loop3A_813 : vector<16xi32>
        %parallel_loop3A_815 = arith.constant 26 : i32
        %parallel_loop3A_816 = vector.broadcast %parallel_loop3A_815 : i32 to vector<16xi32>
        %parallel_loop3A_817 = arith.shli %parallel_loop3A_813, %parallel_loop3A_816 : vector<16xi32>
        %parallel_loop3A_818 = arith.constant 6 : i32
        %parallel_loop3A_819 = vector.broadcast %parallel_loop3A_818 : i32 to vector<16xi32>
        %parallel_loop3A_820 = arith.shrui %parallel_loop3A_813, %parallel_loop3A_819 : vector<16xi32>
        %parallel_loop3A_821 = arith.ori %parallel_loop3A_817, %parallel_loop3A_820 : vector<16xi32>
        %parallel_loop3A_822 = arith.xori %parallel_loop3A_821, %parallel_loop3A_814 : vector<16xi32>
        %parallel_loop3A_823 = arith.addi %parallel_loop3A_814, %parallel_loop3A_822 : vector<16xi32>
        %parallel_loop3A_824 = arith.constant 6 : i32
        %parallel_loop3A_825 = vector.broadcast %parallel_loop3A_824 : i32 to vector<16xi32>
        %parallel_loop3A_826 = arith.shli %parallel_loop3A_822, %parallel_loop3A_825 : vector<16xi32>
        %parallel_loop3A_827 = arith.constant 26 : i32
        %parallel_loop3A_828 = vector.broadcast %parallel_loop3A_827 : i32 to vector<16xi32>
        %parallel_loop3A_829 = arith.shrui %parallel_loop3A_822, %parallel_loop3A_828 : vector<16xi32>
        %parallel_loop3A_830 = arith.ori %parallel_loop3A_826, %parallel_loop3A_829 : vector<16xi32>
        %parallel_loop3A_831 = arith.xori %parallel_loop3A_830, %parallel_loop3A_823 : vector<16xi32>
        %parallel_loop3A_832 = arith.constant 42 : i32
        %parallel_loop3A_833 = vector.broadcast %parallel_loop3A_832 : i32 to vector<16xi32>
        %parallel_loop3A_834 = arith.addi %parallel_loop3A_823, %parallel_loop3A_833 : vector<16xi32>
        %parallel_loop3A_835 = arith.constant 466689009 : i32
        %parallel_loop3A_836 = vector.broadcast %parallel_loop3A_835 : i32 to vector<16xi32>
        %parallel_loop3A_837 = arith.addi %parallel_loop3A_831, %parallel_loop3A_836 : vector<16xi32>
        %parallel_loop3A_838 = arith.addi %parallel_loop3A_834, %parallel_loop3A_837 : vector<16xi32>
        %parallel_loop3A_839 = arith.constant 17 : i32
        %parallel_loop3A_840 = vector.broadcast %parallel_loop3A_839 : i32 to vector<16xi32>
        %parallel_loop3A_841 = arith.shli %parallel_loop3A_837, %parallel_loop3A_840 : vector<16xi32>
        %parallel_loop3A_842 = arith.constant 15 : i32
        %parallel_loop3A_843 = vector.broadcast %parallel_loop3A_842 : i32 to vector<16xi32>
        %parallel_loop3A_844 = arith.shrui %parallel_loop3A_837, %parallel_loop3A_843 : vector<16xi32>
        %parallel_loop3A_845 = arith.ori %parallel_loop3A_841, %parallel_loop3A_844 : vector<16xi32>
        %parallel_loop3A_846 = arith.xori %parallel_loop3A_845, %parallel_loop3A_838 : vector<16xi32>
        %parallel_loop3A_847 = arith.addi %parallel_loop3A_838, %parallel_loop3A_846 : vector<16xi32>
        %parallel_loop3A_848 = arith.constant 29 : i32
        %parallel_loop3A_849 = vector.broadcast %parallel_loop3A_848 : i32 to vector<16xi32>
        %parallel_loop3A_850 = arith.shli %parallel_loop3A_846, %parallel_loop3A_849 : vector<16xi32>
        %parallel_loop3A_851 = arith.constant 3 : i32
        %parallel_loop3A_852 = vector.broadcast %parallel_loop3A_851 : i32 to vector<16xi32>
        %parallel_loop3A_853 = arith.shrui %parallel_loop3A_846, %parallel_loop3A_852 : vector<16xi32>
        %parallel_loop3A_854 = arith.ori %parallel_loop3A_850, %parallel_loop3A_853 : vector<16xi32>
        %parallel_loop3A_855 = arith.xori %parallel_loop3A_854, %parallel_loop3A_847 : vector<16xi32>
        %parallel_loop3A_856 = arith.addi %parallel_loop3A_847, %parallel_loop3A_855 : vector<16xi32>
        %parallel_loop3A_857 = arith.constant 16 : i32
        %parallel_loop3A_858 = vector.broadcast %parallel_loop3A_857 : i32 to vector<16xi32>
        %parallel_loop3A_859 = arith.shli %parallel_loop3A_855, %parallel_loop3A_858 : vector<16xi32>
        %parallel_loop3A_860 = arith.constant 16 : i32
        %parallel_loop3A_861 = vector.broadcast %parallel_loop3A_860 : i32 to vector<16xi32>
        %parallel_loop3A_862 = arith.shrui %parallel_loop3A_855, %parallel_loop3A_861 : vector<16xi32>
        %parallel_loop3A_863 = arith.ori %parallel_loop3A_859, %parallel_loop3A_862 : vector<16xi32>
        %parallel_loop3A_864 = arith.xori %parallel_loop3A_863, %parallel_loop3A_856 : vector<16xi32>
        %parallel_loop3A_865 = arith.addi %parallel_loop3A_856, %parallel_loop3A_864 : vector<16xi32>
        %parallel_loop3A_866 = arith.constant 24 : i32
        %parallel_loop3A_867 = vector.broadcast %parallel_loop3A_866 : i32 to vector<16xi32>
        %parallel_loop3A_868 = arith.shli %parallel_loop3A_864, %parallel_loop3A_867 : vector<16xi32>
        %parallel_loop3A_869 = arith.constant 8 : i32
        %parallel_loop3A_870 = vector.broadcast %parallel_loop3A_869 : i32 to vector<16xi32>
        %parallel_loop3A_871 = arith.shrui %parallel_loop3A_864, %parallel_loop3A_870 : vector<16xi32>
        %parallel_loop3A_872 = arith.ori %parallel_loop3A_868, %parallel_loop3A_871 : vector<16xi32>
        %parallel_loop3A_873 = arith.xori %parallel_loop3A_872, %parallel_loop3A_865 : vector<16xi32>
        %parallel_loop3A_874 = arith.constant 466689008 : i32
        %parallel_loop3A_875 = vector.broadcast %parallel_loop3A_874 : i32 to vector<16xi32>
        %parallel_loop3A_876 = arith.addi %parallel_loop3A_865, %parallel_loop3A_875 : vector<16xi32>
        %parallel_loop3A_877 = arith.constant 2 : i32
        %parallel_loop3A_878 = vector.broadcast %parallel_loop3A_877 : i32 to vector<16xi32>
        %parallel_loop3A_879 = arith.addi %parallel_loop3A_873, %parallel_loop3A_878 : vector<16xi32>
        %parallel_loop3A_880 = arith.addi %parallel_loop3A_876, %parallel_loop3A_879 : vector<16xi32>
        %parallel_loop3A_881 = arith.constant 13 : i32
        %parallel_loop3A_882 = vector.broadcast %parallel_loop3A_881 : i32 to vector<16xi32>
        %parallel_loop3A_883 = arith.shli %parallel_loop3A_879, %parallel_loop3A_882 : vector<16xi32>
        %parallel_loop3A_884 = arith.constant 19 : i32
        %parallel_loop3A_885 = vector.broadcast %parallel_loop3A_884 : i32 to vector<16xi32>
        %parallel_loop3A_886 = arith.shrui %parallel_loop3A_879, %parallel_loop3A_885 : vector<16xi32>
        %parallel_loop3A_887 = arith.ori %parallel_loop3A_883, %parallel_loop3A_886 : vector<16xi32>
        %parallel_loop3A_888 = arith.xori %parallel_loop3A_887, %parallel_loop3A_880 : vector<16xi32>
        %parallel_loop3A_889 = arith.addi %parallel_loop3A_880, %parallel_loop3A_888 : vector<16xi32>
        %parallel_loop3A_890 = arith.constant 15 : i32
        %parallel_loop3A_891 = vector.broadcast %parallel_loop3A_890 : i32 to vector<16xi32>
        %parallel_loop3A_892 = arith.shli %parallel_loop3A_888, %parallel_loop3A_891 : vector<16xi32>
        %parallel_loop3A_893 = arith.constant 17 : i32
        %parallel_loop3A_894 = vector.broadcast %parallel_loop3A_893 : i32 to vector<16xi32>
        %parallel_loop3A_895 = arith.shrui %parallel_loop3A_888, %parallel_loop3A_894 : vector<16xi32>
        %parallel_loop3A_896 = arith.ori %parallel_loop3A_892, %parallel_loop3A_895 : vector<16xi32>
        %parallel_loop3A_897 = arith.xori %parallel_loop3A_896, %parallel_loop3A_889 : vector<16xi32>
        %parallel_loop3A_898 = arith.addi %parallel_loop3A_889, %parallel_loop3A_897 : vector<16xi32>
        %parallel_loop3A_899 = arith.constant 26 : i32
        %parallel_loop3A_900 = vector.broadcast %parallel_loop3A_899 : i32 to vector<16xi32>
        %parallel_loop3A_901 = arith.shli %parallel_loop3A_897, %parallel_loop3A_900 : vector<16xi32>
        %parallel_loop3A_902 = arith.constant 6 : i32
        %parallel_loop3A_903 = vector.broadcast %parallel_loop3A_902 : i32 to vector<16xi32>
        %parallel_loop3A_904 = arith.shrui %parallel_loop3A_897, %parallel_loop3A_903 : vector<16xi32>
        %parallel_loop3A_905 = arith.ori %parallel_loop3A_901, %parallel_loop3A_904 : vector<16xi32>
        %parallel_loop3A_906 = arith.xori %parallel_loop3A_905, %parallel_loop3A_898 : vector<16xi32>
        %parallel_loop3A_907 = arith.addi %parallel_loop3A_898, %parallel_loop3A_906 : vector<16xi32>
        %parallel_loop3A_908 = arith.constant 6 : i32
        %parallel_loop3A_909 = vector.broadcast %parallel_loop3A_908 : i32 to vector<16xi32>
        %parallel_loop3A_910 = arith.shli %parallel_loop3A_906, %parallel_loop3A_909 : vector<16xi32>
        %parallel_loop3A_911 = arith.constant 26 : i32
        %parallel_loop3A_912 = vector.broadcast %parallel_loop3A_911 : i32 to vector<16xi32>
        %parallel_loop3A_913 = arith.shrui %parallel_loop3A_906, %parallel_loop3A_912 : vector<16xi32>
        %parallel_loop3A_914 = arith.ori %parallel_loop3A_910, %parallel_loop3A_913 : vector<16xi32>
        %parallel_loop3A_915 = arith.xori %parallel_loop3A_914, %parallel_loop3A_907 : vector<16xi32>
        %parallel_loop3A_916 = arith.constant 0 : i32
        %parallel_loop3A_917 = vector.broadcast %parallel_loop3A_916 : i32 to vector<16xi32>
        %parallel_loop3A_918 = arith.addi %parallel_loop3A_907, %parallel_loop3A_917 : vector<16xi32>
        %parallel_loop3A_919 = arith.constant 45 : i32
        %parallel_loop3A_920 = vector.broadcast %parallel_loop3A_919 : i32 to vector<16xi32>
        %parallel_loop3A_921 = arith.addi %parallel_loop3A_915, %parallel_loop3A_920 : vector<16xi32>
        %parallel_loop3A_922 = arith.addi %parallel_loop3A_918, %parallel_loop3A_921 : vector<16xi32>
        %parallel_loop3A_923 = arith.constant 17 : i32
        %parallel_loop3A_924 = vector.broadcast %parallel_loop3A_923 : i32 to vector<16xi32>
        %parallel_loop3A_925 = arith.shli %parallel_loop3A_921, %parallel_loop3A_924 : vector<16xi32>
        %parallel_loop3A_926 = arith.constant 15 : i32
        %parallel_loop3A_927 = vector.broadcast %parallel_loop3A_926 : i32 to vector<16xi32>
        %parallel_loop3A_928 = arith.shrui %parallel_loop3A_921, %parallel_loop3A_927 : vector<16xi32>
        %parallel_loop3A_929 = arith.ori %parallel_loop3A_925, %parallel_loop3A_928 : vector<16xi32>
        %parallel_loop3A_930 = arith.xori %parallel_loop3A_929, %parallel_loop3A_922 : vector<16xi32>
        %parallel_loop3A_931 = arith.addi %parallel_loop3A_922, %parallel_loop3A_930 : vector<16xi32>
        %parallel_loop3A_932 = arith.constant 29 : i32
        %parallel_loop3A_933 = vector.broadcast %parallel_loop3A_932 : i32 to vector<16xi32>
        %parallel_loop3A_934 = arith.shli %parallel_loop3A_930, %parallel_loop3A_933 : vector<16xi32>
        %parallel_loop3A_935 = arith.constant 3 : i32
        %parallel_loop3A_936 = vector.broadcast %parallel_loop3A_935 : i32 to vector<16xi32>
        %parallel_loop3A_937 = arith.shrui %parallel_loop3A_930, %parallel_loop3A_936 : vector<16xi32>
        %parallel_loop3A_938 = arith.ori %parallel_loop3A_934, %parallel_loop3A_937 : vector<16xi32>
        %parallel_loop3A_939 = arith.xori %parallel_loop3A_938, %parallel_loop3A_931 : vector<16xi32>
        %parallel_loop3A_940 = arith.addi %parallel_loop3A_931, %parallel_loop3A_939 : vector<16xi32>
        %parallel_loop3A_941 = arith.constant 16 : i32
        %parallel_loop3A_942 = vector.broadcast %parallel_loop3A_941 : i32 to vector<16xi32>
        %parallel_loop3A_943 = arith.shli %parallel_loop3A_939, %parallel_loop3A_942 : vector<16xi32>
        %parallel_loop3A_944 = arith.constant 16 : i32
        %parallel_loop3A_945 = vector.broadcast %parallel_loop3A_944 : i32 to vector<16xi32>
        %parallel_loop3A_946 = arith.shrui %parallel_loop3A_939, %parallel_loop3A_945 : vector<16xi32>
        %parallel_loop3A_947 = arith.ori %parallel_loop3A_943, %parallel_loop3A_946 : vector<16xi32>
        %parallel_loop3A_948 = arith.xori %parallel_loop3A_947, %parallel_loop3A_940 : vector<16xi32>
        %parallel_loop3A_949 = arith.addi %parallel_loop3A_940, %parallel_loop3A_948 : vector<16xi32>
        %parallel_loop3A_950 = arith.constant 24 : i32
        %parallel_loop3A_951 = vector.broadcast %parallel_loop3A_950 : i32 to vector<16xi32>
        %parallel_loop3A_952 = arith.shli %parallel_loop3A_948, %parallel_loop3A_951 : vector<16xi32>
        %parallel_loop3A_953 = arith.constant 8 : i32
        %parallel_loop3A_954 = vector.broadcast %parallel_loop3A_953 : i32 to vector<16xi32>
        %parallel_loop3A_955 = arith.shrui %parallel_loop3A_948, %parallel_loop3A_954 : vector<16xi32>
        %parallel_loop3A_956 = arith.ori %parallel_loop3A_952, %parallel_loop3A_955 : vector<16xi32>
        %parallel_loop3A_957 = arith.xori %parallel_loop3A_956, %parallel_loop3A_949 : vector<16xi32>
        %parallel_loop3A_958 = arith.constant 42 : i32
        %parallel_loop3A_959 = vector.broadcast %parallel_loop3A_958 : i32 to vector<16xi32>
        %parallel_loop3A_960 = arith.addi %parallel_loop3A_949, %parallel_loop3A_959 : vector<16xi32>
        %parallel_loop3A_961 = arith.constant 466689012 : i32
        %parallel_loop3A_962 = vector.broadcast %parallel_loop3A_961 : i32 to vector<16xi32>
        %parallel_loop3A_963 = arith.addi %parallel_loop3A_957, %parallel_loop3A_962 : vector<16xi32>
        %parallel_loop3A_964 = arith.addi %parallel_loop3A_960, %parallel_loop3A_963 : vector<16xi32>
        %parallel_loop3A_965 = arith.constant 13 : i32
        %parallel_loop3A_966 = vector.broadcast %parallel_loop3A_965 : i32 to vector<16xi32>
        %parallel_loop3A_967 = arith.shli %parallel_loop3A_963, %parallel_loop3A_966 : vector<16xi32>
        %parallel_loop3A_968 = arith.constant 19 : i32
        %parallel_loop3A_969 = vector.broadcast %parallel_loop3A_968 : i32 to vector<16xi32>
        %parallel_loop3A_970 = arith.shrui %parallel_loop3A_963, %parallel_loop3A_969 : vector<16xi32>
        %parallel_loop3A_971 = arith.ori %parallel_loop3A_967, %parallel_loop3A_970 : vector<16xi32>
        %parallel_loop3A_972 = arith.xori %parallel_loop3A_971, %parallel_loop3A_964 : vector<16xi32>
        %parallel_loop3A_973 = arith.addi %parallel_loop3A_964, %parallel_loop3A_972 : vector<16xi32>
        %parallel_loop3A_974 = arith.constant 15 : i32
        %parallel_loop3A_975 = vector.broadcast %parallel_loop3A_974 : i32 to vector<16xi32>
        %parallel_loop3A_976 = arith.shli %parallel_loop3A_972, %parallel_loop3A_975 : vector<16xi32>
        %parallel_loop3A_977 = arith.constant 17 : i32
        %parallel_loop3A_978 = vector.broadcast %parallel_loop3A_977 : i32 to vector<16xi32>
        %parallel_loop3A_979 = arith.shrui %parallel_loop3A_972, %parallel_loop3A_978 : vector<16xi32>
        %parallel_loop3A_980 = arith.ori %parallel_loop3A_976, %parallel_loop3A_979 : vector<16xi32>
        %parallel_loop3A_981 = arith.xori %parallel_loop3A_980, %parallel_loop3A_973 : vector<16xi32>
        %parallel_loop3A_982 = arith.addi %parallel_loop3A_973, %parallel_loop3A_981 : vector<16xi32>
        %parallel_loop3A_983 = arith.constant 26 : i32
        %parallel_loop3A_984 = vector.broadcast %parallel_loop3A_983 : i32 to vector<16xi32>
        %parallel_loop3A_985 = arith.shli %parallel_loop3A_981, %parallel_loop3A_984 : vector<16xi32>
        %parallel_loop3A_986 = arith.constant 6 : i32
        %parallel_loop3A_987 = vector.broadcast %parallel_loop3A_986 : i32 to vector<16xi32>
        %parallel_loop3A_988 = arith.shrui %parallel_loop3A_981, %parallel_loop3A_987 : vector<16xi32>
        %parallel_loop3A_989 = arith.ori %parallel_loop3A_985, %parallel_loop3A_988 : vector<16xi32>
        %parallel_loop3A_990 = arith.xori %parallel_loop3A_989, %parallel_loop3A_982 : vector<16xi32>
        %parallel_loop3A_991 = arith.addi %parallel_loop3A_982, %parallel_loop3A_990 : vector<16xi32>
        %parallel_loop3A_992 = arith.constant 6 : i32
        %parallel_loop3A_993 = vector.broadcast %parallel_loop3A_992 : i32 to vector<16xi32>
        %parallel_loop3A_994 = arith.shli %parallel_loop3A_990, %parallel_loop3A_993 : vector<16xi32>
        %parallel_loop3A_995 = arith.constant 26 : i32
        %parallel_loop3A_996 = vector.broadcast %parallel_loop3A_995 : i32 to vector<16xi32>
        %parallel_loop3A_997 = arith.shrui %parallel_loop3A_990, %parallel_loop3A_996 : vector<16xi32>
        %parallel_loop3A_998 = arith.ori %parallel_loop3A_994, %parallel_loop3A_997 : vector<16xi32>
        %parallel_loop3A_999 = arith.xori %parallel_loop3A_998, %parallel_loop3A_991 : vector<16xi32>
        %parallel_loop3A_1000 = arith.constant 466689008 : i32
        %parallel_loop3A_1001 = vector.broadcast %parallel_loop3A_1000 : i32 to vector<16xi32>
        %parallel_loop3A_1002 = arith.addi %parallel_loop3A_991, %parallel_loop3A_1001 : vector<16xi32>
        %parallel_loop3A_1003 = arith.constant 5 : i32
        %parallel_loop3A_1004 = vector.broadcast %parallel_loop3A_1003 : i32 to vector<16xi32>
        %parallel_loop3A_1005 = arith.addi %parallel_loop3A_999, %parallel_loop3A_1004 : vector<16xi32>
        %parallel_loop3A_1006 = arith.xori %parallel_loop3A_1002, %parallel_loop3A_1005 : vector<16xi32>
        %parallel_loop3A_1007 = arith.constant 48 : i32
        %parallel_loop3A_1008 = arith.addi %parallel_loop3A_91, %parallel_loop3A_1007 : i32
        %parallel_loop3A_1009 = arith.constant 0 : i32
        %parallel_loop3A_1010 = vector.broadcast %parallel_loop3A_1009 : i32 to vector<16xi32>
        %parallel_loop3A_1011 = arith.cmpi sge, %parallel_loop3A_1006, %parallel_loop3A_1010 : vector<16xi32>
        %parallel_loop3A_1012 = arith.index_cast %parallel_loop3A_1008 : i32 to index
        %parallel_loop3A_1013 = tpu.vector_load %arg4[%parallel_loop3A_1012] {strides = array<i32>} : memref<20480xf32, #tpu.memory_space<vmem>>, vector<16xf32>,
        %parallel_loop3A_1014 = vector.shape_cast %parallel_loop3A_1013 : vector<16xf32> to vector<16xf32>
        %parallel_loop3A_1015 = arith.constant 2.000000e+00 : f32
        %parallel_loop3A_1016 = vector.broadcast %parallel_loop3A_1015 : f32 to vector<16xf32>
        %parallel_loop3A_1017 = arith.mulf %parallel_loop3A_1014, %parallel_loop3A_1016 : vector<16xf32>
        %parallel_loop3A_1018 = arith.constant 0.000000e+00 : f32
        %parallel_loop3A_1019 = vector.broadcast %parallel_loop3A_1018 : f32 to vector<16xf32>
        %parallel_loop3A_1020 = arith.select %parallel_loop3A_1011, %parallel_loop3A_1017, %parallel_loop3A_1019 : vector<16xi1>, vector<16xf32>
        %parallel_loop3A_1021 = arith.index_cast %parallel_loop3A_1008 : i32 to index
        %parallel_loop3A_1022 = tpu.vector_load %arg6[%parallel_loop3A_1021] {strides = array<i32>} : memref<20480xf32, #tpu.memory_space<vmem>>, vector<16xf32>,
        %parallel_loop3A_1023 = vector.shape_cast %parallel_loop3A_1022 : vector<16xf32> to vector<16xf32>
        %parallel_loop3A_1024 = vector.shape_cast %parallel_loop3A_1020 : vector<16xf32> to vector<16xf32>
        tpu.vector_store %arg6[%parallel_loop3A_1021], %parallel_loop3A_1024 {strides = array<i32>} : memref<20480xf32, #tpu.memory_space<vmem>>, vector<16xf32>,
      } {sc.loop_unroll_factor = 1 : i64, sc.parallel_access}
      %mul3A_52 = arith.constant 20480 : i32
      %mul3A_53 = arith.muli %mul3A_24, %mul3A_52 : i32
      %add3A_54 = arith.addi %mul3A_2, %mul3A_53 : i32
      %dma_start3A_55 = tpu.memref_slice %arg3[%add3A_54] : memref<5242880xf32, #tpu.memory_space<hbm>> -> memref<20480xf32, #tpu.memory_space<hbm>>
      %dma_start3A_56 = tpu.memref_slice %arg3[%add3A_54] : memref<5242880xf32, #tpu.memory_space<hbm>> -> memref<20480xf32, #tpu.memory_space<hbm>>
      tpu.enqueue_dma source(%arg6 : memref<20480xf32, #tpu.memory_space<vmem>>) target(%dma_start3A_56 : memref<20480xf32, #tpu.memory_space<hbm>>) target_semaphore(%arg10 : memref<!tpu.dma_semaphore, #tpu.memory_space<semaphore_mem>>)
      %add3A_57 = arith.constant 1 : i32
      %add3A_58 = arith.addi %scan3A_21, %add3A_57 : i32
      %lt3A = arith.constant 4 : i32
      %lt3A_59 = arith.cmpi slt, %add3A_58, %lt3A : i32
      %convert_element_type3A_60 = arith.extui %lt3A_59 : i1 to i32
      %cond3A_61 = arith.constant 0 : i32
      %cond3A_62 = arith.cmpi ne, %convert_element_type3A_60, %cond3A_61 : i32
      scf.if %cond3A_62 {
        %add3A_91 = arith.constant 2 : i32
        %add3A_92 = arith.addi %mul3A_24, %add3A_91 : i32
        %add3A_93 = arith.constant 15237120 : i32
        %add3A_94 = arith.addi %add3A_93, %mul3A_2 : i32
        %mul3A_95 = arith.constant 20480 : i32
        %mul3A_96 = arith.muli %add3A_92, %mul3A_95 : i32
        %add3A_97 = arith.addi %add3A_94, %mul3A_96 : i32
        %dma_start3A_98 = tpu.memref_slice %arg2[%add3A_97] : memref<20480000xf32, #tpu.memory_space<hbm>> -> memref<20480xf32, #tpu.memory_space<hbm>>
        %dma_start3A_99 = tpu.memref_slice %arg2[%add3A_97] : memref<20480000xf32, #tpu.memory_space<hbm>> -> memref<20480xf32, #tpu.memory_space<hbm>>
        tpu.enqueue_dma source(%dma_start3A_99 : memref<20480xf32, #tpu.memory_space<hbm>>) target(%arg4 : memref<20480xf32, #tpu.memory_space<vmem>>) target_semaphore(%arg8 : memref<!tpu.dma_semaphore, #tpu.memory_space<semaphore_mem>>)
      } else {
      }
      %add3A_63 = arith.constant 15237120 : i32
      %add3A_64 = arith.addi %add3A_63, %mul3A_2 : i32
      %mul3A_65 = arith.constant 20480 : i32
      %mul3A_66 = arith.muli %add3A_26, %mul3A_65 : i32
      %add3A_67 = arith.addi %add3A_64, %mul3A_66 : i32
      %dma_wait3A_68 = tpu.memref_slice %arg2[%add3A_67] : memref<20480000xf32, #tpu.memory_space<hbm>> -> memref<20480xf32, #tpu.memory_space<hbm>>
      %dma_wait3A_69 = tpu.memref_slice %arg2[%add3A_67] : memref<20480000xf32, #tpu.memory_space<hbm>> -> memref<20480xf32, #tpu.memory_space<hbm>>
      tpu.wait_dma2 semaphore(%arg9 : memref<!tpu.dma_semaphore, #tpu.memory_space<semaphore_mem>>) src(%dma_wait3A_69 : memref<20480xf32, #tpu.memory_space<hbm>>) dst(%arg5 : memref<20480xf32, #tpu.memory_space<vmem>>)
      %gt3A_70 = arith.constant 0 : i32
      %gt3A_71 = arith.cmpi sgt, %scan3A_21, %gt3A_70 : i32
      %convert_element_type3A_72 = arith.extui %gt3A_71 : i1 to i32
      %cond3A_73 = arith.constant 0 : i32
      %cond3A_74 = arith.cmpi ne, %convert_element_type3A_72, %cond3A_73 : i32
      scf.if %cond3A_74 {
        %sub3A = arith.constant 2 : i32
        %sub3A_91 = arith.subi %add3A_26, %sub3A : i32
        %mul3A_92 = arith.constant 20480 : i32
        %mul3A_93 = arith.muli %sub3A_91, %mul3A_92 : i32
        %add3A_94 = arith.addi %mul3A_2, %mul3A_93 : i32
        %dma_wait3A_95 = tpu.memref_slice %arg3[%add3A_94] : memref<5242880xf32, #tpu.memory_space<hbm>> -> memref<20480xf32, #tpu.memory_space<hbm>>
        %dma_wait3A_96 = tpu.memref_slice %arg3[%add3A_94] : memref<5242880xf32, #tpu.memory_space<hbm>> -> memref<20480xf32, #tpu.memory_space<hbm>>
        tpu.wait_dma2 semaphore(%arg11 : memref<!tpu.dma_semaphore, #tpu.memory_space<semaphore_mem>>) src(%arg7 : memref<20480xf32, #tpu.memory_space<vmem>>) dst(%dma_wait3A_96 : memref<20480xf32, #tpu.memory_space<hbm>>)
      } else {
      }
      %add3A_75 = arith.constant 15237120 : i32
      %add3A_76 = arith.addi %add3A_75, %mul3A_2 : i32
      %mul3A_77 = arith.constant 20480 : i32
      %mul3A_78 = arith.muli %add3A_26, %mul3A_77 : i32
      %add3A_79 = arith.addi %add3A_76, %mul3A_78 : i32
      %add3A_80 = arith.constant 42 : i32
      %add3A_81 = arith.addi %add3A_79, %add3A_80 : i32
      %parallel_loop3A_82 = arith.constant 0 : i32
      %parallel_loop3A_83 = arith.constant 20480 : i32
      %parallel_loop3A_84 = arith.constant 64 : i32
      scf.for %parallel_loop3A_91 = %parallel_loop3A_82 to %parallel_loop3A_83 step %parallel_loop3A_84  : i32 {
        %parallel_loop3A_92 = tpu.iota {dimensions = array<i32: 0>} : vector<16xi32>
        %parallel_loop3A_93 = arith.addi %add3A_81, %parallel_loop3A_91 : i32
        %parallel_loop3A_94 = arith.constant 0 : i32
        %parallel_loop3A_95 = arith.addi %parallel_loop3A_93, %parallel_loop3A_94 : i32
        %parallel_loop3A_96 = vector.broadcast %parallel_loop3A_95 : i32 to vector<16xi32>
        %parallel_loop3A_97 = arith.addi %parallel_loop3A_92, %parallel_loop3A_96 : vector<16xi32>
        %parallel_loop3A_98 = arith.constant 13 : i32
        %parallel_loop3A_99 = vector.broadcast %parallel_loop3A_98 : i32 to vector<16xi32>
        %parallel_loop3A_100 = arith.shli %parallel_loop3A_97, %parallel_loop3A_99 : vector<16xi32>
        %parallel_loop3A_101 = arith.constant 19 : i32
        %parallel_loop3A_102 = vector.broadcast %parallel_loop3A_101 : i32 to vector<16xi32>
        %parallel_loop3A_103 = arith.shrui %parallel_loop3A_97, %parallel_loop3A_102 : vector<16xi32>
        %parallel_loop3A_104 = arith.ori %parallel_loop3A_100, %parallel_loop3A_103 : vector<16xi32>
        %parallel_loop3A_105 = arith.xori %parallel_loop3A_104, %parallel_loop3A_97 : vector<16xi32>
        %parallel_loop3A_106 = arith.addi %parallel_loop3A_97, %parallel_loop3A_105 : vector<16xi32>
        %parallel_loop3A_107 = arith.constant 15 : i32
        %parallel_loop3A_108 = vector.broadcast %parallel_loop3A_107 : i32 to vector<16xi32>
        %parallel_loop3A_109 = arith.shli %parallel_loop3A_105, %parallel_loop3A_108 : vector<16xi32>
        %parallel_loop3A_110 = arith.constant 17 : i32
        %parallel_loop3A_111 = vector.broadcast %parallel_loop3A_110 : i32 to vector<16xi32>
        %parallel_loop3A_112 = arith.shrui %parallel_loop3A_105, %parallel_loop3A_111 : vector<16xi32>
        %parallel_loop3A_113 = arith.ori %parallel_loop3A_109, %parallel_loop3A_112 : vector<16xi32>
        %parallel_loop3A_114 = arith.xori %parallel_loop3A_113, %parallel_loop3A_106 : vector<16xi32>
        %parallel_loop3A_115 = arith.addi %parallel_loop3A_106, %parallel_loop3A_114 : vector<16xi32>
        %parallel_loop3A_116 = arith.constant 26 : i32
        %parallel_loop3A_117 = vector.broadcast %parallel_loop3A_116 : i32 to vector<16xi32>
        %parallel_loop3A_118 = arith.shli %parallel_loop3A_114, %parallel_loop3A_117 : vector<16xi32>
        %parallel_loop3A_119 = arith.constant 6 : i32
        %parallel_loop3A_120 = vector.broadcast %parallel_loop3A_119 : i32 to vector<16xi32>
        %parallel_loop3A_121 = arith.shrui %parallel_loop3A_114, %parallel_loop3A_120 : vector<16xi32>
        %parallel_loop3A_122 = arith.ori %parallel_loop3A_118, %parallel_loop3A_121 : vector<16xi32>
        %parallel_loop3A_123 = arith.xori %parallel_loop3A_122, %parallel_loop3A_115 : vector<16xi32>
        %parallel_loop3A_124 = arith.addi %parallel_loop3A_115, %parallel_loop3A_123 : vector<16xi32>
        %parallel_loop3A_125 = arith.constant 6 : i32
        %parallel_loop3A_126 = vector.broadcast %parallel_loop3A_125 : i32 to vector<16xi32>
        %parallel_loop3A_127 = arith.shli %parallel_loop3A_123, %parallel_loop3A_126 : vector<16xi32>
        %parallel_loop3A_128 = arith.constant 26 : i32
        %parallel_loop3A_129 = vector.broadcast %parallel_loop3A_128 : i32 to vector<16xi32>
        %parallel_loop3A_130 = arith.shrui %parallel_loop3A_123, %parallel_loop3A_129 : vector<16xi32>
        %parallel_loop3A_131 = arith.ori %parallel_loop3A_127, %parallel_loop3A_130 : vector<16xi32>
        %parallel_loop3A_132 = arith.xori %parallel_loop3A_131, %parallel_loop3A_124 : vector<16xi32>
        %parallel_loop3A_133 = arith.constant 42 : i32
        %parallel_loop3A_134 = vector.broadcast %parallel_loop3A_133 : i32 to vector<16xi32>
        %parallel_loop3A_135 = arith.addi %parallel_loop3A_124, %parallel_loop3A_134 : vector<16xi32>
        %parallel_loop3A_136 = arith.constant 466689009 : i32
        %parallel_loop3A_137 = vector.broadcast %parallel_loop3A_136 : i32 to vector<16xi32>
        %parallel_loop3A_138 = arith.addi %parallel_loop3A_132, %parallel_loop3A_137 : vector<16xi32>
        %parallel_loop3A_139 = arith.addi %parallel_loop3A_135, %parallel_loop3A_138 : vector<16xi32>
        %parallel_loop3A_140 = arith.constant 17 : i32
        %parallel_loop3A_141 = vector.broadcast %parallel_loop3A_140 : i32 to vector<16xi32>
        %parallel_loop3A_142 = arith.shli %parallel_loop3A_138, %parallel_loop3A_141 : vector<16xi32>
        %parallel_loop3A_143 = arith.constant 15 : i32
        %parallel_loop3A_144 = vector.broadcast %parallel_loop3A_143 : i32 to vector<16xi32>
        %parallel_loop3A_145 = arith.shrui %parallel_loop3A_138, %parallel_loop3A_144 : vector<16xi32>
        %parallel_loop3A_146 = arith.ori %parallel_loop3A_142, %parallel_loop3A_145 : vector<16xi32>
        %parallel_loop3A_147 = arith.xori %parallel_loop3A_146, %parallel_loop3A_139 : vector<16xi32>
        %parallel_loop3A_148 = arith.addi %parallel_loop3A_139, %parallel_loop3A_147 : vector<16xi32>
        %parallel_loop3A_149 = arith.constant 29 : i32
        %parallel_loop3A_150 = vector.broadcast %parallel_loop3A_149 : i32 to vector<16xi32>
        %parallel_loop3A_151 = arith.shli %parallel_loop3A_147, %parallel_loop3A_150 : vector<16xi32>
        %parallel_loop3A_152 = arith.constant 3 : i32
        %parallel_loop3A_153 = vector.broadcast %parallel_loop3A_152 : i32 to vector<16xi32>
        %parallel_loop3A_154 = arith.shrui %parallel_loop3A_147, %parallel_loop3A_153 : vector<16xi32>
        %parallel_loop3A_155 = arith.ori %parallel_loop3A_151, %parallel_loop3A_154 : vector<16xi32>
        %parallel_loop3A_156 = arith.xori %parallel_loop3A_155, %parallel_loop3A_148 : vector<16xi32>
        %parallel_loop3A_157 = arith.addi %parallel_loop3A_148, %parallel_loop3A_156 : vector<16xi32>
        %parallel_loop3A_158 = arith.constant 16 : i32
        %parallel_loop3A_159 = vector.broadcast %parallel_loop3A_158 : i32 to vector<16xi32>
        %parallel_loop3A_160 = arith.shli %parallel_loop3A_156, %parallel_loop3A_159 : vector<16xi32>
        %parallel_loop3A_161 = arith.constant 16 : i32
        %parallel_loop3A_162 = vector.broadcast %parallel_loop3A_161 : i32 to vector<16xi32>
        %parallel_loop3A_163 = arith.shrui %parallel_loop3A_156, %parallel_loop3A_162 : vector<16xi32>
        %parallel_loop3A_164 = arith.ori %parallel_loop3A_160, %parallel_loop3A_163 : vector<16xi32>
        %parallel_loop3A_165 = arith.xori %parallel_loop3A_164, %parallel_loop3A_157 : vector<16xi32>
        %parallel_loop3A_166 = arith.addi %parallel_loop3A_157, %parallel_loop3A_165 : vector<16xi32>
        %parallel_loop3A_167 = arith.constant 24 : i32
        %parallel_loop3A_168 = vector.broadcast %parallel_loop3A_167 : i32 to vector<16xi32>
        %parallel_loop3A_169 = arith.shli %parallel_loop3A_165, %parallel_loop3A_168 : vector<16xi32>
        %parallel_loop3A_170 = arith.constant 8 : i32
        %parallel_loop3A_171 = vector.broadcast %parallel_loop3A_170 : i32 to vector<16xi32>
        %parallel_loop3A_172 = arith.shrui %parallel_loop3A_165, %parallel_loop3A_171 : vector<16xi32>
        %parallel_loop3A_173 = arith.ori %parallel_loop3A_169, %parallel_loop3A_172 : vector<16xi32>
        %parallel_loop3A_174 = arith.xori %parallel_loop3A_173, %parallel_loop3A_166 : vector<16xi32>
        %parallel_loop3A_175 = arith.constant 466689008 : i32
        %parallel_loop3A_176 = vector.broadcast %parallel_loop3A_175 : i32 to vector<16xi32>
        %parallel_loop3A_177 = arith.addi %parallel_loop3A_166, %parallel_loop3A_176 : vector<16xi32>
        %parallel_loop3A_178 = arith.constant 2 : i32
        %parallel_loop3A_179 = vector.broadcast %parallel_loop3A_178 : i32 to vector<16xi32>
        %parallel_loop3A_180 = arith.addi %parallel_loop3A_174, %parallel_loop3A_179 : vector<16xi32>
        %parallel_loop3A_181 = arith.addi %parallel_loop3A_177, %parallel_loop3A_180 : vector<16xi32>
        %parallel_loop3A_182 = arith.constant 13 : i32
        %parallel_loop3A_183 = vector.broadcast %parallel_loop3A_182 : i32 to vector<16xi32>
        %parallel_loop3A_184 = arith.shli %parallel_loop3A_180, %parallel_loop3A_183 : vector<16xi32>
        %parallel_loop3A_185 = arith.constant 19 : i32
        %parallel_loop3A_186 = vector.broadcast %parallel_loop3A_185 : i32 to vector<16xi32>
        %parallel_loop3A_187 = arith.shrui %parallel_loop3A_180, %parallel_loop3A_186 : vector<16xi32>
        %parallel_loop3A_188 = arith.ori %parallel_loop3A_184, %parallel_loop3A_187 : vector<16xi32>
        %parallel_loop3A_189 = arith.xori %parallel_loop3A_188, %parallel_loop3A_181 : vector<16xi32>
        %parallel_loop3A_190 = arith.addi %parallel_loop3A_181, %parallel_loop3A_189 : vector<16xi32>
        %parallel_loop3A_191 = arith.constant 15 : i32
        %parallel_loop3A_192 = vector.broadcast %parallel_loop3A_191 : i32 to vector<16xi32>
        %parallel_loop3A_193 = arith.shli %parallel_loop3A_189, %parallel_loop3A_192 : vector<16xi32>
        %parallel_loop3A_194 = arith.constant 17 : i32
        %parallel_loop3A_195 = vector.broadcast %parallel_loop3A_194 : i32 to vector<16xi32>
        %parallel_loop3A_196 = arith.shrui %parallel_loop3A_189, %parallel_loop3A_195 : vector<16xi32>
        %parallel_loop3A_197 = arith.ori %parallel_loop3A_193, %parallel_loop3A_196 : vector<16xi32>
        %parallel_loop3A_198 = arith.xori %parallel_loop3A_197, %parallel_loop3A_190 : vector<16xi32>
        %parallel_loop3A_199 = arith.addi %parallel_loop3A_190, %parallel_loop3A_198 : vector<16xi32>
        %parallel_loop3A_200 = arith.constant 26 : i32
        %parallel_loop3A_201 = vector.broadcast %parallel_loop3A_200 : i32 to vector<16xi32>
        %parallel_loop3A_202 = arith.shli %parallel_loop3A_198, %parallel_loop3A_201 : vector<16xi32>
        %parallel_loop3A_203 = arith.constant 6 : i32
        %parallel_loop3A_204 = vector.broadcast %parallel_loop3A_203 : i32 to vector<16xi32>
        %parallel_loop3A_205 = arith.shrui %parallel_loop3A_198, %parallel_loop3A_204 : vector<16xi32>
        %parallel_loop3A_206 = arith.ori %parallel_loop3A_202, %parallel_loop3A_205 : vector<16xi32>
        %parallel_loop3A_207 = arith.xori %parallel_loop3A_206, %parallel_loop3A_199 : vector<16xi32>
        %parallel_loop3A_208 = arith.addi %parallel_loop3A_199, %parallel_loop3A_207 : vector<16xi32>
        %parallel_loop3A_209 = arith.constant 6 : i32
        %parallel_loop3A_210 = vector.broadcast %parallel_loop3A_209 : i32 to vector<16xi32>
        %parallel_loop3A_211 = arith.shli %parallel_loop3A_207, %parallel_loop3A_210 : vector<16xi32>
        %parallel_loop3A_212 = arith.constant 26 : i32
        %parallel_loop3A_213 = vector.broadcast %parallel_loop3A_212 : i32 to vector<16xi32>
        %parallel_loop3A_214 = arith.shrui %parallel_loop3A_207, %parallel_loop3A_213 : vector<16xi32>
        %parallel_loop3A_215 = arith.ori %parallel_loop3A_211, %parallel_loop3A_214 : vector<16xi32>
        %parallel_loop3A_216 = arith.xori %parallel_loop3A_215, %parallel_loop3A_208 : vector<16xi32>
        %parallel_loop3A_217 = arith.constant 0 : i32
        %parallel_loop3A_218 = vector.broadcast %parallel_loop3A_217 : i32 to vector<16xi32>
        %parallel_loop3A_219 = arith.addi %parallel_loop3A_208, %parallel_loop3A_218 : vector<16xi32>
        %parallel_loop3A_220 = arith.constant 45 : i32
        %parallel_loop3A_221 = vector.broadcast %parallel_loop3A_220 : i32 to vector<16xi32>
        %parallel_loop3A_222 = arith.addi %parallel_loop3A_216, %parallel_loop3A_221 : vector<16xi32>
        %parallel_loop3A_223 = arith.addi %parallel_loop3A_219, %parallel_loop3A_222 : vector<16xi32>
        %parallel_loop3A_224 = arith.constant 17 : i32
        %parallel_loop3A_225 = vector.broadcast %parallel_loop3A_224 : i32 to vector<16xi32>
        %parallel_loop3A_226 = arith.shli %parallel_loop3A_222, %parallel_loop3A_225 : vector<16xi32>
        %parallel_loop3A_227 = arith.constant 15 : i32
        %parallel_loop3A_228 = vector.broadcast %parallel_loop3A_227 : i32 to vector<16xi32>
        %parallel_loop3A_229 = arith.shrui %parallel_loop3A_222, %parallel_loop3A_228 : vector<16xi32>
        %parallel_loop3A_230 = arith.ori %parallel_loop3A_226, %parallel_loop3A_229 : vector<16xi32>
        %parallel_loop3A_231 = arith.xori %parallel_loop3A_230, %parallel_loop3A_223 : vector<16xi32>
        %parallel_loop3A_232 = arith.addi %parallel_loop3A_223, %parallel_loop3A_231 : vector<16xi32>
        %parallel_loop3A_233 = arith.constant 29 : i32
        %parallel_loop3A_234 = vector.broadcast %parallel_loop3A_233 : i32 to vector<16xi32>
        %parallel_loop3A_235 = arith.shli %parallel_loop3A_231, %parallel_loop3A_234 : vector<16xi32>
        %parallel_loop3A_236 = arith.constant 3 : i32
        %parallel_loop3A_237 = vector.broadcast %parallel_loop3A_236 : i32 to vector<16xi32>
        %parallel_loop3A_238 = arith.shrui %parallel_loop3A_231, %parallel_loop3A_237 : vector<16xi32>
        %parallel_loop3A_239 = arith.ori %parallel_loop3A_235, %parallel_loop3A_238 : vector<16xi32>
        %parallel_loop3A_240 = arith.xori %parallel_loop3A_239, %parallel_loop3A_232 : vector<16xi32>
        %parallel_loop3A_241 = arith.addi %parallel_loop3A_232, %parallel_loop3A_240 : vector<16xi32>
        %parallel_loop3A_242 = arith.constant 16 : i32
        %parallel_loop3A_243 = vector.broadcast %parallel_loop3A_242 : i32 to vector<16xi32>
        %parallel_loop3A_244 = arith.shli %parallel_loop3A_240, %parallel_loop3A_243 : vector<16xi32>
        %parallel_loop3A_245 = arith.constant 16 : i32
        %parallel_loop3A_246 = vector.broadcast %parallel_loop3A_245 : i32 to vector<16xi32>
        %parallel_loop3A_247 = arith.shrui %parallel_loop3A_240, %parallel_loop3A_246 : vector<16xi32>
        %parallel_loop3A_248 = arith.ori %parallel_loop3A_244, %parallel_loop3A_247 : vector<16xi32>
        %parallel_loop3A_249 = arith.xori %parallel_loop3A_248, %parallel_loop3A_241 : vector<16xi32>
        %parallel_loop3A_250 = arith.addi %parallel_loop3A_241, %parallel_loop3A_249 : vector<16xi32>
        %parallel_loop3A_251 = arith.constant 24 : i32
        %parallel_loop3A_252 = vector.broadcast %parallel_loop3A_251 : i32 to vector<16xi32>
        %parallel_loop3A_253 = arith.shli %parallel_loop3A_249, %parallel_loop3A_252 : vector<16xi32>
        %parallel_loop3A_254 = arith.constant 8 : i32
        %parallel_loop3A_255 = vector.broadcast %parallel_loop3A_254 : i32 to vector<16xi32>
        %parallel_loop3A_256 = arith.shrui %parallel_loop3A_249, %parallel_loop3A_255 : vector<16xi32>
        %parallel_loop3A_257 = arith.ori %parallel_loop3A_253, %parallel_loop3A_256 : vector<16xi32>
        %parallel_loop3A_258 = arith.xori %parallel_loop3A_257, %parallel_loop3A_250 : vector<16xi32>
        %parallel_loop3A_259 = arith.constant 42 : i32
        %parallel_loop3A_260 = vector.broadcast %parallel_loop3A_259 : i32 to vector<16xi32>
        %parallel_loop3A_261 = arith.addi %parallel_loop3A_250, %parallel_loop3A_260 : vector<16xi32>
        %parallel_loop3A_262 = arith.constant 466689012 : i32
        %parallel_loop3A_263 = vector.broadcast %parallel_loop3A_262 : i32 to vector<16xi32>
        %parallel_loop3A_264 = arith.addi %parallel_loop3A_258, %parallel_loop3A_263 : vector<16xi32>
        %parallel_loop3A_265 = arith.addi %parallel_loop3A_261, %parallel_loop3A_264 : vector<16xi32>
        %parallel_loop3A_266 = arith.constant 13 : i32
        %parallel_loop3A_267 = vector.broadcast %parallel_loop3A_266 : i32 to vector<16xi32>
        %parallel_loop3A_268 = arith.shli %parallel_loop3A_264, %parallel_loop3A_267 : vector<16xi32>
        %parallel_loop3A_269 = arith.constant 19 : i32
        %parallel_loop3A_270 = vector.broadcast %parallel_loop3A_269 : i32 to vector<16xi32>
        %parallel_loop3A_271 = arith.shrui %parallel_loop3A_264, %parallel_loop3A_270 : vector<16xi32>
        %parallel_loop3A_272 = arith.ori %parallel_loop3A_268, %parallel_loop3A_271 : vector<16xi32>
        %parallel_loop3A_273 = arith.xori %parallel_loop3A_272, %parallel_loop3A_265 : vector<16xi32>
        %parallel_loop3A_274 = arith.addi %parallel_loop3A_265, %parallel_loop3A_273 : vector<16xi32>
        %parallel_loop3A_275 = arith.constant 15 : i32
        %parallel_loop3A_276 = vector.broadcast %parallel_loop3A_275 : i32 to vector<16xi32>
        %parallel_loop3A_277 = arith.shli %parallel_loop3A_273, %parallel_loop3A_276 : vector<16xi32>
        %parallel_loop3A_278 = arith.constant 17 : i32
        %parallel_loop3A_279 = vector.broadcast %parallel_loop3A_278 : i32 to vector<16xi32>
        %parallel_loop3A_280 = arith.shrui %parallel_loop3A_273, %parallel_loop3A_279 : vector<16xi32>
        %parallel_loop3A_281 = arith.ori %parallel_loop3A_277, %parallel_loop3A_280 : vector<16xi32>
        %parallel_loop3A_282 = arith.xori %parallel_loop3A_281, %parallel_loop3A_274 : vector<16xi32>
        %parallel_loop3A_283 = arith.addi %parallel_loop3A_274, %parallel_loop3A_282 : vector<16xi32>
        %parallel_loop3A_284 = arith.constant 26 : i32
        %parallel_loop3A_285 = vector.broadcast %parallel_loop3A_284 : i32 to vector<16xi32>
        %parallel_loop3A_286 = arith.shli %parallel_loop3A_282, %parallel_loop3A_285 : vector<16xi32>
        %parallel_loop3A_287 = arith.constant 6 : i32
        %parallel_loop3A_288 = vector.broadcast %parallel_loop3A_287 : i32 to vector<16xi32>
        %parallel_loop3A_289 = arith.shrui %parallel_loop3A_282, %parallel_loop3A_288 : vector<16xi32>
        %parallel_loop3A_290 = arith.ori %parallel_loop3A_286, %parallel_loop3A_289 : vector<16xi32>
        %parallel_loop3A_291 = arith.xori %parallel_loop3A_290, %parallel_loop3A_283 : vector<16xi32>
        %parallel_loop3A_292 = arith.addi %parallel_loop3A_283, %parallel_loop3A_291 : vector<16xi32>
        %parallel_loop3A_293 = arith.constant 6 : i32
        %parallel_loop3A_294 = vector.broadcast %parallel_loop3A_293 : i32 to vector<16xi32>
        %parallel_loop3A_295 = arith.shli %parallel_loop3A_291, %parallel_loop3A_294 : vector<16xi32>
        %parallel_loop3A_296 = arith.constant 26 : i32
        %parallel_loop3A_297 = vector.broadcast %parallel_loop3A_296 : i32 to vector<16xi32>
        %parallel_loop3A_298 = arith.shrui %parallel_loop3A_291, %parallel_loop3A_297 : vector<16xi32>
        %parallel_loop3A_299 = arith.ori %parallel_loop3A_295, %parallel_loop3A_298 : vector<16xi32>
        %parallel_loop3A_300 = arith.xori %parallel_loop3A_299, %parallel_loop3A_292 : vector<16xi32>
        %parallel_loop3A_301 = arith.constant 466689008 : i32
        %parallel_loop3A_302 = vector.broadcast %parallel_loop3A_301 : i32 to vector<16xi32>
        %parallel_loop3A_303 = arith.addi %parallel_loop3A_292, %parallel_loop3A_302 : vector<16xi32>
        %parallel_loop3A_304 = arith.constant 5 : i32
        %parallel_loop3A_305 = vector.broadcast %parallel_loop3A_304 : i32 to vector<16xi32>
        %parallel_loop3A_306 = arith.addi %parallel_loop3A_300, %parallel_loop3A_305 : vector<16xi32>
        %parallel_loop3A_307 = arith.xori %parallel_loop3A_303, %parallel_loop3A_306 : vector<16xi32>
        %parallel_loop3A_308 = arith.constant 0 : i32
        %parallel_loop3A_309 = arith.addi %parallel_loop3A_91, %parallel_loop3A_308 : i32
        %parallel_loop3A_310 = arith.constant 0 : i32
        %parallel_loop3A_311 = vector.broadcast %parallel_loop3A_310 : i32 to vector<16xi32>
        %parallel_loop3A_312 = arith.cmpi sge, %parallel_loop3A_307, %parallel_loop3A_311 : vector<16xi32>
        %parallel_loop3A_313 = arith.index_cast %parallel_loop3A_309 : i32 to index
        %parallel_loop3A_314 = tpu.vector_load %arg5[%parallel_loop3A_313] {strides = array<i32>} : memref<20480xf32, #tpu.memory_space<vmem>>, vector<16xf32>,
        %parallel_loop3A_315 = vector.shape_cast %parallel_loop3A_314 : vector<16xf32> to vector<16xf32>
        %parallel_loop3A_316 = arith.constant 2.000000e+00 : f32
        %parallel_loop3A_317 = vector.broadcast %parallel_loop3A_316 : f32 to vector<16xf32>
        %parallel_loop3A_318 = arith.mulf %parallel_loop3A_315, %parallel_loop3A_317 : vector<16xf32>
        %parallel_loop3A_319 = arith.constant 0.000000e+00 : f32
        %parallel_loop3A_320 = vector.broadcast %parallel_loop3A_319 : f32 to vector<16xf32>
        %parallel_loop3A_321 = arith.select %parallel_loop3A_312, %parallel_loop3A_318, %parallel_loop3A_320 : vector<16xi1>, vector<16xf32>
        %parallel_loop3A_322 = arith.index_cast %parallel_loop3A_309 : i32 to index
        %parallel_loop3A_323 = tpu.vector_load %arg7[%parallel_loop3A_322] {strides = array<i32>} : memref<20480xf32, #tpu.memory_space<vmem>>, vector<16xf32>,
        %parallel_loop3A_324 = vector.shape_cast %parallel_loop3A_323 : vector<16xf32> to vector<16xf32>
        %parallel_loop3A_325 = vector.shape_cast %parallel_loop3A_321 : vector<16xf32> to vector<16xf32>
        tpu.vector_store %arg7[%parallel_loop3A_322], %parallel_loop3A_325 {strides = array<i32>} : memref<20480xf32, #tpu.memory_space<vmem>>, vector<16xf32>,
        %parallel_loop3A_326 = arith.addi %add3A_81, %parallel_loop3A_91 : i32
        %parallel_loop3A_327 = arith.constant 16 : i32
        %parallel_loop3A_328 = arith.addi %parallel_loop3A_326, %parallel_loop3A_327 : i32
        %parallel_loop3A_329 = vector.broadcast %parallel_loop3A_328 : i32 to vector<16xi32>
        %parallel_loop3A_330 = arith.addi %parallel_loop3A_92, %parallel_loop3A_329 : vector<16xi32>
        %parallel_loop3A_331 = arith.constant 13 : i32
        %parallel_loop3A_332 = vector.broadcast %parallel_loop3A_331 : i32 to vector<16xi32>
        %parallel_loop3A_333 = arith.shli %parallel_loop3A_330, %parallel_loop3A_332 : vector<16xi32>
        %parallel_loop3A_334 = arith.constant 19 : i32
        %parallel_loop3A_335 = vector.broadcast %parallel_loop3A_334 : i32 to vector<16xi32>
        %parallel_loop3A_336 = arith.shrui %parallel_loop3A_330, %parallel_loop3A_335 : vector<16xi32>
        %parallel_loop3A_337 = arith.ori %parallel_loop3A_333, %parallel_loop3A_336 : vector<16xi32>
        %parallel_loop3A_338 = arith.xori %parallel_loop3A_337, %parallel_loop3A_330 : vector<16xi32>
        %parallel_loop3A_339 = arith.addi %parallel_loop3A_330, %parallel_loop3A_338 : vector<16xi32>
        %parallel_loop3A_340 = arith.constant 15 : i32
        %parallel_loop3A_341 = vector.broadcast %parallel_loop3A_340 : i32 to vector<16xi32>
        %parallel_loop3A_342 = arith.shli %parallel_loop3A_338, %parallel_loop3A_341 : vector<16xi32>
        %parallel_loop3A_343 = arith.constant 17 : i32
        %parallel_loop3A_344 = vector.broadcast %parallel_loop3A_343 : i32 to vector<16xi32>
        %parallel_loop3A_345 = arith.shrui %parallel_loop3A_338, %parallel_loop3A_344 : vector<16xi32>
        %parallel_loop3A_346 = arith.ori %parallel_loop3A_342, %parallel_loop3A_345 : vector<16xi32>
        %parallel_loop3A_347 = arith.xori %parallel_loop3A_346, %parallel_loop3A_339 : vector<16xi32>
        %parallel_loop3A_348 = arith.addi %parallel_loop3A_339, %parallel_loop3A_347 : vector<16xi32>
        %parallel_loop3A_349 = arith.constant 26 : i32
        %parallel_loop3A_350 = vector.broadcast %parallel_loop3A_349 : i32 to vector<16xi32>
        %parallel_loop3A_351 = arith.shli %parallel_loop3A_347, %parallel_loop3A_350 : vector<16xi32>
        %parallel_loop3A_352 = arith.constant 6 : i32
        %parallel_loop3A_353 = vector.broadcast %parallel_loop3A_352 : i32 to vector<16xi32>
        %parallel_loop3A_354 = arith.shrui %parallel_loop3A_347, %parallel_loop3A_353 : vector<16xi32>
        %parallel_loop3A_355 = arith.ori %parallel_loop3A_351, %parallel_loop3A_354 : vector<16xi32>
        %parallel_loop3A_356 = arith.xori %parallel_loop3A_355, %parallel_loop3A_348 : vector<16xi32>
        %parallel_loop3A_357 = arith.addi %parallel_loop3A_348, %parallel_loop3A_356 : vector<16xi32>
        %parallel_loop3A_358 = arith.constant 6 : i32
        %parallel_loop3A_359 = vector.broadcast %parallel_loop3A_358 : i32 to vector<16xi32>
        %parallel_loop3A_360 = arith.shli %parallel_loop3A_356, %parallel_loop3A_359 : vector<16xi32>
        %parallel_loop3A_361 = arith.constant 26 : i32
        %parallel_loop3A_362 = vector.broadcast %parallel_loop3A_361 : i32 to vector<16xi32>
        %parallel_loop3A_363 = arith.shrui %parallel_loop3A_356, %parallel_loop3A_362 : vector<16xi32>
        %parallel_loop3A_364 = arith.ori %parallel_loop3A_360, %parallel_loop3A_363 : vector<16xi32>
        %parallel_loop3A_365 = arith.xori %parallel_loop3A_364, %parallel_loop3A_357 : vector<16xi32>
        %parallel_loop3A_366 = arith.constant 42 : i32
        %parallel_loop3A_367 = vector.broadcast %parallel_loop3A_366 : i32 to vector<16xi32>
        %parallel_loop3A_368 = arith.addi %parallel_loop3A_357, %parallel_loop3A_367 : vector<16xi32>
        %parallel_loop3A_369 = arith.constant 466689009 : i32
        %parallel_loop3A_370 = vector.broadcast %parallel_loop3A_369 : i32 to vector<16xi32>
        %parallel_loop3A_371 = arith.addi %parallel_loop3A_365, %parallel_loop3A_370 : vector<16xi32>
        %parallel_loop3A_372 = arith.addi %parallel_loop3A_368, %parallel_loop3A_371 : vector<16xi32>
        %parallel_loop3A_373 = arith.constant 17 : i32
        %parallel_loop3A_374 = vector.broadcast %parallel_loop3A_373 : i32 to vector<16xi32>
        %parallel_loop3A_375 = arith.shli %parallel_loop3A_371, %parallel_loop3A_374 : vector<16xi32>
        %parallel_loop3A_376 = arith.constant 15 : i32
        %parallel_loop3A_377 = vector.broadcast %parallel_loop3A_376 : i32 to vector<16xi32>
        %parallel_loop3A_378 = arith.shrui %parallel_loop3A_371, %parallel_loop3A_377 : vector<16xi32>
        %parallel_loop3A_379 = arith.ori %parallel_loop3A_375, %parallel_loop3A_378 : vector<16xi32>
        %parallel_loop3A_380 = arith.xori %parallel_loop3A_379, %parallel_loop3A_372 : vector<16xi32>
        %parallel_loop3A_381 = arith.addi %parallel_loop3A_372, %parallel_loop3A_380 : vector<16xi32>
        %parallel_loop3A_382 = arith.constant 29 : i32
        %parallel_loop3A_383 = vector.broadcast %parallel_loop3A_382 : i32 to vector<16xi32>
        %parallel_loop3A_384 = arith.shli %parallel_loop3A_380, %parallel_loop3A_383 : vector<16xi32>
        %parallel_loop3A_385 = arith.constant 3 : i32
        %parallel_loop3A_386 = vector.broadcast %parallel_loop3A_385 : i32 to vector<16xi32>
        %parallel_loop3A_387 = arith.shrui %parallel_loop3A_380, %parallel_loop3A_386 : vector<16xi32>
        %parallel_loop3A_388 = arith.ori %parallel_loop3A_384, %parallel_loop3A_387 : vector<16xi32>
        %parallel_loop3A_389 = arith.xori %parallel_loop3A_388, %parallel_loop3A_381 : vector<16xi32>
        %parallel_loop3A_390 = arith.addi %parallel_loop3A_381, %parallel_loop3A_389 : vector<16xi32>
        %parallel_loop3A_391 = arith.constant 16 : i32
        %parallel_loop3A_392 = vector.broadcast %parallel_loop3A_391 : i32 to vector<16xi32>
        %parallel_loop3A_393 = arith.shli %parallel_loop3A_389, %parallel_loop3A_392 : vector<16xi32>
        %parallel_loop3A_394 = arith.constant 16 : i32
        %parallel_loop3A_395 = vector.broadcast %parallel_loop3A_394 : i32 to vector<16xi32>
        %parallel_loop3A_396 = arith.shrui %parallel_loop3A_389, %parallel_loop3A_395 : vector<16xi32>
        %parallel_loop3A_397 = arith.ori %parallel_loop3A_393, %parallel_loop3A_396 : vector<16xi32>
        %parallel_loop3A_398 = arith.xori %parallel_loop3A_397, %parallel_loop3A_390 : vector<16xi32>
        %parallel_loop3A_399 = arith.addi %parallel_loop3A_390, %parallel_loop3A_398 : vector<16xi32>
        %parallel_loop3A_400 = arith.constant 24 : i32
        %parallel_loop3A_401 = vector.broadcast %parallel_loop3A_400 : i32 to vector<16xi32>
        %parallel_loop3A_402 = arith.shli %parallel_loop3A_398, %parallel_loop3A_401 : vector<16xi32>
        %parallel_loop3A_403 = arith.constant 8 : i32
        %parallel_loop3A_404 = vector.broadcast %parallel_loop3A_403 : i32 to vector<16xi32>
        %parallel_loop3A_405 = arith.shrui %parallel_loop3A_398, %parallel_loop3A_404 : vector<16xi32>
        %parallel_loop3A_406 = arith.ori %parallel_loop3A_402, %parallel_loop3A_405 : vector<16xi32>
        %parallel_loop3A_407 = arith.xori %parallel_loop3A_406, %parallel_loop3A_399 : vector<16xi32>
        %parallel_loop3A_408 = arith.constant 466689008 : i32
        %parallel_loop3A_409 = vector.broadcast %parallel_loop3A_408 : i32 to vector<16xi32>
        %parallel_loop3A_410 = arith.addi %parallel_loop3A_399, %parallel_loop3A_409 : vector<16xi32>
        %parallel_loop3A_411 = arith.constant 2 : i32
        %parallel_loop3A_412 = vector.broadcast %parallel_loop3A_411 : i32 to vector<16xi32>
        %parallel_loop3A_413 = arith.addi %parallel_loop3A_407, %parallel_loop3A_412 : vector<16xi32>
        %parallel_loop3A_414 = arith.addi %parallel_loop3A_410, %parallel_loop3A_413 : vector<16xi32>
        %parallel_loop3A_415 = arith.constant 13 : i32
        %parallel_loop3A_416 = vector.broadcast %parallel_loop3A_415 : i32 to vector<16xi32>
        %parallel_loop3A_417 = arith.shli %parallel_loop3A_413, %parallel_loop3A_416 : vector<16xi32>
        %parallel_loop3A_418 = arith.constant 19 : i32
        %parallel_loop3A_419 = vector.broadcast %parallel_loop3A_418 : i32 to vector<16xi32>
        %parallel_loop3A_420 = arith.shrui %parallel_loop3A_413, %parallel_loop3A_419 : vector<16xi32>
        %parallel_loop3A_421 = arith.ori %parallel_loop3A_417, %parallel_loop3A_420 : vector<16xi32>
        %parallel_loop3A_422 = arith.xori %parallel_loop3A_421, %parallel_loop3A_414 : vector<16xi32>
        %parallel_loop3A_423 = arith.addi %parallel_loop3A_414, %parallel_loop3A_422 : vector<16xi32>
        %parallel_loop3A_424 = arith.constant 15 : i32
        %parallel_loop3A_425 = vector.broadcast %parallel_loop3A_424 : i32 to vector<16xi32>
        %parallel_loop3A_426 = arith.shli %parallel_loop3A_422, %parallel_loop3A_425 : vector<16xi32>
        %parallel_loop3A_427 = arith.constant 17 : i32
        %parallel_loop3A_428 = vector.broadcast %parallel_loop3A_427 : i32 to vector<16xi32>
        %parallel_loop3A_429 = arith.shrui %parallel_loop3A_422, %parallel_loop3A_428 : vector<16xi32>
        %parallel_loop3A_430 = arith.ori %parallel_loop3A_426, %parallel_loop3A_429 : vector<16xi32>
        %parallel_loop3A_431 = arith.xori %parallel_loop3A_430, %parallel_loop3A_423 : vector<16xi32>
        %parallel_loop3A_432 = arith.addi %parallel_loop3A_423, %parallel_loop3A_431 : vector<16xi32>
        %parallel_loop3A_433 = arith.constant 26 : i32
        %parallel_loop3A_434 = vector.broadcast %parallel_loop3A_433 : i32 to vector<16xi32>
        %parallel_loop3A_435 = arith.shli %parallel_loop3A_431, %parallel_loop3A_434 : vector<16xi32>
        %parallel_loop3A_436 = arith.constant 6 : i32
        %parallel_loop3A_437 = vector.broadcast %parallel_loop3A_436 : i32 to vector<16xi32>
        %parallel_loop3A_438 = arith.shrui %parallel_loop3A_431, %parallel_loop3A_437 : vector<16xi32>
        %parallel_loop3A_439 = arith.ori %parallel_loop3A_435, %parallel_loop3A_438 : vector<16xi32>
        %parallel_loop3A_440 = arith.xori %parallel_loop3A_439, %parallel_loop3A_432 : vector<16xi32>
        %parallel_loop3A_441 = arith.addi %parallel_loop3A_432, %parallel_loop3A_440 : vector<16xi32>
        %parallel_loop3A_442 = arith.constant 6 : i32
        %parallel_loop3A_443 = vector.broadcast %parallel_loop3A_442 : i32 to vector<16xi32>
        %parallel_loop3A_444 = arith.shli %parallel_loop3A_440, %parallel_loop3A_443 : vector<16xi32>
        %parallel_loop3A_445 = arith.constant 26 : i32
        %parallel_loop3A_446 = vector.broadcast %parallel_loop3A_445 : i32 to vector<16xi32>
        %parallel_loop3A_447 = arith.shrui %parallel_loop3A_440, %parallel_loop3A_446 : vector<16xi32>
        %parallel_loop3A_448 = arith.ori %parallel_loop3A_444, %parallel_loop3A_447 : vector<16xi32>
        %parallel_loop3A_449 = arith.xori %parallel_loop3A_448, %parallel_loop3A_441 : vector<16xi32>
        %parallel_loop3A_450 = arith.constant 0 : i32
        %parallel_loop3A_451 = vector.broadcast %parallel_loop3A_450 : i32 to vector<16xi32>
        %parallel_loop3A_452 = arith.addi %parallel_loop3A_441, %parallel_loop3A_451 : vector<16xi32>
        %parallel_loop3A_453 = arith.constant 45 : i32
        %parallel_loop3A_454 = vector.broadcast %parallel_loop3A_453 : i32 to vector<16xi32>
        %parallel_loop3A_455 = arith.addi %parallel_loop3A_449, %parallel_loop3A_454 : vector<16xi32>
        %parallel_loop3A_456 = arith.addi %parallel_loop3A_452, %parallel_loop3A_455 : vector<16xi32>
        %parallel_loop3A_457 = arith.constant 17 : i32
        %parallel_loop3A_458 = vector.broadcast %parallel_loop3A_457 : i32 to vector<16xi32>
        %parallel_loop3A_459 = arith.shli %parallel_loop3A_455, %parallel_loop3A_458 : vector<16xi32>
        %parallel_loop3A_460 = arith.constant 15 : i32
        %parallel_loop3A_461 = vector.broadcast %parallel_loop3A_460 : i32 to vector<16xi32>
        %parallel_loop3A_462 = arith.shrui %parallel_loop3A_455, %parallel_loop3A_461 : vector<16xi32>
        %parallel_loop3A_463 = arith.ori %parallel_loop3A_459, %parallel_loop3A_462 : vector<16xi32>
        %parallel_loop3A_464 = arith.xori %parallel_loop3A_463, %parallel_loop3A_456 : vector<16xi32>
        %parallel_loop3A_465 = arith.addi %parallel_loop3A_456, %parallel_loop3A_464 : vector<16xi32>
        %parallel_loop3A_466 = arith.constant 29 : i32
        %parallel_loop3A_467 = vector.broadcast %parallel_loop3A_466 : i32 to vector<16xi32>
        %parallel_loop3A_468 = arith.shli %parallel_loop3A_464, %parallel_loop3A_467 : vector<16xi32>
        %parallel_loop3A_469 = arith.constant 3 : i32
        %parallel_loop3A_470 = vector.broadcast %parallel_loop3A_469 : i32 to vector<16xi32>
        %parallel_loop3A_471 = arith.shrui %parallel_loop3A_464, %parallel_loop3A_470 : vector<16xi32>
        %parallel_loop3A_472 = arith.ori %parallel_loop3A_468, %parallel_loop3A_471 : vector<16xi32>
        %parallel_loop3A_473 = arith.xori %parallel_loop3A_472, %parallel_loop3A_465 : vector<16xi32>
        %parallel_loop3A_474 = arith.addi %parallel_loop3A_465, %parallel_loop3A_473 : vector<16xi32>
        %parallel_loop3A_475 = arith.constant 16 : i32
        %parallel_loop3A_476 = vector.broadcast %parallel_loop3A_475 : i32 to vector<16xi32>
        %parallel_loop3A_477 = arith.shli %parallel_loop3A_473, %parallel_loop3A_476 : vector<16xi32>
        %parallel_loop3A_478 = arith.constant 16 : i32
        %parallel_loop3A_479 = vector.broadcast %parallel_loop3A_478 : i32 to vector<16xi32>
        %parallel_loop3A_480 = arith.shrui %parallel_loop3A_473, %parallel_loop3A_479 : vector<16xi32>
        %parallel_loop3A_481 = arith.ori %parallel_loop3A_477, %parallel_loop3A_480 : vector<16xi32>
        %parallel_loop3A_482 = arith.xori %parallel_loop3A_481, %parallel_loop3A_474 : vector<16xi32>
        %parallel_loop3A_483 = arith.addi %parallel_loop3A_474, %parallel_loop3A_482 : vector<16xi32>
        %parallel_loop3A_484 = arith.constant 24 : i32
        %parallel_loop3A_485 = vector.broadcast %parallel_loop3A_484 : i32 to vector<16xi32>
        %parallel_loop3A_486 = arith.shli %parallel_loop3A_482, %parallel_loop3A_485 : vector<16xi32>
        %parallel_loop3A_487 = arith.constant 8 : i32
        %parallel_loop3A_488 = vector.broadcast %parallel_loop3A_487 : i32 to vector<16xi32>
        %parallel_loop3A_489 = arith.shrui %parallel_loop3A_482, %parallel_loop3A_488 : vector<16xi32>
        %parallel_loop3A_490 = arith.ori %parallel_loop3A_486, %parallel_loop3A_489 : vector<16xi32>
        %parallel_loop3A_491 = arith.xori %parallel_loop3A_490, %parallel_loop3A_483 : vector<16xi32>
        %parallel_loop3A_492 = arith.constant 42 : i32
        %parallel_loop3A_493 = vector.broadcast %parallel_loop3A_492 : i32 to vector<16xi32>
        %parallel_loop3A_494 = arith.addi %parallel_loop3A_483, %parallel_loop3A_493 : vector<16xi32>
        %parallel_loop3A_495 = arith.constant 466689012 : i32
        %parallel_loop3A_496 = vector.broadcast %parallel_loop3A_495 : i32 to vector<16xi32>
        %parallel_loop3A_497 = arith.addi %parallel_loop3A_491, %parallel_loop3A_496 : vector<16xi32>
        %parallel_loop3A_498 = arith.addi %parallel_loop3A_494, %parallel_loop3A_497 : vector<16xi32>
        %parallel_loop3A_499 = arith.constant 13 : i32
        %parallel_loop3A_500 = vector.broadcast %parallel_loop3A_499 : i32 to vector<16xi32>
        %parallel_loop3A_501 = arith.shli %parallel_loop3A_497, %parallel_loop3A_500 : vector<16xi32>
        %parallel_loop3A_502 = arith.constant 19 : i32
        %parallel_loop3A_503 = vector.broadcast %parallel_loop3A_502 : i32 to vector<16xi32>
        %parallel_loop3A_504 = arith.shrui %parallel_loop3A_497, %parallel_loop3A_503 : vector<16xi32>
        %parallel_loop3A_505 = arith.ori %parallel_loop3A_501, %parallel_loop3A_504 : vector<16xi32>
        %parallel_loop3A_506 = arith.xori %parallel_loop3A_505, %parallel_loop3A_498 : vector<16xi32>
        %parallel_loop3A_507 = arith.addi %parallel_loop3A_498, %parallel_loop3A_506 : vector<16xi32>
        %parallel_loop3A_508 = arith.constant 15 : i32
        %parallel_loop3A_509 = vector.broadcast %parallel_loop3A_508 : i32 to vector<16xi32>
        %parallel_loop3A_510 = arith.shli %parallel_loop3A_506, %parallel_loop3A_509 : vector<16xi32>
        %parallel_loop3A_511 = arith.constant 17 : i32
        %parallel_loop3A_512 = vector.broadcast %parallel_loop3A_511 : i32 to vector<16xi32>
        %parallel_loop3A_513 = arith.shrui %parallel_loop3A_506, %parallel_loop3A_512 : vector<16xi32>
        %parallel_loop3A_514 = arith.ori %parallel_loop3A_510, %parallel_loop3A_513 : vector<16xi32>
        %parallel_loop3A_515 = arith.xori %parallel_loop3A_514, %parallel_loop3A_507 : vector<16xi32>
        %parallel_loop3A_516 = arith.addi %parallel_loop3A_507, %parallel_loop3A_515 : vector<16xi32>
        %parallel_loop3A_517 = arith.constant 26 : i32
        %parallel_loop3A_518 = vector.broadcast %parallel_loop3A_517 : i32 to vector<16xi32>
        %parallel_loop3A_519 = arith.shli %parallel_loop3A_515, %parallel_loop3A_518 : vector<16xi32>
        %parallel_loop3A_520 = arith.constant 6 : i32
        %parallel_loop3A_521 = vector.broadcast %parallel_loop3A_520 : i32 to vector<16xi32>
        %parallel_loop3A_522 = arith.shrui %parallel_loop3A_515, %parallel_loop3A_521 : vector<16xi32>
        %parallel_loop3A_523 = arith.ori %parallel_loop3A_519, %parallel_loop3A_522 : vector<16xi32>
        %parallel_loop3A_524 = arith.xori %parallel_loop3A_523, %parallel_loop3A_516 : vector<16xi32>
        %parallel_loop3A_525 = arith.addi %parallel_loop3A_516, %parallel_loop3A_524 : vector<16xi32>
        %parallel_loop3A_526 = arith.constant 6 : i32
        %parallel_loop3A_527 = vector.broadcast %parallel_loop3A_526 : i32 to vector<16xi32>
        %parallel_loop3A_528 = arith.shli %parallel_loop3A_524, %parallel_loop3A_527 : vector<16xi32>
        %parallel_loop3A_529 = arith.constant 26 : i32
        %parallel_loop3A_530 = vector.broadcast %parallel_loop3A_529 : i32 to vector<16xi32>
        %parallel_loop3A_531 = arith.shrui %parallel_loop3A_524, %parallel_loop3A_530 : vector<16xi32>
        %parallel_loop3A_532 = arith.ori %parallel_loop3A_528, %parallel_loop3A_531 : vector<16xi32>
        %parallel_loop3A_533 = arith.xori %parallel_loop3A_532, %parallel_loop3A_525 : vector<16xi32>
        %parallel_loop3A_534 = arith.constant 466689008 : i32
        %parallel_loop3A_535 = vector.broadcast %parallel_loop3A_534 : i32 to vector<16xi32>
        %parallel_loop3A_536 = arith.addi %parallel_loop3A_525, %parallel_loop3A_535 : vector<16xi32>
        %parallel_loop3A_537 = arith.constant 5 : i32
        %parallel_loop3A_538 = vector.broadcast %parallel_loop3A_537 : i32 to vector<16xi32>
        %parallel_loop3A_539 = arith.addi %parallel_loop3A_533, %parallel_loop3A_538 : vector<16xi32>
        %parallel_loop3A_540 = arith.xori %parallel_loop3A_536, %parallel_loop3A_539 : vector<16xi32>
        %parallel_loop3A_541 = arith.constant 16 : i32
        %parallel_loop3A_542 = arith.addi %parallel_loop3A_91, %parallel_loop3A_541 : i32
        %parallel_loop3A_543 = arith.constant 0 : i32
        %parallel_loop3A_544 = vector.broadcast %parallel_loop3A_543 : i32 to vector<16xi32>
        %parallel_loop3A_545 = arith.cmpi sge, %parallel_loop3A_540, %parallel_loop3A_544 : vector<16xi32>
        %parallel_loop3A_546 = arith.index_cast %parallel_loop3A_542 : i32 to index
        %parallel_loop3A_547 = tpu.vector_load %arg5[%parallel_loop3A_546] {strides = array<i32>} : memref<20480xf32, #tpu.memory_space<vmem>>, vector<16xf32>,
        %parallel_loop3A_548 = vector.shape_cast %parallel_loop3A_547 : vector<16xf32> to vector<16xf32>
        %parallel_loop3A_549 = arith.constant 2.000000e+00 : f32
        %parallel_loop3A_550 = vector.broadcast %parallel_loop3A_549 : f32 to vector<16xf32>
        %parallel_loop3A_551 = arith.mulf %parallel_loop3A_548, %parallel_loop3A_550 : vector<16xf32>
        %parallel_loop3A_552 = arith.constant 0.000000e+00 : f32
        %parallel_loop3A_553 = vector.broadcast %parallel_loop3A_552 : f32 to vector<16xf32>
        %parallel_loop3A_554 = arith.select %parallel_loop3A_545, %parallel_loop3A_551, %parallel_loop3A_553 : vector<16xi1>, vector<16xf32>
        %parallel_loop3A_555 = arith.index_cast %parallel_loop3A_542 : i32 to index
        %parallel_loop3A_556 = tpu.vector_load %arg7[%parallel_loop3A_555] {strides = array<i32>} : memref<20480xf32, #tpu.memory_space<vmem>>, vector<16xf32>,
        %parallel_loop3A_557 = vector.shape_cast %parallel_loop3A_556 : vector<16xf32> to vector<16xf32>
        %parallel_loop3A_558 = vector.shape_cast %parallel_loop3A_554 : vector<16xf32> to vector<16xf32>
        tpu.vector_store %arg7[%parallel_loop3A_555], %parallel_loop3A_558 {strides = array<i32>} : memref<20480xf32, #tpu.memory_space<vmem>>, vector<16xf32>,
        %parallel_loop3A_559 = arith.addi %add3A_81, %parallel_loop3A_91 : i32
        %parallel_loop3A_560 = arith.constant 32 : i32
        %parallel_loop3A_561 = arith.addi %parallel_loop3A_559, %parallel_loop3A_560 : i32
        %parallel_loop3A_562 = vector.broadcast %parallel_loop3A_561 : i32 to vector<16xi32>
        %parallel_loop3A_563 = arith.addi %parallel_loop3A_92, %parallel_loop3A_562 : vector<16xi32>
        %parallel_loop3A_564 = arith.constant 13 : i32
        %parallel_loop3A_565 = vector.broadcast %parallel_loop3A_564 : i32 to vector<16xi32>
        %parallel_loop3A_566 = arith.shli %parallel_loop3A_563, %parallel_loop3A_565 : vector<16xi32>
        %parallel_loop3A_567 = arith.constant 19 : i32
        %parallel_loop3A_568 = vector.broadcast %parallel_loop3A_567 : i32 to vector<16xi32>
        %parallel_loop3A_569 = arith.shrui %parallel_loop3A_563, %parallel_loop3A_568 : vector<16xi32>
        %parallel_loop3A_570 = arith.ori %parallel_loop3A_566, %parallel_loop3A_569 : vector<16xi32>
        %parallel_loop3A_571 = arith.xori %parallel_loop3A_570, %parallel_loop3A_563 : vector<16xi32>
        %parallel_loop3A_572 = arith.addi %parallel_loop3A_563, %parallel_loop3A_571 : vector<16xi32>
        %parallel_loop3A_573 = arith.constant 15 : i32
        %parallel_loop3A_574 = vector.broadcast %parallel_loop3A_573 : i32 to vector<16xi32>
        %parallel_loop3A_575 = arith.shli %parallel_loop3A_571, %parallel_loop3A_574 : vector<16xi32>
        %parallel_loop3A_576 = arith.constant 17 : i32
        %parallel_loop3A_577 = vector.broadcast %parallel_loop3A_576 : i32 to vector<16xi32>
        %parallel_loop3A_578 = arith.shrui %parallel_loop3A_571, %parallel_loop3A_577 : vector<16xi32>
        %parallel_loop3A_579 = arith.ori %parallel_loop3A_575, %parallel_loop3A_578 : vector<16xi32>
        %parallel_loop3A_580 = arith.xori %parallel_loop3A_579, %parallel_loop3A_572 : vector<16xi32>
        %parallel_loop3A_581 = arith.addi %parallel_loop3A_572, %parallel_loop3A_580 : vector<16xi32>
        %parallel_loop3A_582 = arith.constant 26 : i32
        %parallel_loop3A_583 = vector.broadcast %parallel_loop3A_582 : i32 to vector<16xi32>
        %parallel_loop3A_584 = arith.shli %parallel_loop3A_580, %parallel_loop3A_583 : vector<16xi32>
        %parallel_loop3A_585 = arith.constant 6 : i32
        %parallel_loop3A_586 = vector.broadcast %parallel_loop3A_585 : i32 to vector<16xi32>
        %parallel_loop3A_587 = arith.shrui %parallel_loop3A_580, %parallel_loop3A_586 : vector<16xi32>
        %parallel_loop3A_588 = arith.ori %parallel_loop3A_584, %parallel_loop3A_587 : vector<16xi32>
        %parallel_loop3A_589 = arith.xori %parallel_loop3A_588, %parallel_loop3A_581 : vector<16xi32>
        %parallel_loop3A_590 = arith.addi %parallel_loop3A_581, %parallel_loop3A_589 : vector<16xi32>
        %parallel_loop3A_591 = arith.constant 6 : i32
        %parallel_loop3A_592 = vector.broadcast %parallel_loop3A_591 : i32 to vector<16xi32>
        %parallel_loop3A_593 = arith.shli %parallel_loop3A_589, %parallel_loop3A_592 : vector<16xi32>
        %parallel_loop3A_594 = arith.constant 26 : i32
        %parallel_loop3A_595 = vector.broadcast %parallel_loop3A_594 : i32 to vector<16xi32>
        %parallel_loop3A_596 = arith.shrui %parallel_loop3A_589, %parallel_loop3A_595 : vector<16xi32>
        %parallel_loop3A_597 = arith.ori %parallel_loop3A_593, %parallel_loop3A_596 : vector<16xi32>
        %parallel_loop3A_598 = arith.xori %parallel_loop3A_597, %parallel_loop3A_590 : vector<16xi32>
        %parallel_loop3A_599 = arith.constant 42 : i32
        %parallel_loop3A_600 = vector.broadcast %parallel_loop3A_599 : i32 to vector<16xi32>
        %parallel_loop3A_601 = arith.addi %parallel_loop3A_590, %parallel_loop3A_600 : vector<16xi32>
        %parallel_loop3A_602 = arith.constant 466689009 : i32
        %parallel_loop3A_603 = vector.broadcast %parallel_loop3A_602 : i32 to vector<16xi32>
        %parallel_loop3A_604 = arith.addi %parallel_loop3A_598, %parallel_loop3A_603 : vector<16xi32>
        %parallel_loop3A_605 = arith.addi %parallel_loop3A_601, %parallel_loop3A_604 : vector<16xi32>
        %parallel_loop3A_606 = arith.constant 17 : i32
        %parallel_loop3A_607 = vector.broadcast %parallel_loop3A_606 : i32 to vector<16xi32>
        %parallel_loop3A_608 = arith.shli %parallel_loop3A_604, %parallel_loop3A_607 : vector<16xi32>
        %parallel_loop3A_609 = arith.constant 15 : i32
        %parallel_loop3A_610 = vector.broadcast %parallel_loop3A_609 : i32 to vector<16xi32>
        %parallel_loop3A_611 = arith.shrui %parallel_loop3A_604, %parallel_loop3A_610 : vector<16xi32>
        %parallel_loop3A_612 = arith.ori %parallel_loop3A_608, %parallel_loop3A_611 : vector<16xi32>
        %parallel_loop3A_613 = arith.xori %parallel_loop3A_612, %parallel_loop3A_605 : vector<16xi32>
        %parallel_loop3A_614 = arith.addi %parallel_loop3A_605, %parallel_loop3A_613 : vector<16xi32>
        %parallel_loop3A_615 = arith.constant 29 : i32
        %parallel_loop3A_616 = vector.broadcast %parallel_loop3A_615 : i32 to vector<16xi32>
        %parallel_loop3A_617 = arith.shli %parallel_loop3A_613, %parallel_loop3A_616 : vector<16xi32>
        %parallel_loop3A_618 = arith.constant 3 : i32
        %parallel_loop3A_619 = vector.broadcast %parallel_loop3A_618 : i32 to vector<16xi32>
        %parallel_loop3A_620 = arith.shrui %parallel_loop3A_613, %parallel_loop3A_619 : vector<16xi32>
        %parallel_loop3A_621 = arith.ori %parallel_loop3A_617, %parallel_loop3A_620 : vector<16xi32>
        %parallel_loop3A_622 = arith.xori %parallel_loop3A_621, %parallel_loop3A_614 : vector<16xi32>
        %parallel_loop3A_623 = arith.addi %parallel_loop3A_614, %parallel_loop3A_622 : vector<16xi32>
        %parallel_loop3A_624 = arith.constant 16 : i32
        %parallel_loop3A_625 = vector.broadcast %parallel_loop3A_624 : i32 to vector<16xi32>
        %parallel_loop3A_626 = arith.shli %parallel_loop3A_622, %parallel_loop3A_625 : vector<16xi32>
        %parallel_loop3A_627 = arith.constant 16 : i32
        %parallel_loop3A_628 = vector.broadcast %parallel_loop3A_627 : i32 to vector<16xi32>
        %parallel_loop3A_629 = arith.shrui %parallel_loop3A_622, %parallel_loop3A_628 : vector<16xi32>
        %parallel_loop3A_630 = arith.ori %parallel_loop3A_626, %parallel_loop3A_629 : vector<16xi32>
        %parallel_loop3A_631 = arith.xori %parallel_loop3A_630, %parallel_loop3A_623 : vector<16xi32>
        %parallel_loop3A_632 = arith.addi %parallel_loop3A_623, %parallel_loop3A_631 : vector<16xi32>
        %parallel_loop3A_633 = arith.constant 24 : i32
        %parallel_loop3A_634 = vector.broadcast %parallel_loop3A_633 : i32 to vector<16xi32>
        %parallel_loop3A_635 = arith.shli %parallel_loop3A_631, %parallel_loop3A_634 : vector<16xi32>
        %parallel_loop3A_636 = arith.constant 8 : i32
        %parallel_loop3A_637 = vector.broadcast %parallel_loop3A_636 : i32 to vector<16xi32>
        %parallel_loop3A_638 = arith.shrui %parallel_loop3A_631, %parallel_loop3A_637 : vector<16xi32>
        %parallel_loop3A_639 = arith.ori %parallel_loop3A_635, %parallel_loop3A_638 : vector<16xi32>
        %parallel_loop3A_640 = arith.xori %parallel_loop3A_639, %parallel_loop3A_632 : vector<16xi32>
        %parallel_loop3A_641 = arith.constant 466689008 : i32
        %parallel_loop3A_642 = vector.broadcast %parallel_loop3A_641 : i32 to vector<16xi32>
        %parallel_loop3A_643 = arith.addi %parallel_loop3A_632, %parallel_loop3A_642 : vector<16xi32>
        %parallel_loop3A_644 = arith.constant 2 : i32
        %parallel_loop3A_645 = vector.broadcast %parallel_loop3A_644 : i32 to vector<16xi32>
        %parallel_loop3A_646 = arith.addi %parallel_loop3A_640, %parallel_loop3A_645 : vector<16xi32>
        %parallel_loop3A_647 = arith.addi %parallel_loop3A_643, %parallel_loop3A_646 : vector<16xi32>
        %parallel_loop3A_648 = arith.constant 13 : i32
        %parallel_loop3A_649 = vector.broadcast %parallel_loop3A_648 : i32 to vector<16xi32>
        %parallel_loop3A_650 = arith.shli %parallel_loop3A_646, %parallel_loop3A_649 : vector<16xi32>
        %parallel_loop3A_651 = arith.constant 19 : i32
        %parallel_loop3A_652 = vector.broadcast %parallel_loop3A_651 : i32 to vector<16xi32>
        %parallel_loop3A_653 = arith.shrui %parallel_loop3A_646, %parallel_loop3A_652 : vector<16xi32>
        %parallel_loop3A_654 = arith.ori %parallel_loop3A_650, %parallel_loop3A_653 : vector<16xi32>
        %parallel_loop3A_655 = arith.xori %parallel_loop3A_654, %parallel_loop3A_647 : vector<16xi32>
        %parallel_loop3A_656 = arith.addi %parallel_loop3A_647, %parallel_loop3A_655 : vector<16xi32>
        %parallel_loop3A_657 = arith.constant 15 : i32
        %parallel_loop3A_658 = vector.broadcast %parallel_loop3A_657 : i32 to vector<16xi32>
        %parallel_loop3A_659 = arith.shli %parallel_loop3A_655, %parallel_loop3A_658 : vector<16xi32>
        %parallel_loop3A_660 = arith.constant 17 : i32
        %parallel_loop3A_661 = vector.broadcast %parallel_loop3A_660 : i32 to vector<16xi32>
        %parallel_loop3A_662 = arith.shrui %parallel_loop3A_655, %parallel_loop3A_661 : vector<16xi32>
        %parallel_loop3A_663 = arith.ori %parallel_loop3A_659, %parallel_loop3A_662 : vector<16xi32>
        %parallel_loop3A_664 = arith.xori %parallel_loop3A_663, %parallel_loop3A_656 : vector<16xi32>
        %parallel_loop3A_665 = arith.addi %parallel_loop3A_656, %parallel_loop3A_664 : vector<16xi32>
        %parallel_loop3A_666 = arith.constant 26 : i32
        %parallel_loop3A_667 = vector.broadcast %parallel_loop3A_666 : i32 to vector<16xi32>
        %parallel_loop3A_668 = arith.shli %parallel_loop3A_664, %parallel_loop3A_667 : vector<16xi32>
        %parallel_loop3A_669 = arith.constant 6 : i32
        %parallel_loop3A_670 = vector.broadcast %parallel_loop3A_669 : i32 to vector<16xi32>
        %parallel_loop3A_671 = arith.shrui %parallel_loop3A_664, %parallel_loop3A_670 : vector<16xi32>
        %parallel_loop3A_672 = arith.ori %parallel_loop3A_668, %parallel_loop3A_671 : vector<16xi32>
        %parallel_loop3A_673 = arith.xori %parallel_loop3A_672, %parallel_loop3A_665 : vector<16xi32>
        %parallel_loop3A_674 = arith.addi %parallel_loop3A_665, %parallel_loop3A_673 : vector<16xi32>
        %parallel_loop3A_675 = arith.constant 6 : i32
        %parallel_loop3A_676 = vector.broadcast %parallel_loop3A_675 : i32 to vector<16xi32>
        %parallel_loop3A_677 = arith.shli %parallel_loop3A_673, %parallel_loop3A_676 : vector<16xi32>
        %parallel_loop3A_678 = arith.constant 26 : i32
        %parallel_loop3A_679 = vector.broadcast %parallel_loop3A_678 : i32 to vector<16xi32>
        %parallel_loop3A_680 = arith.shrui %parallel_loop3A_673, %parallel_loop3A_679 : vector<16xi32>
        %parallel_loop3A_681 = arith.ori %parallel_loop3A_677, %parallel_loop3A_680 : vector<16xi32>
        %parallel_loop3A_682 = arith.xori %parallel_loop3A_681, %parallel_loop3A_674 : vector<16xi32>
        %parallel_loop3A_683 = arith.constant 0 : i32
        %parallel_loop3A_684 = vector.broadcast %parallel_loop3A_683 : i32 to vector<16xi32>
        %parallel_loop3A_685 = arith.addi %parallel_loop3A_674, %parallel_loop3A_684 : vector<16xi32>
        %parallel_loop3A_686 = arith.constant 45 : i32
        %parallel_loop3A_687 = vector.broadcast %parallel_loop3A_686 : i32 to vector<16xi32>
        %parallel_loop3A_688 = arith.addi %parallel_loop3A_682, %parallel_loop3A_687 : vector<16xi32>
        %parallel_loop3A_689 = arith.addi %parallel_loop3A_685, %parallel_loop3A_688 : vector<16xi32>
        %parallel_loop3A_690 = arith.constant 17 : i32
        %parallel_loop3A_691 = vector.broadcast %parallel_loop3A_690 : i32 to vector<16xi32>
        %parallel_loop3A_692 = arith.shli %parallel_loop3A_688, %parallel_loop3A_691 : vector<16xi32>
        %parallel_loop3A_693 = arith.constant 15 : i32
        %parallel_loop3A_694 = vector.broadcast %parallel_loop3A_693 : i32 to vector<16xi32>
        %parallel_loop3A_695 = arith.shrui %parallel_loop3A_688, %parallel_loop3A_694 : vector<16xi32>
        %parallel_loop3A_696 = arith.ori %parallel_loop3A_692, %parallel_loop3A_695 : vector<16xi32>
        %parallel_loop3A_697 = arith.xori %parallel_loop3A_696, %parallel_loop3A_689 : vector<16xi32>
        %parallel_loop3A_698 = arith.addi %parallel_loop3A_689, %parallel_loop3A_697 : vector<16xi32>
        %parallel_loop3A_699 = arith.constant 29 : i32
        %parallel_loop3A_700 = vector.broadcast %parallel_loop3A_699 : i32 to vector<16xi32>
        %parallel_loop3A_701 = arith.shli %parallel_loop3A_697, %parallel_loop3A_700 : vector<16xi32>
        %parallel_loop3A_702 = arith.constant 3 : i32
        %parallel_loop3A_703 = vector.broadcast %parallel_loop3A_702 : i32 to vector<16xi32>
        %parallel_loop3A_704 = arith.shrui %parallel_loop3A_697, %parallel_loop3A_703 : vector<16xi32>
        %parallel_loop3A_705 = arith.ori %parallel_loop3A_701, %parallel_loop3A_704 : vector<16xi32>
        %parallel_loop3A_706 = arith.xori %parallel_loop3A_705, %parallel_loop3A_698 : vector<16xi32>
        %parallel_loop3A_707 = arith.addi %parallel_loop3A_698, %parallel_loop3A_706 : vector<16xi32>
        %parallel_loop3A_708 = arith.constant 16 : i32
        %parallel_loop3A_709 = vector.broadcast %parallel_loop3A_708 : i32 to vector<16xi32>
        %parallel_loop3A_710 = arith.shli %parallel_loop3A_706, %parallel_loop3A_709 : vector<16xi32>
        %parallel_loop3A_711 = arith.constant 16 : i32
        %parallel_loop3A_712 = vector.broadcast %parallel_loop3A_711 : i32 to vector<16xi32>
        %parallel_loop3A_713 = arith.shrui %parallel_loop3A_706, %parallel_loop3A_712 : vector<16xi32>
        %parallel_loop3A_714 = arith.ori %parallel_loop3A_710, %parallel_loop3A_713 : vector<16xi32>
        %parallel_loop3A_715 = arith.xori %parallel_loop3A_714, %parallel_loop3A_707 : vector<16xi32>
        %parallel_loop3A_716 = arith.addi %parallel_loop3A_707, %parallel_loop3A_715 : vector<16xi32>
        %parallel_loop3A_717 = arith.constant 24 : i32
        %parallel_loop3A_718 = vector.broadcast %parallel_loop3A_717 : i32 to vector<16xi32>
        %parallel_loop3A_719 = arith.shli %parallel_loop3A_715, %parallel_loop3A_718 : vector<16xi32>
        %parallel_loop3A_720 = arith.constant 8 : i32
        %parallel_loop3A_721 = vector.broadcast %parallel_loop3A_720 : i32 to vector<16xi32>
        %parallel_loop3A_722 = arith.shrui %parallel_loop3A_715, %parallel_loop3A_721 : vector<16xi32>
        %parallel_loop3A_723 = arith.ori %parallel_loop3A_719, %parallel_loop3A_722 : vector<16xi32>
        %parallel_loop3A_724 = arith.xori %parallel_loop3A_723, %parallel_loop3A_716 : vector<16xi32>
        %parallel_loop3A_725 = arith.constant 42 : i32
        %parallel_loop3A_726 = vector.broadcast %parallel_loop3A_725 : i32 to vector<16xi32>
        %parallel_loop3A_727 = arith.addi %parallel_loop3A_716, %parallel_loop3A_726 : vector<16xi32>
        %parallel_loop3A_728 = arith.constant 466689012 : i32
        %parallel_loop3A_729 = vector.broadcast %parallel_loop3A_728 : i32 to vector<16xi32>
        %parallel_loop3A_730 = arith.addi %parallel_loop3A_724, %parallel_loop3A_729 : vector<16xi32>
        %parallel_loop3A_731 = arith.addi %parallel_loop3A_727, %parallel_loop3A_730 : vector<16xi32>
        %parallel_loop3A_732 = arith.constant 13 : i32
        %parallel_loop3A_733 = vector.broadcast %parallel_loop3A_732 : i32 to vector<16xi32>
        %parallel_loop3A_734 = arith.shli %parallel_loop3A_730, %parallel_loop3A_733 : vector<16xi32>
        %parallel_loop3A_735 = arith.constant 19 : i32
        %parallel_loop3A_736 = vector.broadcast %parallel_loop3A_735 : i32 to vector<16xi32>
        %parallel_loop3A_737 = arith.shrui %parallel_loop3A_730, %parallel_loop3A_736 : vector<16xi32>
        %parallel_loop3A_738 = arith.ori %parallel_loop3A_734, %parallel_loop3A_737 : vector<16xi32>
        %parallel_loop3A_739 = arith.xori %parallel_loop3A_738, %parallel_loop3A_731 : vector<16xi32>
        %parallel_loop3A_740 = arith.addi %parallel_loop3A_731, %parallel_loop3A_739 : vector<16xi32>
        %parallel_loop3A_741 = arith.constant 15 : i32
        %parallel_loop3A_742 = vector.broadcast %parallel_loop3A_741 : i32 to vector<16xi32>
        %parallel_loop3A_743 = arith.shli %parallel_loop3A_739, %parallel_loop3A_742 : vector<16xi32>
        %parallel_loop3A_744 = arith.constant 17 : i32
        %parallel_loop3A_745 = vector.broadcast %parallel_loop3A_744 : i32 to vector<16xi32>
        %parallel_loop3A_746 = arith.shrui %parallel_loop3A_739, %parallel_loop3A_745 : vector<16xi32>
        %parallel_loop3A_747 = arith.ori %parallel_loop3A_743, %parallel_loop3A_746 : vector<16xi32>
        %parallel_loop3A_748 = arith.xori %parallel_loop3A_747, %parallel_loop3A_740 : vector<16xi32>
        %parallel_loop3A_749 = arith.addi %parallel_loop3A_740, %parallel_loop3A_748 : vector<16xi32>
        %parallel_loop3A_750 = arith.constant 26 : i32
        %parallel_loop3A_751 = vector.broadcast %parallel_loop3A_750 : i32 to vector<16xi32>
        %parallel_loop3A_752 = arith.shli %parallel_loop3A_748, %parallel_loop3A_751 : vector<16xi32>
        %parallel_loop3A_753 = arith.constant 6 : i32
        %parallel_loop3A_754 = vector.broadcast %parallel_loop3A_753 : i32 to vector<16xi32>
        %parallel_loop3A_755 = arith.shrui %parallel_loop3A_748, %parallel_loop3A_754 : vector<16xi32>
        %parallel_loop3A_756 = arith.ori %parallel_loop3A_752, %parallel_loop3A_755 : vector<16xi32>
        %parallel_loop3A_757 = arith.xori %parallel_loop3A_756, %parallel_loop3A_749 : vector<16xi32>
        %parallel_loop3A_758 = arith.addi %parallel_loop3A_749, %parallel_loop3A_757 : vector<16xi32>
        %parallel_loop3A_759 = arith.constant 6 : i32
        %parallel_loop3A_760 = vector.broadcast %parallel_loop3A_759 : i32 to vector<16xi32>
        %parallel_loop3A_761 = arith.shli %parallel_loop3A_757, %parallel_loop3A_760 : vector<16xi32>
        %parallel_loop3A_762 = arith.constant 26 : i32
        %parallel_loop3A_763 = vector.broadcast %parallel_loop3A_762 : i32 to vector<16xi32>
        %parallel_loop3A_764 = arith.shrui %parallel_loop3A_757, %parallel_loop3A_763 : vector<16xi32>
        %parallel_loop3A_765 = arith.ori %parallel_loop3A_761, %parallel_loop3A_764 : vector<16xi32>
        %parallel_loop3A_766 = arith.xori %parallel_loop3A_765, %parallel_loop3A_758 : vector<16xi32>
        %parallel_loop3A_767 = arith.constant 466689008 : i32
        %parallel_loop3A_768 = vector.broadcast %parallel_loop3A_767 : i32 to vector<16xi32>
        %parallel_loop3A_769 = arith.addi %parallel_loop3A_758, %parallel_loop3A_768 : vector<16xi32>
        %parallel_loop3A_770 = arith.constant 5 : i32
        %parallel_loop3A_771 = vector.broadcast %parallel_loop3A_770 : i32 to vector<16xi32>
        %parallel_loop3A_772 = arith.addi %parallel_loop3A_766, %parallel_loop3A_771 : vector<16xi32>
        %parallel_loop3A_773 = arith.xori %parallel_loop3A_769, %parallel_loop3A_772 : vector<16xi32>
        %parallel_loop3A_774 = arith.constant 32 : i32
        %parallel_loop3A_775 = arith.addi %parallel_loop3A_91, %parallel_loop3A_774 : i32
        %parallel_loop3A_776 = arith.constant 0 : i32
        %parallel_loop3A_777 = vector.broadcast %parallel_loop3A_776 : i32 to vector<16xi32>
        %parallel_loop3A_778 = arith.cmpi sge, %parallel_loop3A_773, %parallel_loop3A_777 : vector<16xi32>
        %parallel_loop3A_779 = arith.index_cast %parallel_loop3A_775 : i32 to index
        %parallel_loop3A_780 = tpu.vector_load %arg5[%parallel_loop3A_779] {strides = array<i32>} : memref<20480xf32, #tpu.memory_space<vmem>>, vector<16xf32>,
        %parallel_loop3A_781 = vector.shape_cast %parallel_loop3A_780 : vector<16xf32> to vector<16xf32>
        %parallel_loop3A_782 = arith.constant 2.000000e+00 : f32
        %parallel_loop3A_783 = vector.broadcast %parallel_loop3A_782 : f32 to vector<16xf32>
        %parallel_loop3A_784 = arith.mulf %parallel_loop3A_781, %parallel_loop3A_783 : vector<16xf32>
        %parallel_loop3A_785 = arith.constant 0.000000e+00 : f32
        %parallel_loop3A_786 = vector.broadcast %parallel_loop3A_785 : f32 to vector<16xf32>
        %parallel_loop3A_787 = arith.select %parallel_loop3A_778, %parallel_loop3A_784, %parallel_loop3A_786 : vector<16xi1>, vector<16xf32>
        %parallel_loop3A_788 = arith.index_cast %parallel_loop3A_775 : i32 to index
        %parallel_loop3A_789 = tpu.vector_load %arg7[%parallel_loop3A_788] {strides = array<i32>} : memref<20480xf32, #tpu.memory_space<vmem>>, vector<16xf32>,
        %parallel_loop3A_790 = vector.shape_cast %parallel_loop3A_789 : vector<16xf32> to vector<16xf32>
        %parallel_loop3A_791 = vector.shape_cast %parallel_loop3A_787 : vector<16xf32> to vector<16xf32>
        tpu.vector_store %arg7[%parallel_loop3A_788], %parallel_loop3A_791 {strides = array<i32>} : memref<20480xf32, #tpu.memory_space<vmem>>, vector<16xf32>,
        %parallel_loop3A_792 = arith.addi %add3A_81, %parallel_loop3A_91 : i32
        %parallel_loop3A_793 = arith.constant 48 : i32
        %parallel_loop3A_794 = arith.addi %parallel_loop3A_792, %parallel_loop3A_793 : i32
        %parallel_loop3A_795 = vector.broadcast %parallel_loop3A_794 : i32 to vector<16xi32>
        %parallel_loop3A_796 = arith.addi %parallel_loop3A_92, %parallel_loop3A_795 : vector<16xi32>
        %parallel_loop3A_797 = arith.constant 13 : i32
        %parallel_loop3A_798 = vector.broadcast %parallel_loop3A_797 : i32 to vector<16xi32>
        %parallel_loop3A_799 = arith.shli %parallel_loop3A_796, %parallel_loop3A_798 : vector<16xi32>
        %parallel_loop3A_800 = arith.constant 19 : i32
        %parallel_loop3A_801 = vector.broadcast %parallel_loop3A_800 : i32 to vector<16xi32>
        %parallel_loop3A_802 = arith.shrui %parallel_loop3A_796, %parallel_loop3A_801 : vector<16xi32>
        %parallel_loop3A_803 = arith.ori %parallel_loop3A_799, %parallel_loop3A_802 : vector<16xi32>
        %parallel_loop3A_804 = arith.xori %parallel_loop3A_803, %parallel_loop3A_796 : vector<16xi32>
        %parallel_loop3A_805 = arith.addi %parallel_loop3A_796, %parallel_loop3A_804 : vector<16xi32>
        %parallel_loop3A_806 = arith.constant 15 : i32
        %parallel_loop3A_807 = vector.broadcast %parallel_loop3A_806 : i32 to vector<16xi32>
        %parallel_loop3A_808 = arith.shli %parallel_loop3A_804, %parallel_loop3A_807 : vector<16xi32>
        %parallel_loop3A_809 = arith.constant 17 : i32
        %parallel_loop3A_810 = vector.broadcast %parallel_loop3A_809 : i32 to vector<16xi32>
        %parallel_loop3A_811 = arith.shrui %parallel_loop3A_804, %parallel_loop3A_810 : vector<16xi32>
        %parallel_loop3A_812 = arith.ori %parallel_loop3A_808, %parallel_loop3A_811 : vector<16xi32>
        %parallel_loop3A_813 = arith.xori %parallel_loop3A_812, %parallel_loop3A_805 : vector<16xi32>
        %parallel_loop3A_814 = arith.addi %parallel_loop3A_805, %parallel_loop3A_813 : vector<16xi32>
        %parallel_loop3A_815 = arith.constant 26 : i32
        %parallel_loop3A_816 = vector.broadcast %parallel_loop3A_815 : i32 to vector<16xi32>
        %parallel_loop3A_817 = arith.shli %parallel_loop3A_813, %parallel_loop3A_816 : vector<16xi32>
        %parallel_loop3A_818 = arith.constant 6 : i32
        %parallel_loop3A_819 = vector.broadcast %parallel_loop3A_818 : i32 to vector<16xi32>
        %parallel_loop3A_820 = arith.shrui %parallel_loop3A_813, %parallel_loop3A_819 : vector<16xi32>
        %parallel_loop3A_821 = arith.ori %parallel_loop3A_817, %parallel_loop3A_820 : vector<16xi32>
        %parallel_loop3A_822 = arith.xori %parallel_loop3A_821, %parallel_loop3A_814 : vector<16xi32>
        %parallel_loop3A_823 = arith.addi %parallel_loop3A_814, %parallel_loop3A_822 : vector<16xi32>
        %parallel_loop3A_824 = arith.constant 6 : i32
        %parallel_loop3A_825 = vector.broadcast %parallel_loop3A_824 : i32 to vector<16xi32>
        %parallel_loop3A_826 = arith.shli %parallel_loop3A_822, %parallel_loop3A_825 : vector<16xi32>
        %parallel_loop3A_827 = arith.constant 26 : i32
        %parallel_loop3A_828 = vector.broadcast %parallel_loop3A_827 : i32 to vector<16xi32>
        %parallel_loop3A_829 = arith.shrui %parallel_loop3A_822, %parallel_loop3A_828 : vector<16xi32>
        %parallel_loop3A_830 = arith.ori %parallel_loop3A_826, %parallel_loop3A_829 : vector<16xi32>
        %parallel_loop3A_831 = arith.xori %parallel_loop3A_830, %parallel_loop3A_823 : vector<16xi32>
        %parallel_loop3A_832 = arith.constant 42 : i32
        %parallel_loop3A_833 = vector.broadcast %parallel_loop3A_832 : i32 to vector<16xi32>
        %parallel_loop3A_834 = arith.addi %parallel_loop3A_823, %parallel_loop3A_833 : vector<16xi32>
        %parallel_loop3A_835 = arith.constant 466689009 : i32
        %parallel_loop3A_836 = vector.broadcast %parallel_loop3A_835 : i32 to vector<16xi32>
        %parallel_loop3A_837 = arith.addi %parallel_loop3A_831, %parallel_loop3A_836 : vector<16xi32>
        %parallel_loop3A_838 = arith.addi %parallel_loop3A_834, %parallel_loop3A_837 : vector<16xi32>
        %parallel_loop3A_839 = arith.constant 17 : i32
        %parallel_loop3A_840 = vector.broadcast %parallel_loop3A_839 : i32 to vector<16xi32>
        %parallel_loop3A_841 = arith.shli %parallel_loop3A_837, %parallel_loop3A_840 : vector<16xi32>
        %parallel_loop3A_842 = arith.constant 15 : i32
        %parallel_loop3A_843 = vector.broadcast %parallel_loop3A_842 : i32 to vector<16xi32>
        %parallel_loop3A_844 = arith.shrui %parallel_loop3A_837, %parallel_loop3A_843 : vector<16xi32>
        %parallel_loop3A_845 = arith.ori %parallel_loop3A_841, %parallel_loop3A_844 : vector<16xi32>
        %parallel_loop3A_846 = arith.xori %parallel_loop3A_845, %parallel_loop3A_838 : vector<16xi32>
        %parallel_loop3A_847 = arith.addi %parallel_loop3A_838, %parallel_loop3A_846 : vector<16xi32>
        %parallel_loop3A_848 = arith.constant 29 : i32
        %parallel_loop3A_849 = vector.broadcast %parallel_loop3A_848 : i32 to vector<16xi32>
        %parallel_loop3A_850 = arith.shli %parallel_loop3A_846, %parallel_loop3A_849 : vector<16xi32>
        %parallel_loop3A_851 = arith.constant 3 : i32
        %parallel_loop3A_852 = vector.broadcast %parallel_loop3A_851 : i32 to vector<16xi32>
        %parallel_loop3A_853 = arith.shrui %parallel_loop3A_846, %parallel_loop3A_852 : vector<16xi32>
        %parallel_loop3A_854 = arith.ori %parallel_loop3A_850, %parallel_loop3A_853 : vector<16xi32>
        %parallel_loop3A_855 = arith.xori %parallel_loop3A_854, %parallel_loop3A_847 : vector<16xi32>
        %parallel_loop3A_856 = arith.addi %parallel_loop3A_847, %parallel_loop3A_855 : vector<16xi32>
        %parallel_loop3A_857 = arith.constant 16 : i32
        %parallel_loop3A_858 = vector.broadcast %parallel_loop3A_857 : i32 to vector<16xi32>
        %parallel_loop3A_859 = arith.shli %parallel_loop3A_855, %parallel_loop3A_858 : vector<16xi32>
        %parallel_loop3A_860 = arith.constant 16 : i32
        %parallel_loop3A_861 = vector.broadcast %parallel_loop3A_860 : i32 to vector<16xi32>
        %parallel_loop3A_862 = arith.shrui %parallel_loop3A_855, %parallel_loop3A_861 : vector<16xi32>
        %parallel_loop3A_863 = arith.ori %parallel_loop3A_859, %parallel_loop3A_862 : vector<16xi32>
        %parallel_loop3A_864 = arith.xori %parallel_loop3A_863, %parallel_loop3A_856 : vector<16xi32>
        %parallel_loop3A_865 = arith.addi %parallel_loop3A_856, %parallel_loop3A_864 : vector<16xi32>
        %parallel_loop3A_866 = arith.constant 24 : i32
        %parallel_loop3A_867 = vector.broadcast %parallel_loop3A_866 : i32 to vector<16xi32>
        %parallel_loop3A_868 = arith.shli %parallel_loop3A_864, %parallel_loop3A_867 : vector<16xi32>
        %parallel_loop3A_869 = arith.constant 8 : i32
        %parallel_loop3A_870 = vector.broadcast %parallel_loop3A_869 : i32 to vector<16xi32>
        %parallel_loop3A_871 = arith.shrui %parallel_loop3A_864, %parallel_loop3A_870 : vector<16xi32>
        %parallel_loop3A_872 = arith.ori %parallel_loop3A_868, %parallel_loop3A_871 : vector<16xi32>
        %parallel_loop3A_873 = arith.xori %parallel_loop3A_872, %parallel_loop3A_865 : vector<16xi32>
        %parallel_loop3A_874 = arith.constant 466689008 : i32
        %parallel_loop3A_875 = vector.broadcast %parallel_loop3A_874 : i32 to vector<16xi32>
        %parallel_loop3A_876 = arith.addi %parallel_loop3A_865, %parallel_loop3A_875 : vector<16xi32>
        %parallel_loop3A_877 = arith.constant 2 : i32
        %parallel_loop3A_878 = vector.broadcast %parallel_loop3A_877 : i32 to vector<16xi32>
        %parallel_loop3A_879 = arith.addi %parallel_loop3A_873, %parallel_loop3A_878 : vector<16xi32>
        %parallel_loop3A_880 = arith.addi %parallel_loop3A_876, %parallel_loop3A_879 : vector<16xi32>
        %parallel_loop3A_881 = arith.constant 13 : i32
        %parallel_loop3A_882 = vector.broadcast %parallel_loop3A_881 : i32 to vector<16xi32>
        %parallel_loop3A_883 = arith.shli %parallel_loop3A_879, %parallel_loop3A_882 : vector<16xi32>
        %parallel_loop3A_884 = arith.constant 19 : i32
        %parallel_loop3A_885 = vector.broadcast %parallel_loop3A_884 : i32 to vector<16xi32>
        %parallel_loop3A_886 = arith.shrui %parallel_loop3A_879, %parallel_loop3A_885 : vector<16xi32>
        %parallel_loop3A_887 = arith.ori %parallel_loop3A_883, %parallel_loop3A_886 : vector<16xi32>
        %parallel_loop3A_888 = arith.xori %parallel_loop3A_887, %parallel_loop3A_880 : vector<16xi32>
        %parallel_loop3A_889 = arith.addi %parallel_loop3A_880, %parallel_loop3A_888 : vector<16xi32>
        %parallel_loop3A_890 = arith.constant 15 : i32
        %parallel_loop3A_891 = vector.broadcast %parallel_loop3A_890 : i32 to vector<16xi32>
        %parallel_loop3A_892 = arith.shli %parallel_loop3A_888, %parallel_loop3A_891 : vector<16xi32>
        %parallel_loop3A_893 = arith.constant 17 : i32
        %parallel_loop3A_894 = vector.broadcast %parallel_loop3A_893 : i32 to vector<16xi32>
        %parallel_loop3A_895 = arith.shrui %parallel_loop3A_888, %parallel_loop3A_894 : vector<16xi32>
        %parallel_loop3A_896 = arith.ori %parallel_loop3A_892, %parallel_loop3A_895 : vector<16xi32>
        %parallel_loop3A_897 = arith.xori %parallel_loop3A_896, %parallel_loop3A_889 : vector<16xi32>
        %parallel_loop3A_898 = arith.addi %parallel_loop3A_889, %parallel_loop3A_897 : vector<16xi32>
        %parallel_loop3A_899 = arith.constant 26 : i32
        %parallel_loop3A_900 = vector.broadcast %parallel_loop3A_899 : i32 to vector<16xi32>
        %parallel_loop3A_901 = arith.shli %parallel_loop3A_897, %parallel_loop3A_900 : vector<16xi32>
        %parallel_loop3A_902 = arith.constant 6 : i32
        %parallel_loop3A_903 = vector.broadcast %parallel_loop3A_902 : i32 to vector<16xi32>
        %parallel_loop3A_904 = arith.shrui %parallel_loop3A_897, %parallel_loop3A_903 : vector<16xi32>
        %parallel_loop3A_905 = arith.ori %parallel_loop3A_901, %parallel_loop3A_904 : vector<16xi32>
        %parallel_loop3A_906 = arith.xori %parallel_loop3A_905, %parallel_loop3A_898 : vector<16xi32>
        %parallel_loop3A_907 = arith.addi %parallel_loop3A_898, %parallel_loop3A_906 : vector<16xi32>
        %parallel_loop3A_908 = arith.constant 6 : i32
        %parallel_loop3A_909 = vector.broadcast %parallel_loop3A_908 : i32 to vector<16xi32>
        %parallel_loop3A_910 = arith.shli %parallel_loop3A_906, %parallel_loop3A_909 : vector<16xi32>
        %parallel_loop3A_911 = arith.constant 26 : i32
        %parallel_loop3A_912 = vector.broadcast %parallel_loop3A_911 : i32 to vector<16xi32>
        %parallel_loop3A_913 = arith.shrui %parallel_loop3A_906, %parallel_loop3A_912 : vector<16xi32>
        %parallel_loop3A_914 = arith.ori %parallel_loop3A_910, %parallel_loop3A_913 : vector<16xi32>
        %parallel_loop3A_915 = arith.xori %parallel_loop3A_914, %parallel_loop3A_907 : vector<16xi32>
        %parallel_loop3A_916 = arith.constant 0 : i32
        %parallel_loop3A_917 = vector.broadcast %parallel_loop3A_916 : i32 to vector<16xi32>
        %parallel_loop3A_918 = arith.addi %parallel_loop3A_907, %parallel_loop3A_917 : vector<16xi32>
        %parallel_loop3A_919 = arith.constant 45 : i32
        %parallel_loop3A_920 = vector.broadcast %parallel_loop3A_919 : i32 to vector<16xi32>
        %parallel_loop3A_921 = arith.addi %parallel_loop3A_915, %parallel_loop3A_920 : vector<16xi32>
        %parallel_loop3A_922 = arith.addi %parallel_loop3A_918, %parallel_loop3A_921 : vector<16xi32>
        %parallel_loop3A_923 = arith.constant 17 : i32
        %parallel_loop3A_924 = vector.broadcast %parallel_loop3A_923 : i32 to vector<16xi32>
        %parallel_loop3A_925 = arith.shli %parallel_loop3A_921, %parallel_loop3A_924 : vector<16xi32>
        %parallel_loop3A_926 = arith.constant 15 : i32
        %parallel_loop3A_927 = vector.broadcast %parallel_loop3A_926 : i32 to vector<16xi32>
        %parallel_loop3A_928 = arith.shrui %parallel_loop3A_921, %parallel_loop3A_927 : vector<16xi32>
        %parallel_loop3A_929 = arith.ori %parallel_loop3A_925, %parallel_loop3A_928 : vector<16xi32>
        %parallel_loop3A_930 = arith.xori %parallel_loop3A_929, %parallel_loop3A_922 : vector<16xi32>
        %parallel_loop3A_931 = arith.addi %parallel_loop3A_922, %parallel_loop3A_930 : vector<16xi32>
        %parallel_loop3A_932 = arith.constant 29 : i32
        %parallel_loop3A_933 = vector.broadcast %parallel_loop3A_932 : i32 to vector<16xi32>
        %parallel_loop3A_934 = arith.shli %parallel_loop3A_930, %parallel_loop3A_933 : vector<16xi32>
        %parallel_loop3A_935 = arith.constant 3 : i32
        %parallel_loop3A_936 = vector.broadcast %parallel_loop3A_935 : i32 to vector<16xi32>
        %parallel_loop3A_937 = arith.shrui %parallel_loop3A_930, %parallel_loop3A_936 : vector<16xi32>
        %parallel_loop3A_938 = arith.ori %parallel_loop3A_934, %parallel_loop3A_937 : vector<16xi32>
        %parallel_loop3A_939 = arith.xori %parallel_loop3A_938, %parallel_loop3A_931 : vector<16xi32>
        %parallel_loop3A_940 = arith.addi %parallel_loop3A_931, %parallel_loop3A_939 : vector<16xi32>
        %parallel_loop3A_941 = arith.constant 16 : i32
        %parallel_loop3A_942 = vector.broadcast %parallel_loop3A_941 : i32 to vector<16xi32>
        %parallel_loop3A_943 = arith.shli %parallel_loop3A_939, %parallel_loop3A_942 : vector<16xi32>
        %parallel_loop3A_944 = arith.constant 16 : i32
        %parallel_loop3A_945 = vector.broadcast %parallel_loop3A_944 : i32 to vector<16xi32>
        %parallel_loop3A_946 = arith.shrui %parallel_loop3A_939, %parallel_loop3A_945 : vector<16xi32>
        %parallel_loop3A_947 = arith.ori %parallel_loop3A_943, %parallel_loop3A_946 : vector<16xi32>
        %parallel_loop3A_948 = arith.xori %parallel_loop3A_947, %parallel_loop3A_940 : vector<16xi32>
        %parallel_loop3A_949 = arith.addi %parallel_loop3A_940, %parallel_loop3A_948 : vector<16xi32>
        %parallel_loop3A_950 = arith.constant 24 : i32
        %parallel_loop3A_951 = vector.broadcast %parallel_loop3A_950 : i32 to vector<16xi32>
        %parallel_loop3A_952 = arith.shli %parallel_loop3A_948, %parallel_loop3A_951 : vector<16xi32>
        %parallel_loop3A_953 = arith.constant 8 : i32
        %parallel_loop3A_954 = vector.broadcast %parallel_loop3A_953 : i32 to vector<16xi32>
        %parallel_loop3A_955 = arith.shrui %parallel_loop3A_948, %parallel_loop3A_954 : vector<16xi32>
        %parallel_loop3A_956 = arith.ori %parallel_loop3A_952, %parallel_loop3A_955 : vector<16xi32>
        %parallel_loop3A_957 = arith.xori %parallel_loop3A_956, %parallel_loop3A_949 : vector<16xi32>
        %parallel_loop3A_958 = arith.constant 42 : i32
        %parallel_loop3A_959 = vector.broadcast %parallel_loop3A_958 : i32 to vector<16xi32>
        %parallel_loop3A_960 = arith.addi %parallel_loop3A_949, %parallel_loop3A_959 : vector<16xi32>
        %parallel_loop3A_961 = arith.constant 466689012 : i32
        %parallel_loop3A_962 = vector.broadcast %parallel_loop3A_961 : i32 to vector<16xi32>
        %parallel_loop3A_963 = arith.addi %parallel_loop3A_957, %parallel_loop3A_962 : vector<16xi32>
        %parallel_loop3A_964 = arith.addi %parallel_loop3A_960, %parallel_loop3A_963 : vector<16xi32>
        %parallel_loop3A_965 = arith.constant 13 : i32
        %parallel_loop3A_966 = vector.broadcast %parallel_loop3A_965 : i32 to vector<16xi32>
        %parallel_loop3A_967 = arith.shli %parallel_loop3A_963, %parallel_loop3A_966 : vector<16xi32>
        %parallel_loop3A_968 = arith.constant 19 : i32
        %parallel_loop3A_969 = vector.broadcast %parallel_loop3A_968 : i32 to vector<16xi32>
        %parallel_loop3A_970 = arith.shrui %parallel_loop3A_963, %parallel_loop3A_969 : vector<16xi32>
        %parallel_loop3A_971 = arith.ori %parallel_loop3A_967, %parallel_loop3A_970 : vector<16xi32>
        %parallel_loop3A_972 = arith.xori %parallel_loop3A_971, %parallel_loop3A_964 : vector<16xi32>
        %parallel_loop3A_973 = arith.addi %parallel_loop3A_964, %parallel_loop3A_972 : vector<16xi32>
        %parallel_loop3A_974 = arith.constant 15 : i32
        %parallel_loop3A_975 = vector.broadcast %parallel_loop3A_974 : i32 to vector<16xi32>
        %parallel_loop3A_976 = arith.shli %parallel_loop3A_972, %parallel_loop3A_975 : vector<16xi32>
        %parallel_loop3A_977 = arith.constant 17 : i32
        %parallel_loop3A_978 = vector.broadcast %parallel_loop3A_977 : i32 to vector<16xi32>
        %parallel_loop3A_979 = arith.shrui %parallel_loop3A_972, %parallel_loop3A_978 : vector<16xi32>
        %parallel_loop3A_980 = arith.ori %parallel_loop3A_976, %parallel_loop3A_979 : vector<16xi32>
        %parallel_loop3A_981 = arith.xori %parallel_loop3A_980, %parallel_loop3A_973 : vector<16xi32>
        %parallel_loop3A_982 = arith.addi %parallel_loop3A_973, %parallel_loop3A_981 : vector<16xi32>
        %parallel_loop3A_983 = arith.constant 26 : i32
        %parallel_loop3A_984 = vector.broadcast %parallel_loop3A_983 : i32 to vector<16xi32>
        %parallel_loop3A_985 = arith.shli %parallel_loop3A_981, %parallel_loop3A_984 : vector<16xi32>
        %parallel_loop3A_986 = arith.constant 6 : i32
        %parallel_loop3A_987 = vector.broadcast %parallel_loop3A_986 : i32 to vector<16xi32>
        %parallel_loop3A_988 = arith.shrui %parallel_loop3A_981, %parallel_loop3A_987 : vector<16xi32>
        %parallel_loop3A_989 = arith.ori %parallel_loop3A_985, %parallel_loop3A_988 : vector<16xi32>
        %parallel_loop3A_990 = arith.xori %parallel_loop3A_989, %parallel_loop3A_982 : vector<16xi32>
        %parallel_loop3A_991 = arith.addi %parallel_loop3A_982, %parallel_loop3A_990 : vector<16xi32>
        %parallel_loop3A_992 = arith.constant 6 : i32
        %parallel_loop3A_993 = vector.broadcast %parallel_loop3A_992 : i32 to vector<16xi32>
        %parallel_loop3A_994 = arith.shli %parallel_loop3A_990, %parallel_loop3A_993 : vector<16xi32>
        %parallel_loop3A_995 = arith.constant 26 : i32
        %parallel_loop3A_996 = vector.broadcast %parallel_loop3A_995 : i32 to vector<16xi32>
        %parallel_loop3A_997 = arith.shrui %parallel_loop3A_990, %parallel_loop3A_996 : vector<16xi32>
        %parallel_loop3A_998 = arith.ori %parallel_loop3A_994, %parallel_loop3A_997 : vector<16xi32>
        %parallel_loop3A_999 = arith.xori %parallel_loop3A_998, %parallel_loop3A_991 : vector<16xi32>
        %parallel_loop3A_1000 = arith.constant 466689008 : i32
        %parallel_loop3A_1001 = vector.broadcast %parallel_loop3A_1000 : i32 to vector<16xi32>
        %parallel_loop3A_1002 = arith.addi %parallel_loop3A_991, %parallel_loop3A_1001 : vector<16xi32>
        %parallel_loop3A_1003 = arith.constant 5 : i32
        %parallel_loop3A_1004 = vector.broadcast %parallel_loop3A_1003 : i32 to vector<16xi32>
        %parallel_loop3A_1005 = arith.addi %parallel_loop3A_999, %parallel_loop3A_1004 : vector<16xi32>
        %parallel_loop3A_1006 = arith.xori %parallel_loop3A_1002, %parallel_loop3A_1005 : vector<16xi32>
        %parallel_loop3A_1007 = arith.constant 48 : i32
        %parallel_loop3A_1008 = arith.addi %parallel_loop3A_91, %parallel_loop3A_1007 : i32
        %parallel_loop3A_1009 = arith.constant 0 : i32
        %parallel_loop3A_1010 = vector.broadcast %parallel_loop3A_1009 : i32 to vector<16xi32>
        %parallel_loop3A_1011 = arith.cmpi sge, %parallel_loop3A_1006, %parallel_loop3A_1010 : vector<16xi32>
        %parallel_loop3A_1012 = arith.index_cast %parallel_loop3A_1008 : i32 to index
        %parallel_loop3A_1013 = tpu.vector_load %arg5[%parallel_loop3A_1012] {strides = array<i32>} : memref<20480xf32, #tpu.memory_space<vmem>>, vector<16xf32>,
        %parallel_loop3A_1014 = vector.shape_cast %parallel_loop3A_1013 : vector<16xf32> to vector<16xf32>
        %parallel_loop3A_1015 = arith.constant 2.000000e+00 : f32
        %parallel_loop3A_1016 = vector.broadcast %parallel_loop3A_1015 : f32 to vector<16xf32>
        %parallel_loop3A_1017 = arith.mulf %parallel_loop3A_1014, %parallel_loop3A_1016 : vector<16xf32>
        %parallel_loop3A_1018 = arith.constant 0.000000e+00 : f32
        %parallel_loop3A_1019 = vector.broadcast %parallel_loop3A_1018 : f32 to vector<16xf32>
        %parallel_loop3A_1020 = arith.select %parallel_loop3A_1011, %parallel_loop3A_1017, %parallel_loop3A_1019 : vector<16xi1>, vector<16xf32>
        %parallel_loop3A_1021 = arith.index_cast %parallel_loop3A_1008 : i32 to index
        %parallel_loop3A_1022 = tpu.vector_load %arg7[%parallel_loop3A_1021] {strides = array<i32>} : memref<20480xf32, #tpu.memory_space<vmem>>, vector<16xf32>,
        %parallel_loop3A_1023 = vector.shape_cast %parallel_loop3A_1022 : vector<16xf32> to vector<16xf32>
        %parallel_loop3A_1024 = vector.shape_cast %parallel_loop3A_1020 : vector<16xf32> to vector<16xf32>
        tpu.vector_store %arg7[%parallel_loop3A_1021], %parallel_loop3A_1024 {strides = array<i32>} : memref<20480xf32, #tpu.memory_space<vmem>>, vector<16xf32>,
      } {sc.loop_unroll_factor = 1 : i64, sc.parallel_access}
      %mul3A_85 = arith.constant 20480 : i32
      %mul3A_86 = arith.muli %add3A_26, %mul3A_85 : i32
      %add3A_87 = arith.addi %mul3A_2, %mul3A_86 : i32
      %dma_start3A_88 = tpu.memref_slice %arg3[%add3A_87] : memref<5242880xf32, #tpu.memory_space<hbm>> -> memref<20480xf32, #tpu.memory_space<hbm>>
      %dma_start3A_89 = tpu.memref_slice %arg3[%add3A_87] : memref<5242880xf32, #tpu.memory_space<hbm>> -> memref<20480xf32, #tpu.memory_space<hbm>>
      tpu.enqueue_dma source(%arg7 : memref<20480xf32, #tpu.memory_space<vmem>>) target(%dma_start3A_89 : memref<20480xf32, #tpu.memory_space<hbm>>) target_semaphore(%arg11 : memref<!tpu.dma_semaphore, #tpu.memory_space<semaphore_mem>>)
      %scan3A_90 = arith.constant 0 : i32
      scf.yield %scan3A_90 : i32
    }
    %scan3A_13 = arith.constant 4 : i32
    %add3A_14 = arith.constant 122880 : i32
    %add3A_15 = arith.addi %mul3A_2, %add3A_14 : i32
    %dma_wait3A = tpu.memref_slice %arg3[%add3A_15] : memref<5242880xf32, #tpu.memory_space<hbm>> -> memref<20480xf32, #tpu.memory_space<hbm>>
    %dma_wait3A_16 = tpu.memref_slice %arg3[%add3A_15] : memref<5242880xf32, #tpu.memory_space<hbm>> -> memref<20480xf32, #tpu.memory_space<hbm>>
    tpu.wait_dma2 semaphore(%arg10 : memref<!tpu.dma_semaphore, #tpu.memory_space<semaphore_mem>>) src(%arg6 : memref<20480xf32, #tpu.memory_space<vmem>>) dst(%dma_wait3A_16 : memref<20480xf32, #tpu.memory_space<hbm>>)
    %add3A_17 = arith.constant 143360 : i32
    %add3A_18 = arith.addi %mul3A_2, %add3A_17 : i32
    %dma_wait3A_19 = tpu.memref_slice %arg3[%add3A_18] : memref<5242880xf32, #tpu.memory_space<hbm>> -> memref<20480xf32, #tpu.memory_space<hbm>>
    %dma_wait3A_20 = tpu.memref_slice %arg3[%add3A_18] : memref<5242880xf32, #tpu.memory_space<hbm>> -> memref<20480xf32, #tpu.memory_space<hbm>>
    tpu.wait_dma2 semaphore(%arg11 : memref<!tpu.dma_semaphore, #tpu.memory_space<semaphore_mem>>) src(%arg7 : memref<20480xf32, #tpu.memory_space<vmem>>) dst(%dma_wait3A_20 : memref<20480xf32, #tpu.memory_space<hbm>>)
    return
  }
}

module attributes {stable_mosaic.version = 14 : i64} {
  func.func @_tc_body(%arg0: i32, %arg1: memref<1920x128xf32, #tpu.memory_space<vmem>>, %arg2: memref<1920x128xf32, #tpu.memory_space<vmem>>, %arg3: memref<1920x128xi32, #tpu.memory_space<vmem>>) attributes {dimension_semantics = [#tpu.dimension_semantics<arbitrary>], iteration_bounds = array<i64: 62>, scalar_prefetch = 0 : i64, scratch_operands = 1 : i64, tpu.core_type = #tpu.core_type<tc>, window_params = [{transform_indices = @transform_0, window_bounds = array<i64: 1920, 128>}, {transform_indices = @transform_1, window_bounds = array<i64: 1920, 128>}]} {
    %eq3A = arith.constant 0 : i32
    %eq3A_0 = arith.cmpi eq, %arg0, %eq3A : i32
    %convert_element_type3A = arith.extui %eq3A_0 : i1 to i32
    %cond3A = arith.constant 0 : i32
    %cond3A_1 = arith.cmpi ne, %convert_element_type3A, %cond3A : i32
    scf.if %cond3A_1 {
      %iota3A = tpu.iota {dimensions = array<i32: 0>} : vector<1920x128xi32>
      %iota3A_224 = tpu.iota {dimensions = array<i32: 1>} : vector<1920x128xi32>
      %shift_left3A_225 = arith.constant 7 : i32
      %shift_left3A_226 = vector.broadcast %shift_left3A_225 : i32 to vector<1920x128xi32>
      %shift_left3A_227 = arith.shli %iota3A, %shift_left3A_226 : vector<1920x128xi32>
      %or3A_228 = arith.ori %shift_left3A_227, %iota3A_224 : vector<1920x128xi32>
      %swap3A_229 = arith.constant 0 : index
      %swap3A_230 = arith.constant 0 : index
      %swap3A_231 = vector.load %arg3[%swap3A_229, %swap3A_230] : memref<1920x128xi32, #tpu.memory_space<vmem>>, vector<1920x128xi32>
      tpu.vector_store %arg3[%swap3A_229, %swap3A_230], %or3A_228 {strides = array<i32>} : memref<1920x128xi32, #tpu.memory_space<vmem>>, vector<1920x128xi32>,
    } else {
    }
    %mul3A = arith.constant 245760 : i32
    %mul3A_2 = arith.muli %arg0, %mul3A : i32
    %add3A = arith.constant 42 : i32
    %add3A_3 = arith.addi %mul3A_2, %add3A : i32
    %get3A = arith.constant 0 : index
    %get3A_4 = arith.constant 0 : index
    %get3A_5 = vector.load %arg3[%get3A, %get3A_4] : memref<1920x128xi32, #tpu.memory_space<vmem>>, vector<1920x128xi32>
    %add3A_6 = vector.broadcast %add3A_3 : i32 to vector<1920x128xi32>
    %add3A_7 = arith.addi %add3A_6, %get3A_5 : vector<1920x128xi32>
    %shift_left3A = arith.constant 13 : i32
    %shift_left3A_8 = vector.broadcast %shift_left3A : i32 to vector<1920x128xi32>
    %shift_left3A_9 = arith.shli %add3A_7, %shift_left3A_8 : vector<1920x128xi32>
    %shift_right_logical3A = arith.constant 19 : i32
    %shift_right_logical3A_10 = vector.broadcast %shift_right_logical3A : i32 to vector<1920x128xi32>
    %shift_right_logical3A_11 = arith.shrui %add3A_7, %shift_right_logical3A_10 : vector<1920x128xi32>
    %or3A = arith.ori %shift_left3A_9, %shift_right_logical3A_11 : vector<1920x128xi32>
    %xor3A = arith.xori %or3A, %add3A_7 : vector<1920x128xi32>
    %add3A_12 = arith.addi %add3A_7, %xor3A : vector<1920x128xi32>
    %shift_left3A_13 = arith.constant 15 : i32
    %shift_left3A_14 = vector.broadcast %shift_left3A_13 : i32 to vector<1920x128xi32>
    %shift_left3A_15 = arith.shli %xor3A, %shift_left3A_14 : vector<1920x128xi32>
    %shift_right_logical3A_16 = arith.constant 17 : i32
    %shift_right_logical3A_17 = vector.broadcast %shift_right_logical3A_16 : i32 to vector<1920x128xi32>
    %shift_right_logical3A_18 = arith.shrui %xor3A, %shift_right_logical3A_17 : vector<1920x128xi32>
    %or3A_19 = arith.ori %shift_left3A_15, %shift_right_logical3A_18 : vector<1920x128xi32>
    %xor3A_20 = arith.xori %or3A_19, %add3A_12 : vector<1920x128xi32>
    %add3A_21 = arith.addi %add3A_12, %xor3A_20 : vector<1920x128xi32>
    %shift_left3A_22 = arith.constant 26 : i32
    %shift_left3A_23 = vector.broadcast %shift_left3A_22 : i32 to vector<1920x128xi32>
    %shift_left3A_24 = arith.shli %xor3A_20, %shift_left3A_23 : vector<1920x128xi32>
    %shift_right_logical3A_25 = arith.constant 6 : i32
    %shift_right_logical3A_26 = vector.broadcast %shift_right_logical3A_25 : i32 to vector<1920x128xi32>
    %shift_right_logical3A_27 = arith.shrui %xor3A_20, %shift_right_logical3A_26 : vector<1920x128xi32>
    %or3A_28 = arith.ori %shift_left3A_24, %shift_right_logical3A_27 : vector<1920x128xi32>
    %xor3A_29 = arith.xori %or3A_28, %add3A_21 : vector<1920x128xi32>
    %add3A_30 = arith.addi %add3A_21, %xor3A_29 : vector<1920x128xi32>
    %shift_left3A_31 = arith.constant 6 : i32
    %shift_left3A_32 = vector.broadcast %shift_left3A_31 : i32 to vector<1920x128xi32>
    %shift_left3A_33 = arith.shli %xor3A_29, %shift_left3A_32 : vector<1920x128xi32>
    %shift_right_logical3A_34 = arith.constant 26 : i32
    %shift_right_logical3A_35 = vector.broadcast %shift_right_logical3A_34 : i32 to vector<1920x128xi32>
    %shift_right_logical3A_36 = arith.shrui %xor3A_29, %shift_right_logical3A_35 : vector<1920x128xi32>
    %or3A_37 = arith.ori %shift_left3A_33, %shift_right_logical3A_36 : vector<1920x128xi32>
    %xor3A_38 = arith.xori %or3A_37, %add3A_30 : vector<1920x128xi32>
    %add3A_39 = arith.constant 42 : i32
    %add3A_40 = vector.broadcast %add3A_39 : i32 to vector<1920x128xi32>
    %add3A_41 = arith.addi %add3A_30, %add3A_40 : vector<1920x128xi32>
    %add3A_42 = arith.constant 466689009 : i32
    %add3A_43 = vector.broadcast %add3A_42 : i32 to vector<1920x128xi32>
    %add3A_44 = arith.addi %xor3A_38, %add3A_43 : vector<1920x128xi32>
    %add3A_45 = arith.addi %add3A_41, %add3A_44 : vector<1920x128xi32>
    %shift_left3A_46 = arith.constant 17 : i32
    %shift_left3A_47 = vector.broadcast %shift_left3A_46 : i32 to vector<1920x128xi32>
    %shift_left3A_48 = arith.shli %add3A_44, %shift_left3A_47 : vector<1920x128xi32>
    %shift_right_logical3A_49 = arith.constant 15 : i32
    %shift_right_logical3A_50 = vector.broadcast %shift_right_logical3A_49 : i32 to vector<1920x128xi32>
    %shift_right_logical3A_51 = arith.shrui %add3A_44, %shift_right_logical3A_50 : vector<1920x128xi32>
    %or3A_52 = arith.ori %shift_left3A_48, %shift_right_logical3A_51 : vector<1920x128xi32>
    %xor3A_53 = arith.xori %or3A_52, %add3A_45 : vector<1920x128xi32>
    %add3A_54 = arith.addi %add3A_45, %xor3A_53 : vector<1920x128xi32>
    %shift_left3A_55 = arith.constant 29 : i32
    %shift_left3A_56 = vector.broadcast %shift_left3A_55 : i32 to vector<1920x128xi32>
    %shift_left3A_57 = arith.shli %xor3A_53, %shift_left3A_56 : vector<1920x128xi32>
    %shift_right_logical3A_58 = arith.constant 3 : i32
    %shift_right_logical3A_59 = vector.broadcast %shift_right_logical3A_58 : i32 to vector<1920x128xi32>
    %shift_right_logical3A_60 = arith.shrui %xor3A_53, %shift_right_logical3A_59 : vector<1920x128xi32>
    %or3A_61 = arith.ori %shift_left3A_57, %shift_right_logical3A_60 : vector<1920x128xi32>
    %xor3A_62 = arith.xori %or3A_61, %add3A_54 : vector<1920x128xi32>
    %add3A_63 = arith.addi %add3A_54, %xor3A_62 : vector<1920x128xi32>
    %shift_left3A_64 = arith.constant 16 : i32
    %shift_left3A_65 = vector.broadcast %shift_left3A_64 : i32 to vector<1920x128xi32>
    %shift_left3A_66 = arith.shli %xor3A_62, %shift_left3A_65 : vector<1920x128xi32>
    %shift_right_logical3A_67 = arith.constant 16 : i32
    %shift_right_logical3A_68 = vector.broadcast %shift_right_logical3A_67 : i32 to vector<1920x128xi32>
    %shift_right_logical3A_69 = arith.shrui %xor3A_62, %shift_right_logical3A_68 : vector<1920x128xi32>
    %or3A_70 = arith.ori %shift_left3A_66, %shift_right_logical3A_69 : vector<1920x128xi32>
    %xor3A_71 = arith.xori %or3A_70, %add3A_63 : vector<1920x128xi32>
    %add3A_72 = arith.addi %add3A_63, %xor3A_71 : vector<1920x128xi32>
    %shift_left3A_73 = arith.constant 24 : i32
    %shift_left3A_74 = vector.broadcast %shift_left3A_73 : i32 to vector<1920x128xi32>
    %shift_left3A_75 = arith.shli %xor3A_71, %shift_left3A_74 : vector<1920x128xi32>
    %shift_right_logical3A_76 = arith.constant 8 : i32
    %shift_right_logical3A_77 = vector.broadcast %shift_right_logical3A_76 : i32 to vector<1920x128xi32>
    %shift_right_logical3A_78 = arith.shrui %xor3A_71, %shift_right_logical3A_77 : vector<1920x128xi32>
    %or3A_79 = arith.ori %shift_left3A_75, %shift_right_logical3A_78 : vector<1920x128xi32>
    %xor3A_80 = arith.xori %or3A_79, %add3A_72 : vector<1920x128xi32>
    %add3A_81 = arith.constant 466689008 : i32
    %add3A_82 = vector.broadcast %add3A_81 : i32 to vector<1920x128xi32>
    %add3A_83 = arith.addi %add3A_72, %add3A_82 : vector<1920x128xi32>
    %add3A_84 = arith.constant 2 : i32
    %add3A_85 = vector.broadcast %add3A_84 : i32 to vector<1920x128xi32>
    %add3A_86 = arith.addi %xor3A_80, %add3A_85 : vector<1920x128xi32>
    %add3A_87 = arith.addi %add3A_83, %add3A_86 : vector<1920x128xi32>
    %shift_left3A_88 = arith.constant 13 : i32
    %shift_left3A_89 = vector.broadcast %shift_left3A_88 : i32 to vector<1920x128xi32>
    %shift_left3A_90 = arith.shli %add3A_86, %shift_left3A_89 : vector<1920x128xi32>
    %shift_right_logical3A_91 = arith.constant 19 : i32
    %shift_right_logical3A_92 = vector.broadcast %shift_right_logical3A_91 : i32 to vector<1920x128xi32>
    %shift_right_logical3A_93 = arith.shrui %add3A_86, %shift_right_logical3A_92 : vector<1920x128xi32>
    %or3A_94 = arith.ori %shift_left3A_90, %shift_right_logical3A_93 : vector<1920x128xi32>
    %xor3A_95 = arith.xori %or3A_94, %add3A_87 : vector<1920x128xi32>
    %add3A_96 = arith.addi %add3A_87, %xor3A_95 : vector<1920x128xi32>
    %shift_left3A_97 = arith.constant 15 : i32
    %shift_left3A_98 = vector.broadcast %shift_left3A_97 : i32 to vector<1920x128xi32>
    %shift_left3A_99 = arith.shli %xor3A_95, %shift_left3A_98 : vector<1920x128xi32>
    %shift_right_logical3A_100 = arith.constant 17 : i32
    %shift_right_logical3A_101 = vector.broadcast %shift_right_logical3A_100 : i32 to vector<1920x128xi32>
    %shift_right_logical3A_102 = arith.shrui %xor3A_95, %shift_right_logical3A_101 : vector<1920x128xi32>
    %or3A_103 = arith.ori %shift_left3A_99, %shift_right_logical3A_102 : vector<1920x128xi32>
    %xor3A_104 = arith.xori %or3A_103, %add3A_96 : vector<1920x128xi32>
    %add3A_105 = arith.addi %add3A_96, %xor3A_104 : vector<1920x128xi32>
    %shift_left3A_106 = arith.constant 26 : i32
    %shift_left3A_107 = vector.broadcast %shift_left3A_106 : i32 to vector<1920x128xi32>
    %shift_left3A_108 = arith.shli %xor3A_104, %shift_left3A_107 : vector<1920x128xi32>
    %shift_right_logical3A_109 = arith.constant 6 : i32
    %shift_right_logical3A_110 = vector.broadcast %shift_right_logical3A_109 : i32 to vector<1920x128xi32>
    %shift_right_logical3A_111 = arith.shrui %xor3A_104, %shift_right_logical3A_110 : vector<1920x128xi32>
    %or3A_112 = arith.ori %shift_left3A_108, %shift_right_logical3A_111 : vector<1920x128xi32>
    %xor3A_113 = arith.xori %or3A_112, %add3A_105 : vector<1920x128xi32>
    %add3A_114 = arith.addi %add3A_105, %xor3A_113 : vector<1920x128xi32>
    %shift_left3A_115 = arith.constant 6 : i32
    %shift_left3A_116 = vector.broadcast %shift_left3A_115 : i32 to vector<1920x128xi32>
    %shift_left3A_117 = arith.shli %xor3A_113, %shift_left3A_116 : vector<1920x128xi32>
    %shift_right_logical3A_118 = arith.constant 26 : i32
    %shift_right_logical3A_119 = vector.broadcast %shift_right_logical3A_118 : i32 to vector<1920x128xi32>
    %shift_right_logical3A_120 = arith.shrui %xor3A_113, %shift_right_logical3A_119 : vector<1920x128xi32>
    %or3A_121 = arith.ori %shift_left3A_117, %shift_right_logical3A_120 : vector<1920x128xi32>
    %xor3A_122 = arith.xori %or3A_121, %add3A_114 : vector<1920x128xi32>
    %add3A_123 = arith.constant 0 : i32
    %add3A_124 = vector.broadcast %add3A_123 : i32 to vector<1920x128xi32>
    %add3A_125 = arith.addi %add3A_114, %add3A_124 : vector<1920x128xi32>
    %add3A_126 = arith.constant 45 : i32
    %add3A_127 = vector.broadcast %add3A_126 : i32 to vector<1920x128xi32>
    %add3A_128 = arith.addi %xor3A_122, %add3A_127 : vector<1920x128xi32>
    %add3A_129 = arith.addi %add3A_125, %add3A_128 : vector<1920x128xi32>
    %shift_left3A_130 = arith.constant 17 : i32
    %shift_left3A_131 = vector.broadcast %shift_left3A_130 : i32 to vector<1920x128xi32>
    %shift_left3A_132 = arith.shli %add3A_128, %shift_left3A_131 : vector<1920x128xi32>
    %shift_right_logical3A_133 = arith.constant 15 : i32
    %shift_right_logical3A_134 = vector.broadcast %shift_right_logical3A_133 : i32 to vector<1920x128xi32>
    %shift_right_logical3A_135 = arith.shrui %add3A_128, %shift_right_logical3A_134 : vector<1920x128xi32>
    %or3A_136 = arith.ori %shift_left3A_132, %shift_right_logical3A_135 : vector<1920x128xi32>
    %xor3A_137 = arith.xori %or3A_136, %add3A_129 : vector<1920x128xi32>
    %add3A_138 = arith.addi %add3A_129, %xor3A_137 : vector<1920x128xi32>
    %shift_left3A_139 = arith.constant 29 : i32
    %shift_left3A_140 = vector.broadcast %shift_left3A_139 : i32 to vector<1920x128xi32>
    %shift_left3A_141 = arith.shli %xor3A_137, %shift_left3A_140 : vector<1920x128xi32>
    %shift_right_logical3A_142 = arith.constant 3 : i32
    %shift_right_logical3A_143 = vector.broadcast %shift_right_logical3A_142 : i32 to vector<1920x128xi32>
    %shift_right_logical3A_144 = arith.shrui %xor3A_137, %shift_right_logical3A_143 : vector<1920x128xi32>
    %or3A_145 = arith.ori %shift_left3A_141, %shift_right_logical3A_144 : vector<1920x128xi32>
    %xor3A_146 = arith.xori %or3A_145, %add3A_138 : vector<1920x128xi32>
    %add3A_147 = arith.addi %add3A_138, %xor3A_146 : vector<1920x128xi32>
    %shift_left3A_148 = arith.constant 16 : i32
    %shift_left3A_149 = vector.broadcast %shift_left3A_148 : i32 to vector<1920x128xi32>
    %shift_left3A_150 = arith.shli %xor3A_146, %shift_left3A_149 : vector<1920x128xi32>
    %shift_right_logical3A_151 = arith.constant 16 : i32
    %shift_right_logical3A_152 = vector.broadcast %shift_right_logical3A_151 : i32 to vector<1920x128xi32>
    %shift_right_logical3A_153 = arith.shrui %xor3A_146, %shift_right_logical3A_152 : vector<1920x128xi32>
    %or3A_154 = arith.ori %shift_left3A_150, %shift_right_logical3A_153 : vector<1920x128xi32>
    %xor3A_155 = arith.xori %or3A_154, %add3A_147 : vector<1920x128xi32>
    %add3A_156 = arith.addi %add3A_147, %xor3A_155 : vector<1920x128xi32>
    %shift_left3A_157 = arith.constant 24 : i32
    %shift_left3A_158 = vector.broadcast %shift_left3A_157 : i32 to vector<1920x128xi32>
    %shift_left3A_159 = arith.shli %xor3A_155, %shift_left3A_158 : vector<1920x128xi32>
    %shift_right_logical3A_160 = arith.constant 8 : i32
    %shift_right_logical3A_161 = vector.broadcast %shift_right_logical3A_160 : i32 to vector<1920x128xi32>
    %shift_right_logical3A_162 = arith.shrui %xor3A_155, %shift_right_logical3A_161 : vector<1920x128xi32>
    %or3A_163 = arith.ori %shift_left3A_159, %shift_right_logical3A_162 : vector<1920x128xi32>
    %xor3A_164 = arith.xori %or3A_163, %add3A_156 : vector<1920x128xi32>
    %add3A_165 = arith.constant 42 : i32
    %add3A_166 = vector.broadcast %add3A_165 : i32 to vector<1920x128xi32>
    %add3A_167 = arith.addi %add3A_156, %add3A_166 : vector<1920x128xi32>
    %add3A_168 = arith.constant 466689012 : i32
    %add3A_169 = vector.broadcast %add3A_168 : i32 to vector<1920x128xi32>
    %add3A_170 = arith.addi %xor3A_164, %add3A_169 : vector<1920x128xi32>
    %add3A_171 = arith.addi %add3A_167, %add3A_170 : vector<1920x128xi32>
    %shift_left3A_172 = arith.constant 13 : i32
    %shift_left3A_173 = vector.broadcast %shift_left3A_172 : i32 to vector<1920x128xi32>
    %shift_left3A_174 = arith.shli %add3A_170, %shift_left3A_173 : vector<1920x128xi32>
    %shift_right_logical3A_175 = arith.constant 19 : i32
    %shift_right_logical3A_176 = vector.broadcast %shift_right_logical3A_175 : i32 to vector<1920x128xi32>
    %shift_right_logical3A_177 = arith.shrui %add3A_170, %shift_right_logical3A_176 : vector<1920x128xi32>
    %or3A_178 = arith.ori %shift_left3A_174, %shift_right_logical3A_177 : vector<1920x128xi32>
    %xor3A_179 = arith.xori %or3A_178, %add3A_171 : vector<1920x128xi32>
    %add3A_180 = arith.addi %add3A_171, %xor3A_179 : vector<1920x128xi32>
    %shift_left3A_181 = arith.constant 15 : i32
    %shift_left3A_182 = vector.broadcast %shift_left3A_181 : i32 to vector<1920x128xi32>
    %shift_left3A_183 = arith.shli %xor3A_179, %shift_left3A_182 : vector<1920x128xi32>
    %shift_right_logical3A_184 = arith.constant 17 : i32
    %shift_right_logical3A_185 = vector.broadcast %shift_right_logical3A_184 : i32 to vector<1920x128xi32>
    %shift_right_logical3A_186 = arith.shrui %xor3A_179, %shift_right_logical3A_185 : vector<1920x128xi32>
    %or3A_187 = arith.ori %shift_left3A_183, %shift_right_logical3A_186 : vector<1920x128xi32>
    %xor3A_188 = arith.xori %or3A_187, %add3A_180 : vector<1920x128xi32>
    %add3A_189 = arith.addi %add3A_180, %xor3A_188 : vector<1920x128xi32>
    %shift_left3A_190 = arith.constant 26 : i32
    %shift_left3A_191 = vector.broadcast %shift_left3A_190 : i32 to vector<1920x128xi32>
    %shift_left3A_192 = arith.shli %xor3A_188, %shift_left3A_191 : vector<1920x128xi32>
    %shift_right_logical3A_193 = arith.constant 6 : i32
    %shift_right_logical3A_194 = vector.broadcast %shift_right_logical3A_193 : i32 to vector<1920x128xi32>
    %shift_right_logical3A_195 = arith.shrui %xor3A_188, %shift_right_logical3A_194 : vector<1920x128xi32>
    %or3A_196 = arith.ori %shift_left3A_192, %shift_right_logical3A_195 : vector<1920x128xi32>
    %xor3A_197 = arith.xori %or3A_196, %add3A_189 : vector<1920x128xi32>
    %add3A_198 = arith.addi %add3A_189, %xor3A_197 : vector<1920x128xi32>
    %shift_left3A_199 = arith.constant 6 : i32
    %shift_left3A_200 = vector.broadcast %shift_left3A_199 : i32 to vector<1920x128xi32>
    %shift_left3A_201 = arith.shli %xor3A_197, %shift_left3A_200 : vector<1920x128xi32>
    %shift_right_logical3A_202 = arith.constant 26 : i32
    %shift_right_logical3A_203 = vector.broadcast %shift_right_logical3A_202 : i32 to vector<1920x128xi32>
    %shift_right_logical3A_204 = arith.shrui %xor3A_197, %shift_right_logical3A_203 : vector<1920x128xi32>
    %or3A_205 = arith.ori %shift_left3A_201, %shift_right_logical3A_204 : vector<1920x128xi32>
    %xor3A_206 = arith.xori %or3A_205, %add3A_198 : vector<1920x128xi32>
    %add3A_207 = arith.constant 466689008 : i32
    %add3A_208 = vector.broadcast %add3A_207 : i32 to vector<1920x128xi32>
    %add3A_209 = arith.addi %add3A_198, %add3A_208 : vector<1920x128xi32>
    %add3A_210 = arith.constant 5 : i32
    %add3A_211 = vector.broadcast %add3A_210 : i32 to vector<1920x128xi32>
    %add3A_212 = arith.addi %xor3A_206, %add3A_211 : vector<1920x128xi32>
    %xor3A_213 = arith.xori %add3A_209, %add3A_212 : vector<1920x128xi32>
    %ge3A = arith.constant 0 : i32
    %ge3A_214 = vector.broadcast %ge3A : i32 to vector<1920x128xi32>
    %ge3A_215 = arith.cmpi sge, %xor3A_213, %ge3A_214 : vector<1920x128xi32>
    %get3A_216 = arith.constant 0 : index
    %get3A_217 = arith.constant 0 : index
    %get3A_218 = vector.load %arg1[%get3A_216, %get3A_217] : memref<1920x128xf32, #tpu.memory_space<vmem>>, vector<1920x128xf32>
    %mul3A_219 = arith.constant 2.000000e+00 : f32
    %mul3A_220 = vector.broadcast %mul3A_219 : f32 to vector<1920x128xf32>
    %mul3A_221 = arith.mulf %get3A_218, %mul3A_220 : vector<1920x128xf32>
    %jit3A = arith.constant 0.000000e+00 : f32
    %broadcast_in_dim3A = vector.broadcast %jit3A : f32 to vector<1920x128xf32>
    %select_n3A = arith.select %ge3A_215, %mul3A_221, %broadcast_in_dim3A : vector<1920x128xi1>, vector<1920x128xf32>
    %swap3A = arith.constant 0 : index
    %swap3A_222 = arith.constant 0 : index
    %swap3A_223 = vector.load %arg2[%swap3A, %swap3A_222] : memref<1920x128xf32, #tpu.memory_space<vmem>>, vector<1920x128xf32>
    tpu.vector_store %arg2[%swap3A, %swap3A_222], %select_n3A {strides = array<i32>} : memref<1920x128xf32, #tpu.memory_space<vmem>>, vector<1920x128xf32>,
    return
  }
  func.func @transform_0(%arg0: i32) -> (i32, i32) {
    %c0_i32 = arith.constant 0 : i32
    %c0_i32_0 = arith.constant 0 : i32
    return %arg0, %c0_i32 : i32, i32
  }
  func.func @transform_1(%arg0: i32) -> (i32, i32) {
    %c0_i32 = arith.constant 0 : i32
    %c0_i32_0 = arith.constant 0 : i32
    return %arg0, %c0_i32 : i32, i32
  }
}

</mosaic_0001>

<sc_bundles>
// kernel: kernel.4.cloned.1.call-start
scs
__scs_entry_jumppad:
0x0: {  	(pc) =	sbr.rel $0x88, $3  }
0x1: {  	(tag) =	ssettag $0x0;
	lr =	simm.s32 $0x1  }
0x2: {  	[smem:$0x3FA0] =	sst lr;
	_ =	strace $0xD0000000  }
0x3: {  	_ = 	snop  }
0x4: {  	_ = 	snop  }
0x5: {  	_ = 	snop  }
0x6: {  	_ = 	snop  }
0x7: {  	_ = 	snop  }
__scs_overlays_trampoline_lowered:
0x8: {  	[smem:$0x3FAF] =	sst s0  }
0x9: {  	[smem:$0x3FB0] =	sst s1  }
0xa: {  	[smem:$0x3FB1] =	sst s2  }
0xb: {  	[smem:$0x3FB2] =	sst s3  }
0xc: {  	[smem:$0x3FB3] =	sst s4  }
0xd: {  	[smem:$0x3FB4] =	sst s5  }
0xe: {  	[smem:$0x3FB5] =	sst s6  }
0xf: {  	[smem:$0x3FB6] =	sst s7  }
0x10: {  	[smem:$0x3FB7] =	sst s8  }
0x11: {  	[smem:$0x3FB8] =	sst s9;
	s0 =	simm.s32 @!p0 $0x0  }
0x12: {  	s1 =	sld [smem:$0x3F9E];
	s0 =	simm.s32 @p0 $0x1  }
0x13: {  	[smem:$0x3FB9] =	sst s0;
	s0 =	simm.s32 @!p1 $0x0  }
0x14: {  	s2 =	sld [smem:$0x3F9D];
	s0 =	simm.s32 @p1 $0x1  }
0x15: {  	[smem:$0x3FBA] =	sst s0;
	s0 =	simm.s32 @!p2 $0x0  }
0x16: {  	s3 =	sld [smem:$0x3FDB];
	s0 =	simm.s32 @p2 $0x1  }
0x17: {  	s4 =	simm.s32 $0x1BF5;
	[smem:$0x3FBC] =	sst s0  }
0x18: {  	s0 =	sld [smem:$0x3F9F];
	_ =	swait.ge [sflag:s4], $0x0  }
0x19: {  	s7 =	sld [smem:$0x3FA0]  }
0x1a: {  	s8 =	sadd.s32 $0xFFFFE003, lr  }
0x1b: {  	s9 =	sadd.s32 $0xFFFFFEF7, lr;
	s5 =	simm.s32 $0xFFFFFFFF;
	p2 =	slt.u32 s8, $0xFFFFF086  }
0x1c: {  	p1 =	slt.u32 s9, $0xF7A;
	s5 =	simm.s32 @!p2 $0x0  }
0x1d: {  	s5 =	simm.s32 @p1 $0x1;
	p0 =	seq.s32 s7, s2  }
0x1e: {  	s7 =	smul.u32 @!p0 $0xF7A, s2;
	p2 =	seq.s32 @!p0 s5, $0x0  }
0x1f: {  	s9 =	smul.u32 $0xF7A, s1;
	s8 =	simm.s32 @!p0 $0x1BF5;
	p2 =	por !p2, p0  }
0x20: {  	[sflag:s8] =	ssyncset.s32 @!p0 $0xFFFFF086;
	s6 =	sadd.s32 @!p0 s3, s7;
	s7 =	simm.s32 @!p0 $0x108  }
0x21: {  	s3 =	sadd.s32 s3, s9;
	s6 =	sadd.s32 @!p0 $0x88, s6;
	s7 =	simm.s32 @p2 $0x1082  }
0x22: {  	[simem:s7], [sflag:s8] =	dma.local @!p0 [hbm:s6], $0xF7A  }
0x23: {  	s9 =	sor.u32 $0xD0000000, s2;
	s6 =	simm.s32 $0x108;
	_ =	swait.ge @!p0 [sflag:s8], $0x0  }
0x24: {  	s3 =	sadd.s32 $0x88, s3;
	s6 =	simm.s32 @!p1 $0x1082;
	[sflag:s4] =	ssyncset.s32 $0xFFFFF086  }
0x25: {  	[simem:s6], [sflag:s4] =	dma.local [hbm:s3], $0xF7A  }
0x26: {  	[smem:$0x3FA0] =	sst s1;
	(tag) =	ssettag s2;
	_ =	strace s9  }
0x27: {  	s1 =	sld [smem:$0x3FB0]  }
0x28: {  	s2 =	sld [smem:$0x3FB1]  }
0x29: {  	s4 =	sld [smem:$0x3FB3]  }
0x2a: {  	p0 =	seq.s32 s5, $0x0;
	s5 =	sld [smem:$0x3FB4]  }
0x2b: {  	s6 =	sld [smem:$0x3FB5]  }
0x2c: {  	s7 =	sld [smem:$0x3FB6]  }
0x2d: {  	s3 =	simm.s32 $0x108;
	s8 =	sld [smem:$0x3FB7]  }
0x2e: {  	s3 =	simm.s32 @!p0 $0x1082;
	s9 =	sld [smem:$0x3FB8]  }
0x2f: {  	lr =	sadd.s32 s0, s3;
	s0 =	sld [smem:$0x3FAF]  }
0x30: {  	s3 =	sld [smem:$0x3FB2]  }
0x31: {  	[smem:$0x3FBB] =	sst s10  }
0x32: {  	s10 =	sld [smem:$0x3FB9];
	_ =	sdelay $0x3  }
0x33: {  	p0 =	seq.s32 s10, $0x1;
	s10 =	sld [smem:$0x3FBB];
	_ =	sdelay $0x3  }
0x34: {  	[smem:$0x3FBB] =	sst s10  }
0x35: {  	s10 =	sld [smem:$0x3FBA];
	_ =	sdelay $0x3  }
0x36: {  	p1 =	seq.s32 s10, $0x1;
	s10 =	sld [smem:$0x3FBB];
	_ =	sdelay $0x3  }
0x37: {  	[smem:$0x3FBB] =	sst s10  }
0x38: {  	s10 =	sld [smem:$0x3FBC]  }
0x39: {  	_ = 	snop;
	(pc) =	sbr.ind lr, $3  }
0x3a: {  	_ = 	snop  }
0x3b: {  	_ = 	snop  }
0x3c: {  	p2 =	seq.s32 s10, $0x1;
	s10 =	sld [smem:$0x3FBB]  }
0x3d: {  	_ =	shalt  }
0x3e: {  	_ =	shalt  }
0x3f: {  	_ =	shalt  }
0x40: {  	_ =	shalt  }
0x41: {  	_ =	shalt  }
0x42: {  	_ =	shalt  }
0x43: {  	_ =	shalt  }
0x44: {  	_ =	shalt  }
0x45: {  	_ =	shalt  }
0x46: {  	_ =	shalt  }
0x47: {  	_ =	shalt  }
0x48: {  	_ =	shalt  }
0x49: {  	_ =	shalt  }
0x4a: {  	_ =	shalt  }
0x4b: {  	_ =	shalt  }
0x4c: {  	_ =	shalt  }
0x4d: {  	_ =	shalt  }
0x4e: {  	_ =	shalt  }
0x4f: {  	_ =	shalt  }
0x50: {  	_ =	shalt  }
0x51: {  	_ =	shalt  }
0x52: {  	_ =	shalt  }
0x53: {  	_ =	shalt  }
0x54: {  	_ =	shalt  }
0x55: {  	_ =	shalt  }
0x56: {  	_ =	shalt  }
0x57: {  	_ =	shalt  }
0x58: {  	_ =	shalt  }
0x59: {  	_ =	shalt  }
0x5a: {  	_ =	shalt  }
0x5b: {  	_ =	shalt  }
0x5c: {  	_ =	shalt  }
0x5d: {  	_ =	shalt  }
0x5e: {  	_ =	shalt  }
0x5f: {  	_ =	shalt  }
0x60: {  	_ =	shalt  }
0x61: {  	_ =	shalt  }
0x62: {  	_ =	shalt  }
0x63: {  	_ =	shalt  }
0x64: {  	_ =	shalt  }
0x65: {  	_ =	shalt  }
0x66: {  	_ =	shalt  }
0x67: {  	_ =	shalt  }
0x68: {  	_ =	shalt  }
0x69: {  	_ =	shalt  }
0x6a: {  	_ =	shalt  }
0x6b: {  	_ =	shalt  }
0x6c: {  	_ =	shalt  }
0x6d: {  	_ =	shalt  }
0x6e: {  	_ =	shalt  }
0x6f: {  	_ =	shalt  }
0x70: {  	_ =	shalt  }
0x71: {  	_ =	shalt  }
0x72: {  	_ =	shalt  }
0x73: {  	_ =	shalt  }
0x74: {  	_ =	shalt  }
0x75: {  	_ =	shalt  }
0x76: {  	_ =	shalt  }
0x77: {  	_ =	shalt  }
0x78: {  	_ =	shalt  }
0x79: {  	_ =	shalt  }
0x7a: {  	_ =	shalt  }
0x7b: {  	_ =	shalt  }
0x7c: {  	_ =	shalt  }
0x7d: {  	_ =	shalt  }
0x7e: {  	_ =	shalt  }
0x7f: {  	_ =	shalt  }
0x80: {  	_ =	shalt  }
0x81: {  	_ =	shalt  }
0x82: {  	_ =	shalt  }
0x83: {  	_ =	shalt  }
0x84: {  	_ =	shalt  }
0x85: {  	_ =	shalt  }
0x86: {  	_ =	shalt  }
0x87: {  	_ =	shalt  }
.Lfunc_end0:
.L_simem_size_0:
called_computation_lowered:
.L_overlay_start_0:
0x88: {  	s2 =	sld [smem:$0x3FD9]  }
0x89: {  	s3 =	sld [smem:$0x3FFE];
	_ =	sdelay $0x1  }
0x8a: {  	s1 =	srdreg.scid  }
0x8b: {  	s0 =	sand.u32 $0x1, s1  }
0x8c: {  	s17 =	sshll.u32 s0, $0xA;
	s2 =	sadd.s32 s3, s2  }
0x8d: {  	s2 =	sadd.s32 s2, s17  }
0x8e: {  	[smem:$0x3FC7] =	sst s2  }
0x8f: {  	_ = 	snop  }
0x90: {  	s2 =	sld [smem:$0x3FC9];
	(tm) =	ssettm $0x1  }
0x91: {  	s18 =	sld [smem:$0x3FFB];
	_ =	sdelay $0x3  }
0x92: {  	_ =	strace s18  }
0x93: {  	s3 =	sld [smem:$0x3FFC];
	_ =	sdelay $0x3  }
0x94: {  	_ =	strace s3  }
0x95: {  	s3 =	sld [smem:$0x3FFD];
	_ =	sdelay $0x3  }
0x96: {  	_ =	strace s3  }
0x97: {  	_ =	strace $0x8FFFFFFF  }
0x98: {  	s19 =	sld [smem:$0x3FDB];
	_ =	sdelay $0x1  }
0x99: {  	s4 =	simm.s32 $_scs_section_size  }
0x9a: {  	s5 =	simm.s32 $_size__tile_overlayer_lowered;
	s6 =	simm.s32 $_tile_overlayer_lowered  }
0x9b: {  	s22 =	simm.s32 $0x1BFF;
	s21 =	sshll.u32 s6, $0x1;
	s3 =	sadd.s32 s4, s19  }
0x9c: {  	s7 =	simm.s32 $0x0;
	s20 =	sshll.u32 s5, $0x1;
	s5 =	sadd.s32 s21, s3  }
0x9d: {  	[timem:s7], [sflag:s22] =	dma.local [hbm:s5], s20  }
0x9e: {  	_ =	swait.ge [sflag:s22], s20  }
0x9f: {  	s4 =	ssub.s32 $0x0, s20;
	[sflag:s22] =	ssyncset.done $0x0  }
0xa0: {  	[sflag:s22] =	ssyncadd.s32 s4;
	_ =	sdelay $0x1  }
0xa1: {  	s23 =	simm.s32 $0x1B8B  }
0xa2: {  	_ =	swait.ge [sflag:s23], $0x1  }
0xa3: {  	[sflag:s23] =	ssyncset.done $0x0  }
0xa4: {  	s25 =	simm.s32 $0x1B8E;
	s24 =	sld [smem:$0x3FFE];
	[sflag:s23] =	ssyncadd.s32 $0xFFFFFFFF  }
0xa5: {  	s26 =	simm.s32 $execute0_lowered;
	[smem:$0x3FD2] =	sst s25  }
0xa6: {  	s5 =	sshll.u32 s26, $0x1;
	_ =	strace $0x80000046;
	[dreg:$0x1] =	wrdreg $0xFFFFFFFF  }
0xa7: {  	s28 =	simm.s32 $_size_execute0_lowered;
	s3 =	sadd.s32 s3, s5;
	[dreg:$0x0] =	wrdreg $0x0  }
0xa8: {  	s5 =	sshll.u32 s28, $0x1;
	[dreg:$0x2] =	wrdreg s3  }
0xa9: {  	[dreg:$0x3] =	wrdreg s5  }
0xaa: {  	[dreg:$0x4] =	wrdreg $0xC0  }
0xab: {  	_ =	task [dreg:s7], $0x5FFFF  }
0xac: {  	[dreg:$0x1] =	wrdreg $0xFFFFFFFF  }
0xad: {  	[dreg:$0x0] =	wrdreg $0x60  }
0xae: {  	[dreg:$0x2] =	wrdreg s2  }
0xaf: {  	[dreg:$0x3] =	wrdreg s24  }
0xb0: {  	[dreg:$0x4] =	wrdreg $0x9  }
0xb1: {  	_ =	task.clear_ibuf [dreg:s7], $0x5FFFF;
	_ =	strace $0x90000046  }
0xb2: {  	s29 =	simm.s32 $0x9;
	_ =	strace $0x80000048  }
0xb3: {  	_ =	swait.ge [sflag:s29], $0x1  }
0xb4: {  	[sflag:s29] =	ssyncadd.s32 $0xFFFFFFFF  }
0xb5: {  	_ =	strace $0x90000048  }
0xb6: {  	_ =	sfence  }
0xb7: {  	s30 =	sld [smem:$0x0];
	_ =	sdelay $0x2  }
0xb8: {  	s31 =	sshll.u32 s1, $0xD;
	s1 =	sshrl.u32 s1, $0x2  }
0xb9: {  	s3 =	sand.u32 $0x4000, s31;
	s1 =	sadd.s32 s1, s30  }
0xba: {  	s0 =	sor.u32 s3, s0;
	s1 =	sshll.u32 s1, $0x11  }
0xbb: {  	s0 =	sor.u32 s1, s0  }
0xbc: {  	s0 =	sadd.s32 $0x8F2B, s0  }
0xbd: {  	[sflag:s0] =	ssyncadd.remote.s32 $0x1  }
0xbe: {  	_ =	sfence.sel $0xFFFF  }
0xbf: {  	[dreg:$0x0] =	wrdreg $0xFFFFFFFF;
	(pc) =	sbr.abs _section_cstart, $3  }
0xc0: {  	[dreg:$0x1] =	wrdreg $0xFFFFFFFF  }
0xc1: {  	_ =	task.clear_ibuf [dreg:s7], $0x2FFFF;
	_ =	strace $0x9FFFFFFF  }
0xc2: {  	(tm) =	ssettm $0x7FFFFFFF  }
0xc3: {  	_ =	shalt  }
tec
execute0_lowered:
.L_overlay_start_1:
0x0: {  	(tag) =	ssettag $0x1  }
0x1: {  	s2 =	rddreg [dreg:$0x0];
	s1 =	srdreg.scid  }
0x2: {  	s0 =	stileid.u32;
	s5 =	rddreg [dreg:$0x1];
	s3 =	simm.s32 $0x0  }
0x3: {  	s12 =	simm.s32 $0x1;
	s13 =	simm.s32 $0xA000;
	s14 =	simm.s32 $0x2  }
0x4: {  	s15 =	simm.s32 $0x4;
	s16 =	simm.s32 $0xF000;
	s17 =	simm.s32 $0x3  }
0x5: {  	s18 =	simm.s32 $0x0;
	s7 =	sand.u32 $0x1, s1;
	s4 =	sshll.u32 s0, $0x1  }
0x6: {  	s1 =	rddreg [dreg:$0x2];
	s10 =	smul.u32 $0x50000, s0;
	s4 =	sor.u32 s7, s4  }
0x7: {  	[smem:$0x7FF] =	sst s3;
	s8 =	ssub.s32 $0x2, s7;
	s4 =	smul.u32 $0x28000, s4  }
0x8: {  	s5 =	sadd.s32 $0x400, s5;
	s11 =	smul.u32 $0x28000, s7;
	s9 =	sshrl.u32 s8, $0x1  }
0x9: {  	_ =	strace $0x80000047;
	s9 =	ssub.s32 s8, s9;
	s6 =	sadd.s32 $0xE88000, s4  }
0xa: {  	s10 =	sadd.s32 s11, s10;
	s11 =	simm.s32 $0x5000;
	s31 =	sshrl.u32 s6, $0x3  }
0xb: {  	v0 =	vlaneseq.u32;
	s8 =	sadd.s32 $0xE92000, s4;
	s9 =	smax.u32 s9, $0x1;
	s7 =	sadd.s32 s2, s31  }
.LBB2_1:
0xc: {  	[tilespmem:s3], [sflag:$0x1] =	stream.linear.gather [hbm4b:s7+s3], $0x5000, $0x38;
	[tilespmem:$0x14000] =	vst v63  }
0xd: {  	s19 =	smov.u32 s10;
	s20 =	simm.s32 $0x0  }
.LBB2_2:
0xe: {  	s24 =	sadd.s32 $0xFFFFFFC0, s19  }
0xf: {  	s25 =	sadd.s32 $0xE8809A, s24;
	s26 =	sadd.s32 $0xE8807A, s24  }
0x10: {  	s28 =	sadd.s32 $0xE8808A, s24;
	s24 =	sadd.s32 $0xE8806A, s24;
	v2 =	vadd.s32 s25, v0  }
0x11: {  	v3 =	vadd.s32 s26, v0;
	v4 =	vadd.s32 s28, v0;
	v5 =	vadd.s32 s24, v0  }
0x12: {  	v1 =	vshrl.u32 v2, $0x13;
	v6 =	vshrl.u32 v4, $0x13;
	v7 =	vshll.u32 v2, $0xD  }
0x13: {  	v9 =	vshll.u32 v4, $0xD;
	v10 =	vshrl.u32 v3, $0x13;
	v11 =	vshrl.u32 v5, $0x13  }
0x14: {  	v12 =	vshll.u32 v3, $0xD;
	v13 =	vshll.u32 v5, $0xD;
	v1 =	vor.u32 v1, v7  }
0x15: {  	v7 =	vor.u32 v11, v13;
	v10 =	vor.u32 v10, v12;
	v6 =	vor.u32 v6, v9  }
0x16: {  	v35 =	vxor.u32 v3, v10;
	v6 =	vxor.u32 v4, v6;
	v36 =	vxor.u32 v2, v1  }
0x17: {  	v7 =	vxor.u32 v5, v7;
	v2 =	vadd.s32 v2, v36;
	v4 =	vadd.s32 v4, v6  }
0x18: {  	v37 =	vshrl.u32 v36, $0x11;
	v10 =	vshll.u32 v36, $0xF;
	v3 =	vadd.s32 v3, v35  }
0x19: {  	v38 =	vshrl.u32 v6, $0x11;
	v6 =	vshll.u32 v6, $0xF;
	v5 =	vadd.s32 v5, v7  }
0x1a: {  	v39 =	vshrl.u32 v35, $0x11;
	v9 =	vshll.u32 v35, $0xF;
	v40 =	vshrl.u32 v7, $0x11  }
0x1b: {  	s22 =	smul.u32 $0xA000, s20;
	v7 =	vshll.u32 v7, $0xF;
	v9 =	vor.u32 v39, v9;
	v6 =	vor.u32 v38, v6  }
0x1c: {  	v7 =	vor.u32 v40, v7;
	v9 =	vxor.u32 v3, v9;
	v6 =	vxor.u32 v4, v6  }
0x1d: {  	s21 =	sadd.s32 $0x5000, s22;
	v7 =	vxor.u32 v5, v7;
	v4 =	vadd.s32 v4, v6;
	v42 =	vshrl.u32 v6, $0x6  }
0x1e: {  	s23 =	sadd.s32 s6, s21;
	v3 =	vadd.s32 v3, v9;
	v43 =	vshrl.u32 v9, $0x6;
	v6 =	vshll.u32 v6, $0x1A  }
0x1f: {  	s23 =	sshrl.u32 s23, $0x3;
	v5 =	vadd.s32 v5, v7;
	v44 =	vshrl.u32 v7, $0x6;
	v7 =	vshll.u32 v7, $0x1A  }
0x20: {  	s23 =	sadd.s32 s2, s23;
	v9 =	vshll.u32 v9, $0x1A;
	v6 =	vor.u32 v42, v6;
	v7 =	vor.u32 v44, v7  }
0x21: {  	[tilespmem:s11], [sflag:$0x2] =	stream.linear.gather [hbm4b:s23+s3], $0x5000, $0x38;
	v9 =	vor.u32 v43, v9;
	v7 =	vxor.u32 v5, v7;
	v6 =	vxor.u32 v4, v6;
	[tilespmem:$0x14000] =	vst v63  }
0x22: {  	_ =	swait.ge [sflag:s12], $0x5000;
	v9 =	vxor.u32 v3, v9;
	v4 =	vadd.s32 v4, v6;
	v46 =	vshrl.u32 v6, $0x1A  }
0x23: {  	p0 =	seq.s32 s20, $0x0;
	[sflag:s12] =	ssyncset.done $0x0;
	v6 =	vshll.u32 v6, $0x6;
	v3 =	vadd.s32 v3, v9;
	v47 =	vshrl.u32 v9, $0x1A  }
0x24: {  	s23 =	simm.s32 @!p0 $0x3;
	[sflag:s12] =	ssyncadd.s32 $0xFFFFB000;
	v5 =	vadd.s32 v5, v7;
	v48 =	vshrl.u32 v7, $0x1A;
	v7 =	vshll.u32 v7, $0x6  }
0x25: {  	_ =	swait.ge @!p0 [sflag:s23], $0x5000;
	v9 =	vshll.u32 v9, $0x6;
	v6 =	vor.u32 v46, v6;
	v7 =	vor.u32 v48, v7  }
0x26: {  	[sflag:s23] =	ssyncset.done @!p0 $0x0;
	v9 =	vor.u32 v47, v9;
	v6 =	vxor.u32 v4, v6;
	v7 =	vxor.u32 v5, v7  }
0x27: {  	[sflag:s23] =	ssyncadd.s32 @!p0 $0xFFFFB000;
	s23 =	simm.s32 $0x20;
	v9 =	vxor.u32 v3, v9;
	v7 =	vadd.s32 $0x1BD11BF1, v7;
	v6 =	vadd.s32 $0x1BD11BF1, v6  }
0x28: {  	v8 =	vld [tilespmem:s23+$0xFFFFFFE0];
	v9 =	vadd.s32 $0x1BD11BF1, v9;
	v4 =	vadd.s32 v6, v4;
	v50 =	vshrl.u32 v6, $0xF  }
0x29: {  	v6 =	vshll.u32 v6, $0x11;
	v3 =	vadd.s32 v9, v3;
	v51 =	vshrl.u32 v9, $0xF  }
0x2a: {  	v9 =	vshll.u32 v9, $0x11;
	v5 =	vadd.s32 v7, v5;
	v52 =	vshrl.u32 v7, $0xF  }
0x2b: {  	v7 =	vshll.u32 v7, $0x11;
	v4 =	vadd.s32 $0x2A, v4;
	v3 =	vadd.s32 $0x2A, v3  }
0x2c: {  	v9 =	vor.u32 v51, v9;
	v6 =	vor.u32 v50, v6;
	v5 =	vadd.s32 $0x2A, v5  }
0x2d: {  	v7 =	vor.u32 v52, v7;
	v1 =	vadd.f32 v8, v8;
	v8 =	vor.u32 v37, v10  }
0x2e: {  	v7 =	vxor.u32 v5, v7;
	v9 =	vxor.u32 v3, v9;
	v6 =	vxor.u32 v4, v6  }
0x2f: {  	v8 =	vxor.u32 v2, v8;
	v4 =	vadd.s32 v4, v6;
	v54 =	vshrl.u32 v6, $0x3  }
0x30: {  	v6 =	vshll.u32 v6, $0x1D;
	v3 =	vadd.s32 v3, v9;
	v55 =	vshrl.u32 v9, $0x3  }
0x31: {  	v9 =	vshll.u32 v9, $0x1D;
	v5 =	vadd.s32 v5, v7;
	v56 =	vshrl.u32 v7, $0x3  }
0x32: {  	v7 =	vshll.u32 v7, $0x1D;
	v2 =	vadd.s32 v2, v8;
	v41 =	vshrl.u32 v8, $0x6  }
0x33: {  	v8 =	vshll.u32 v8, $0x1A;
	v9 =	vor.u32 v55, v9;
	v6 =	vor.u32 v54, v6  }
0x34: {  	v7 =	vor.u32 v56, v7;
	v8 =	vor.u32 v41, v8;
	v6 =	vxor.u32 v4, v6  }
0x35: {  	v7 =	vxor.u32 v5, v7;
	v9 =	vxor.u32 v3, v9;
	v8 =	vxor.u32 v2, v8  }
0x36: {  	v4 =	vadd.s32 v4, v6;
	v3 =	vadd.s32 v3, v9;
	v58 =	vshrl.u32 v6, $0x10  }
0x37: {  	v6 =	vshll.u32 v6, $0x10;
	v5 =	vadd.s32 v5, v7;
	v59 =	vshrl.u32 v9, $0x10  }
0x38: {  	v9 =	vshll.u32 v9, $0x10;
	v60 =	vshrl.u32 v7, $0x10;
	v7 =	vshll.u32 v7, $0x10  }
0x39: {  	v2 =	vadd.s32 v2, v8;
	v45 =	vshrl.u32 v8, $0x1A;
	v8 =	vshll.u32 v8, $0x6  }
0x3a: {  	v7 =	vor.u32 v60, v7;
	v9 =	vor.u32 v59, v9;
	v6 =	vor.u32 v58, v6  }
0x3b: {  	v8 =	vor.u32 v45, v8;
	v9 =	vxor.u32 v3, v9;
	v6 =	vxor.u32 v4, v6  }
0x3c: {  	v7 =	vxor.u32 v5, v7;
	v8 =	vxor.u32 v2, v8;
	v4 =	vadd.s32 v4, v6  }
0x3d: {  	v62 =	vshrl.u32 v6, $0x8;
	v3 =	vadd.s32 v3, v9;
	v63 =	vshrl.u32 v9, $0x8  }
0x3e: {  	v6 =	vshll.u32 v6, $0x18;
	v5 =	vadd.s32 v5, v7;
	v16 =	vshrl.u32 v7, $0x8  }
0x3f: {  	v9 =	vshll.u32 v9, $0x18;
	v7 =	vshll.u32 v7, $0x18;
	v8 =	vadd.s32 $0x1BD11BF1, v8  }
0x40: {  	v6 =	vor.u32 v62, v6;
	v7 =	vor.u32 v16, v7;
	v9 =	vor.u32 v63, v9  }
0x41: {  	v2 =	vadd.s32 v8, v2;
	v49 =	vshrl.u32 v8, $0xF;
	v8 =	vshll.u32 v8, $0x11  }
0x42: {  	v7 =	vxor.u32 v5, v7;
	v9 =	vxor.u32 v3, v9;
	v6 =	vxor.u32 v4, v6  }
0x43: {  	v2 =	vadd.s32 $0x2A, v2;
	v8 =	vor.u32 v49, v8;
	v9 =	vadd.s32 $0x2, v9  }
0x44: {  	v6 =	vadd.s32 $0x2, v6;
	v7 =	vadd.s32 $0x2, v7;
	v8 =	vxor.u32 v2, v8  }
0x45: {  	v4 =	vadd.s32 v6, v4;
	v18 =	vshrl.u32 v6, $0x13;
	v3 =	vadd.s32 v9, v3  }
0x46: {  	v19 =	vshrl.u32 v9, $0x13;
	v6 =	vshll.u32 v6, $0xD;
	v5 =	vadd.s32 v7, v5  }
0x47: {  	v20 =	vshrl.u32 v7, $0x13;
	v9 =	vshll.u32 v9, $0xD;
	v7 =	vshll.u32 v7, $0xD  }
0x48: {  	v2 =	vadd.s32 v2, v8;
	v53 =	vshrl.u32 v8, $0x3;
	v8 =	vshll.u32 v8, $0x1D  }
0x49: {  	v3 =	vadd.s32 $0x1BD11BF0, v3;
	v4 =	vadd.s32 $0x1BD11BF0, v4;
	v6 =	vor.u32 v18, v6  }
0x4a: {  	v5 =	vadd.s32 $0x1BD11BF0, v5;
	v7 =	vor.u32 v20, v7;
	v9 =	vor.u32 v19, v9  }
0x4b: {  	v8 =	vor.u32 v53, v8;
	v9 =	vxor.u32 v3, v9;
	v6 =	vxor.u32 v4, v6  }
0x4c: {  	v7 =	vxor.u32 v5, v7;
	v8 =	vxor.u32 v2, v8;
	v4 =	vadd.s32 v4, v6  }
0x4d: {  	v22 =	vshrl.u32 v6, $0x11;
	v3 =	vadd.s32 v3, v9;
	v23 =	vshrl.u32 v9, $0x11  }
0x4e: {  	v6 =	vshll.u32 v6, $0xF;
	v5 =	vadd.s32 v5, v7;
	v24 =	vshrl.u32 v7, $0x11  }
0x4f: {  	v9 =	vshll.u32 v9, $0xF;
	v7 =	vshll.u32 v7, $0xF;
	v2 =	vadd.s32 v2, v8  }
0x50: {  	v57 =	vshrl.u32 v8, $0x10;
	v8 =	vshll.u32 v8, $0x10;
	v6 =	vor.u32 v22, v6  }
0x51: {  	v7 =	vor.u32 v24, v7;
	v9 =	vor.u32 v23, v9;
	v8 =	vor.u32 v57, v8  }
0x52: {  	v7 =	vxor.u32 v5, v7;
	v9 =	vxor.u32 v3, v9;
	v6 =	vxor.u32 v4, v6  }
0x53: {  	v8 =	vxor.u32 v2, v8;
	v4 =	vadd.s32 v4, v6;
	v26 =	vshrl.u32 v6, $0x6  }
0x54: {  	v6 =	vshll.u32 v6, $0x1A;
	v3 =	vadd.s32 v3, v9;
	v27 =	vshrl.u32 v9, $0x6  }
0x55: {  	v9 =	vshll.u32 v9, $0x1A;
	v5 =	vadd.s32 v5, v7;
	v28 =	vshrl.u32 v7, $0x6  }
0x56: {  	v7 =	vshll.u32 v7, $0x1A;
	v2 =	vadd.s32 v2, v8;
	v61 =	vshrl.u32 v8, $0x8  }
0x57: {  	v8 =	vshll.u32 v8, $0x18;
	v9 =	vor.u32 v27, v9;
	v6 =	vor.u32 v26, v6  }
0x58: {  	v7 =	vor.u32 v28, v7;
	v8 =	vor.u32 v61, v8;
	v6 =	vxor.u32 v4, v6  }
0x59: {  	v7 =	vxor.u32 v5, v7;
	v9 =	vxor.u32 v3, v9;
	v8 =	vxor.u32 v2, v8  }
0x5a: {  	v4 =	vadd.s32 v4, v6;
	v3 =	vadd.s32 v3, v9;
	v30 =	vshrl.u32 v6, $0x1A  }
0x5b: {  	v6 =	vshll.u32 v6, $0x6;
	v5 =	vadd.s32 v5, v7;
	v31 =	vshrl.u32 v9, $0x1A  }
0x5c: {  	v9 =	vshll.u32 v9, $0x6;
	v32 =	vshrl.u32 v7, $0x1A;
	v7 =	vshll.u32 v7, $0x6  }
0x5d: {  	v8 =	vadd.s32 $0x2, v8;
	v7 =	vor.u32 v32, v7;
	v9 =	vor.u32 v31, v9  }
0x5e: {  	v6 =	vor.u32 v30, v6;
	v2 =	vadd.s32 v8, v2;
	v17 =	vshrl.u32 v8, $0x13  }
0x5f: {  	v8 =	vshll.u32 v8, $0xD;
	v9 =	vxor.u32 v3, v9;
	v6 =	vxor.u32 v4, v6  }
0x60: {  	v7 =	vxor.u32 v5, v7;
	v2 =	vadd.s32 $0x1BD11BF0, v2;
	v8 =	vor.u32 v17, v8  }
0x61: {  	v6 =	vadd.s32 $0x2D, v6;
	v7 =	vadd.s32 $0x2D, v7;
	v9 =	vadd.s32 $0x2D, v9  }
0x62: {  	v8 =	vxor.u32 v2, v8;
	v4 =	vadd.s32 v4, v6;
	v3 =	vadd.s32 v3, v9  }
0x63: {  	v34 =	vshrl.u32 v6, $0xF;
	v6 =	vshll.u32 v6, $0x11;
	v5 =	vadd.s32 v5, v7  }
0x64: {  	v35 =	vshrl.u32 v9, $0xF;
	v9 =	vshll.u32 v9, $0x11;
	v36 =	vshrl.u32 v7, $0xF  }
0x65: {  	v7 =	vshll.u32 v7, $0x11;
	v2 =	vadd.s32 v2, v8;
	v21 =	vshrl.u32 v8, $0x11  }
0x66: {  	v8 =	vshll.u32 v8, $0xF;
	v7 =	vor.u32 v36, v7;
	v9 =	vor.u32 v35, v9  }
0x67: {  	v6 =	vor.u32 v34, v6;
	v8 =	vor.u32 v21, v8;
	v9 =	vxor.u32 v3, v9  }
0x68: {  	v6 =	vxor.u32 v4, v6;
	v7 =	vxor.u32 v5, v7;
	v8 =	vxor.u32 v2, v8  }
0x69: {  	v4 =	vadd.s32 v4, v6;
	v38 =	vshrl.u32 v6, $0x3;
	v3 =	vadd.s32 v3, v9  }
0x6a: {  	v39 =	vshrl.u32 v9, $0x3;
	v6 =	vshll.u32 v6, $0x1D;
	v5 =	vadd.s32 v5, v7  }
0x6b: {  	v40 =	vshrl.u32 v7, $0x3;
	v9 =	vshll.u32 v9, $0x1D;
	v7 =	vshll.u32 v7, $0x1D  }
0x6c: {  	v2 =	vadd.s32 v2, v8;
	v25 =	vshrl.u32 v8, $0x6;
	v8 =	vshll.u32 v8, $0x1A  }
0x6d: {  	v6 =	vor.u32 v38, v6;
	v7 =	vor.u32 v40, v7;
	v9 =	vor.u32 v39, v9  }
0x6e: {  	v8 =	vor.u32 v25, v8;
	v7 =	vxor.u32 v5, v7;
	v6 =	vxor.u32 v4, v6  }
0x6f: {  	v9 =	vxor.u32 v3, v9;
	v8 =	vxor.u32 v2, v8;
	v4 =	vadd.s32 v4, v6  }
0x70: {  	v42 =	vshrl.u32 v6, $0x10;
	v6 =	vshll.u32 v6, $0x10;
	v3 =	vadd.s32 v3, v9  }
0x71: {  	v43 =	vshrl.u32 v9, $0x10;
	v9 =	vshll.u32 v9, $0x10;
	v5 =	vadd.s32 v5, v7  }
0x72: {  	v44 =	vshrl.u32 v7, $0x10;
	v7 =	vshll.u32 v7, $0x10;
	v2 =	vadd.s32 v2, v8  }
0x73: {  	v29 =	vshrl.u32 v8, $0x1A;
	v8 =	vshll.u32 v8, $0x6;
	v9 =	vor.u32 v43, v9  }
0x74: {  	v6 =	vor.u32 v42, v6;
	v7 =	vor.u32 v44, v7;
	v8 =	vor.u32 v29, v8  }
0x75: {  	v6 =	vxor.u32 v4, v6;
	v7 =	vxor.u32 v5, v7;
	v9 =	vxor.u32 v3, v9  }
0x76: {  	v8 =	vxor.u32 v2, v8;
	v4 =	vadd.s32 v4, v6;
	v46 =	vshrl.u32 v7, $0x8  }
0x77: {  	v47 =	vshll.u32 v7, $0x18;
	v48 =	vshrl.u32 v6, $0x8;
	v5 =	vadd.s32 v5, v7  }
0x78: {  	v6 =	vshll.u32 v6, $0x18;
	v3 =	vadd.s32 v3, v9;
	v49 =	vshrl.u32 v9, $0x8  }
0x79: {  	v9 =	vshll.u32 v9, $0x18;
	v8 =	vadd.s32 $0x2D, v8;
	v7 =	vor.u32 v46, v47  }
0x7a: {  	v6 =	vor.u32 v48, v6;
	v9 =	vor.u32 v49, v9;
	v2 =	vadd.s32 v2, v8  }
0x7b: {  	v33 =	vshrl.u32 v8, $0xF;
	v8 =	vshll.u32 v8, $0x11;
	v7 =	vxor.u32 v5, v7  }
0x7c: {  	v6 =	vxor.u32 v4, v6;
	v9 =	vxor.u32 v3, v9;
	v8 =	vor.u32 v33, v8  }
0x7d: {  	v7 =	vadd.s32 $0x1BD11BF4, v7;
	v9 =	vadd.s32 $0x1BD11BF4, v9;
	v6 =	vadd.s32 $0x1BD11BF4, v6  }
0x7e: {  	v8 =	vxor.u32 v2, v8;
	v5 =	vadd.s32 v7, v5;
	v50 =	vshrl.u32 v7, $0x13  }
0x7f: {  	v7 =	vshll.u32 v7, $0xD;
	v3 =	vadd.s32 v9, v3;
	v55 =	vshrl.u32 v9, $0x13  }
0x80: {  	v9 =	vshll.u32 v9, $0xD;
	v4 =	vadd.s32 v6, v4;
	v2 =	vadd.s32 v2, v8  }
0x81: {  	v37 =	vshrl.u32 v8, $0x3;
	v8 =	vshll.u32 v8, $0x1D;
	v5 =	vadd.s32 $0x2A, v5  }
0x82: {  	v7 =	vor.u32 v50, v7;
	v3 =	vadd.s32 $0x2A, v3;
	v9 =	vor.u32 v55, v9  }
0x83: {  	v4 =	vadd.s32 $0x2A, v4;
	v8 =	vor.u32 v37, v8;
	v7 =	vxor.u32 v5, v7  }
0x84: {  	v9 =	vxor.u32 v3, v9;
	v51 =	vshrl.u32 v7, $0x11;
	v52 =	vshll.u32 v7, $0xF  }
0x85: {  	v8 =	vxor.u32 v2, v8;
	v5 =	vadd.s32 v5, v7;
	v7 =	vor.u32 v51, v52  }
0x86: {  	v58 =	vshrl.u32 v9, $0x11;
	v59 =	vshll.u32 v9, $0xF;
	v7 =	vxor.u32 v5, v7  }
0x87: {  	v3 =	vadd.s32 v3, v9;
	v53 =	vshrl.u32 v7, $0x6;
	v54 =	vshll.u32 v7, $0x1A  }
0x88: {  	v2 =	vadd.s32 v2, v8;
	v5 =	vadd.s32 v5, v7;
	v7 =	vor.u32 v53, v54  }
0x89: {  	v41 =	vshrl.u32 v8, $0x10;
	v8 =	vshll.u32 v8, $0x10;
	v7 =	vxor.u32 v5, v7  }
0x8a: {  	v8 =	vor.u32 v41, v8;
	v56 =	vshrl.u32 v7, $0x1A;
	v57 =	vshll.u32 v7, $0x6  }
0x8b: {  	v8 =	vxor.u32 v2, v8;
	v5 =	vadd.s32 v5, v7;
	v7 =	vor.u32 v56, v57  }
0x8c: {  	v2 =	vadd.s32 v2, v8;
	v45 =	vshrl.u32 v8, $0x8;
	v7 =	vxor.u32 v5, v7  }
0x8d: {  	v8 =	vshll.u32 v8, $0x18;
	v5 =	vadd.s32 $0x1BD11BF0, v5;
	v7 =	vadd.s32 $0x5, v7  }
0x8e: {  	v8 =	vor.u32 v45, v8;
	v5 =	vxor.u32 v5, v7;
	v7 =	vor.u32 v58, v59  }
0x8f: {  	v8 =	vxor.u32 v2, v8;
	vm0 =	vgt.s32 v5, $0xFFFFFFFF;
	v5 =	vxor.u32 v3, v7  }
0x90: {  	s24 =	simm.s32 $0xA020;
	v1 =	vnsel vm0, $0x0, v1;
	v7 =	vshrl.u32 v5, $0x6;
	v60 =	vshll.u32 v5, $0x1A  }
0x91: {  	v8 =	vadd.s32 $0x1BD11BF4, v8;
	[tilespmem:s24+$0xFFFFFFE0] =	vst v1;
	v1 =	vadd.s32 v3, v5;
	v3 =	vor.u32 v7, v60  }
0x92: {  	v5 =	vshrl.u32 v6, $0x13;
	v6 =	vshll.u32 v6, $0xD;
	v3 =	vxor.u32 v1, v3;
	v7 =	vld [tilespmem:s23+$0xFFFFFFF0]  }
0x93: {  	v5 =	vor.u32 v5, v6;
	v61 =	vshrl.u32 v3, $0x1A;
	v62 =	vshll.u32 v3, $0x6  }
0x94: {  	v1 =	vadd.s32 v1, v3;
	v5 =	vxor.u32 v4, v5;
	v3 =	vor.u32 v61, v62  }
0x95: {  	v4 =	vadd.s32 v4, v5;
	v6 =	vshrl.u32 v5, $0x11;
	v3 =	vxor.u32 v1, v3  }
0x96: {  	v5 =	vshll.u32 v5, $0xF;
	v1 =	vadd.s32 $0x1BD11BF0, v1;
	v3 =	vadd.s32 $0x5, v3  }
0x97: {  	v5 =	vor.u32 v6, v5;
	v1 =	vxor.u32 v1, v3;
	v3 =	vadd.f32 v7, v7  }
0x98: {  	v2 =	vadd.s32 v8, v2;
	vm15 =	vgt.s32 v1, $0xFFFFFFFF;
	v1 =	vxor.u32 v4, v5  }
0x99: {  	v3 =	vnsel vm15, $0x0, v3;
	v5 =	vshrl.u32 v1, $0x6;
	v6 =	vshll.u32 v1, $0x1A  }
0x9a: {  	v2 =	vadd.s32 $0x2A, v2;
	v1 =	vadd.s32 v4, v1;
	[tilespmem:s24+$0xFFFFFFF0] =	vst v3;
	v3 =	vor.u32 v5, v6  }
0x9b: {  	v4 =	vshrl.u32 v8, $0x13;
	v6 =	vshll.u32 v8, $0xD;
	v3 =	vxor.u32 v1, v3;
	v5 =	vld [tilespmem:s23+$0x0]  }
0x9c: {  	v4 =	vor.u32 v4, v6;
	v7 =	vshrl.u32 v3, $0x1A;
	v63 =	vshll.u32 v3, $0x6  }
0x9d: {  	v3 =	vadd.s32 v1, v3;
	v4 =	vxor.u32 v2, v4;
	v1 =	vor.u32 v7, v63  }
0x9e: {  	v7 =	vshrl.u32 v4, $0x11;
	v6 =	vxor.u32 v3, v1;
	v1 =	vadd.s32 v2, v4  }
0x9f: {  	v2 =	vadd.s32 $0x1BD11BF0, v3;
	v4 =	vshll.u32 v4, $0xF;
	v3 =	vadd.s32 $0x5, v6  }
0xa0: {  	s25 =	simm.s32 $0x0;
	v4 =	vor.u32 v7, v4;
	v3 =	vxor.u32 v2, v3;
	v2 =	vadd.f32 v5, v5  }
.LBB2_3:
0xa1: {  	s26 =	sadd.s32 s25, s19;
	vm0 =	vgt.s32 v3, $0xFFFFFFFF;
	v3 =	vxor.u32 v1, v4  }
0xa2: {  	s28 =	sadd.s32 $0xE8809A, s26;
	v2 =	vnsel vm0, $0x0, v2;
	v4 =	vshrl.u32 v3, $0x6;
	v5 =	vshll.u32 v3, $0x1A  }
0xa3: {  	s29 =	sadd.s32 $0xE8807A, s26;
	s30 =	sadd.s32 $0xE8808A, s26;
	v1 =	vadd.s32 v1, v3;
	v6 =	vadd.s32 s28, v0;
	[tilespmem:s24+$0x0] =	vst v2;
	v2 =	vor.u32 v4, v5  }
0xa4: {  	s26 =	sadd.s32 $0xE8806A, s26;
	v3 =	vadd.s32 s29, v0;
	v4 =	vadd.s32 s30, v0;
	v2 =	vxor.u32 v1, v2;
	v5 =	vld [tilespmem:s23+$0x10]  }
0xa5: {  	v7 =	vadd.s32 s26, v0;
	v8 =	vshrl.u32 v2, $0x1A;
	v9 =	vshll.u32 v2, $0x6  }
0xa6: {  	v10 =	vshrl.u32 v6, $0x13;
	v1 =	vadd.s32 v1, v2;
	v2 =	vor.u32 v8, v9  }
0xa7: {  	v8 =	vshrl.u32 v4, $0x13;
	v9 =	vshll.u32 v6, $0xD;
	v2 =	vxor.u32 v1, v2  }
0xa8: {  	v11 =	vshll.u32 v4, $0xD;
	s23 =	sadd.s32 $0x40, s23;
	v1 =	vadd.s32 $0x1BD11BF0, v1;
	v2 =	vadd.s32 $0x5, v2  }
0xa9: {  	v13 =	vshrl.u32 v3, $0x13;
	v12 =	vld [tilespmem:s23+$0xFFFFFFE0];
	v1 =	vxor.u32 v1, v2;
	v2 =	vadd.f32 v5, v5  }
0xaa: {  	v14 =	vshll.u32 v3, $0xD;
	v5 =	vshrl.u32 v7, $0x13;
	vm0 =	vgt.s32 v1, $0xFFFFFFFF  }
0xab: {  	v9 =	vor.u32 v10, v9;
	v1 =	vshll.u32 v7, $0xD;
	v2 =	vnsel vm0, $0x0, v2  }
0xac: {  	v8 =	vor.u32 v8, v11;
	v1 =	vor.u32 v5, v1;
	v5 =	vor.u32 v13, v14;
	[tilespmem:s24+$0x10] =	vst v2  }
0xad: {  	v2 =	vxor.u32 v3, v5;
	v5 =	vxor.u32 v4, v8;
	v8 =	vxor.u32 v6, v9  }
0xae: {  	v9 =	vxor.u32 v7, v1;
	v6 =	vadd.s32 v6, v8;
	v1 =	vadd.f32 v12, v12  }
0xaf: {  	v4 =	vadd.s32 v4, v5;
	v10 =	vshrl.u32 v8, $0x11;
	v8 =	vshll.u32 v8, $0xF  }
0xb0: {  	v3 =	vadd.s32 v3, v2;
	v11 =	vshrl.u32 v5, $0x11;
	v5 =	vshll.u32 v5, $0xF  }
0xb1: {  	v7 =	vadd.s32 v7, v9;
	v12 =	vshrl.u32 v2, $0x11;
	v2 =	vshll.u32 v2, $0xF  }
0xb2: {  	v13 =	vshrl.u32 v9, $0x11;
	v9 =	vshll.u32 v9, $0xF;
	v8 =	vor.u32 v10, v8  }
0xb3: {  	v9 =	vor.u32 v13, v9;
	v5 =	vor.u32 v11, v5;
	v2 =	vor.u32 v12, v2  }
0xb4: {  	v5 =	vxor.u32 v4, v5;
	v8 =	vxor.u32 v6, v8;
	v2 =	vxor.u32 v3, v2  }
0xb5: {  	v9 =	vxor.u32 v7, v9;
	v6 =	vadd.s32 v6, v8;
	v10 =	vshrl.u32 v8, $0x6  }
0xb6: {  	v4 =	vadd.s32 v4, v5;
	v11 =	vshrl.u32 v5, $0x6;
	v8 =	vshll.u32 v8, $0x1A  }
0xb7: {  	v5 =	vshll.u32 v5, $0x1A;
	v3 =	vadd.s32 v3, v2;
	v12 =	vshrl.u32 v2, $0x6  }
0xb8: {  	v7 =	vadd.s32 v7, v9;
	v13 =	vshrl.u32 v9, $0x6;
	v2 =	vshll.u32 v2, $0x1A  }
0xb9: {  	v9 =	vshll.u32 v9, $0x1A;
	v5 =	vor.u32 v11, v5;
	v8 =	vor.u32 v10, v8  }
0xba: {  	v9 =	vor.u32 v13, v9;
	v2 =	vor.u32 v12, v2;
	v8 =	vxor.u32 v6, v8  }
0xbb: {  	v9 =	vxor.u32 v7, v9;
	v5 =	vxor.u32 v4, v5;
	v2 =	vxor.u32 v3, v2  }
0xbc: {  	v6 =	vadd.s32 v6, v8;
	v10 =	vshrl.u32 v8, $0x1A;
	v8 =	vshll.u32 v8, $0x6  }
0xbd: {  	v4 =	vadd.s32 v4, v5;
	v11 =	vshrl.u32 v5, $0x1A;
	v5 =	vshll.u32 v5, $0x6  }
0xbe: {  	v3 =	vadd.s32 v3, v2;
	v12 =	vshrl.u32 v2, $0x1A;
	v2 =	vshll.u32 v2, $0x6  }
0xbf: {  	v7 =	vadd.s32 v7, v9;
	v13 =	vshrl.u32 v9, $0x1A;
	v9 =	vshll.u32 v9, $0x6  }
0xc0: {  	v5 =	vor.u32 v11, v5;
	v8 =	vor.u32 v10, v8;
	v2 =	vor.u32 v12, v2  }
0xc1: {  	v9 =	vor.u32 v13, v9;
	v5 =	vxor.u32 v4, v5;
	v8 =	vxor.u32 v6, v8  }
0xc2: {  	v9 =	vxor.u32 v7, v9;
	v2 =	vxor.u32 v3, v2;
	v8 =	vadd.s32 $0x1BD11BF1, v8  }
0xc3: {  	v9 =	vadd.s32 $0x1BD11BF1, v9;
	v5 =	vadd.s32 $0x1BD11BF1, v5;
	v2 =	vadd.s32 $0x1BD11BF1, v2  }
0xc4: {  	v6 =	vadd.s32 v8, v6;
	v10 =	vshrl.u32 v8, $0xF;
	v8 =	vshll.u32 v8, $0x11  }
0xc5: {  	v4 =	vadd.s32 v5, v4;
	v11 =	vshrl.u32 v5, $0xF;
	v5 =	vshll.u32 v5, $0x11  }
0xc6: {  	v3 =	vadd.s32 v2, v3;
	v12 =	vshrl.u32 v2, $0xF;
	v2 =	vshll.u32 v2, $0x11  }
0xc7: {  	v7 =	vadd.s32 v9, v7;
	v13 =	vshrl.u32 v9, $0xF;
	v9 =	vshll.u32 v9, $0x11  }
0xc8: {  	v4 =	vadd.s32 $0x2A, v4;
	v6 =	vadd.s32 $0x2A, v6;
	v8 =	vor.u32 v10, v8  }
0xc9: {  	v5 =	vor.u32 v11, v5;
	v3 =	vadd.s32 $0x2A, v3;
	v2 =	vor.u32 v12, v2  }
0xca: {  	v7 =	vadd.s32 $0x2A, v7;
	v9 =	vor.u32 v13, v9;
	v8 =	vxor.u32 v6, v8  }
0xcb: {  	v9 =	vxor.u32 v7, v9;
	v5 =	vxor.u32 v4, v5;
	v2 =	vxor.u32 v3, v2  }
0xcc: {  	v6 =	vadd.s32 v6, v8;
	v10 =	vshrl.u32 v8, $0x3;
	v8 =	vshll.u32 v8, $0x1D  }
0xcd: {  	v4 =	vadd.s32 v4, v5;
	v11 =	vshrl.u32 v5, $0x3;
	v5 =	vshll.u32 v5, $0x1D  }
0xce: {  	v3 =	vadd.s32 v3, v2;
	v12 =	vshrl.u32 v2, $0x3;
	v2 =	vshll.u32 v2, $0x1D  }
0xcf: {  	v7 =	vadd.s32 v7, v9;
	v13 =	vshrl.u32 v9, $0x3;
	v9 =	vshll.u32 v9, $0x1D  }
0xd0: {  	v5 =	vor.u32 v11, v5;
	v8 =	vor.u32 v10, v8;
	v2 =	vor.u32 v12, v2  }
0xd1: {  	v9 =	vor.u32 v13, v9;
	v5 =	vxor.u32 v4, v5;
	v8 =	vxor.u32 v6, v8  }
0xd2: {  	v9 =	vxor.u32 v7, v9;
	v2 =	vxor.u32 v3, v2;
	v6 =	vadd.s32 v6, v8  }
0xd3: {  	v4 =	vadd.s32 v4, v5;
	v10 =	vshrl.u32 v8, $0x10;
	v8 =	vshll.u32 v8, $0x10  }
0xd4: {  	v11 =	vshrl.u32 v5, $0x10;
	v5 =	vshll.u32 v5, $0x10;
	v3 =	vadd.s32 v3, v2  }
0xd5: {  	v7 =	vadd.s32 v7, v9;
	v12 =	vshrl.u32 v2, $0x10;
	v2 =	vshll.u32 v2, $0x10  }
0xd6: {  	v13 =	vshrl.u32 v9, $0x10;
	v9 =	vshll.u32 v9, $0x10;
	v8 =	vor.u32 v10, v8  }
0xd7: {  	v9 =	vor.u32 v13, v9;
	v5 =	vor.u32 v11, v5;
	v2 =	vor.u32 v12, v2  }
0xd8: {  	v5 =	vxor.u32 v4, v5;
	v8 =	vxor.u32 v6, v8;
	v2 =	vxor.u32 v3, v2  }
0xd9: {  	v9 =	vxor.u32 v7, v9;
	v6 =	vadd.s32 v6, v8;
	v10 =	vshrl.u32 v8, $0x8  }
0xda: {  	v4 =	vadd.s32 v4, v5;
	v11 =	vshrl.u32 v5, $0x8;
	v8 =	vshll.u32 v8, $0x18  }
0xdb: {  	v5 =	vshll.u32 v5, $0x18;
	v3 =	vadd.s32 v3, v2;
	v12 =	vshrl.u32 v2, $0x8  }
0xdc: {  	v7 =	vadd.s32 v7, v9;
	v13 =	vshrl.u32 v9, $0x8;
	v2 =	vshll.u32 v2, $0x18  }
0xdd: {  	v9 =	vshll.u32 v9, $0x18;
	v5 =	vor.u32 v11, v5;
	v8 =	vor.u32 v10, v8  }
0xde: {  	v9 =	vor.u32 v13, v9;
	v2 =	vor.u32 v12, v2;
	v8 =	vxor.u32 v6, v8  }
0xdf: {  	v9 =	vxor.u32 v7, v9;
	v5 =	vxor.u32 v4, v5;
	v2 =	vxor.u32 v3, v2  }
0xe0: {  	v5 =	vadd.s32 $0x2, v5;
	v8 =	vadd.s32 $0x2, v8;
	v2 =	vadd.s32 $0x2, v2  }
0xe1: {  	s25 =	sadd.s32 $0x40, s25;
	v9 =	vadd.s32 $0x2, v9;
	v6 =	vadd.s32 v8, v6;
	v10 =	vshrl.u32 v8, $0x13  }
0xe2: {  	p1 =	slt.u32 s25, $0x4FC0;
	v4 =	vadd.s32 v5, v4;
	v11 =	vshrl.u32 v5, $0x13;
	v8 =	vshll.u32 v8, $0xD  }
0xe3: {  	v5 =	vshll.u32 v5, $0xD;
	v3 =	vadd.s32 v2, v3;
	v12 =	vshrl.u32 v2, $0x13  }
0xe4: {  	v7 =	vadd.s32 v9, v7;
	v13 =	vshrl.u32 v9, $0x13;
	v2 =	vshll.u32 v2, $0xD  }
0xe5: {  	v9 =	vshll.u32 v9, $0xD;
	v6 =	vadd.s32 $0x1BD11BF0, v6;
	v8 =	vor.u32 v10, v8  }
0xe6: {  	v4 =	vadd.s32 $0x1BD11BF0, v4;
	v5 =	vor.u32 v11, v5;
	v3 =	vadd.s32 $0x1BD11BF0, v3  }
0xe7: {  	v7 =	vadd.s32 $0x1BD11BF0, v7;
	v9 =	vor.u32 v13, v9;
	v2 =	vor.u32 v12, v2  }
0xe8: {  	v5 =	vxor.u32 v4, v5;
	v8 =	vxor.u32 v6, v8;
	v2 =	vxor.u32 v3, v2  }
0xe9: {  	v9 =	vxor.u32 v7, v9;
	v6 =	vadd.s32 v6, v8;
	v10 =	vshrl.u32 v8, $0x11  }
0xea: {  	v4 =	vadd.s32 v4, v5;
	v11 =	vshrl.u32 v5, $0x11;
	v8 =	vshll.u32 v8, $0xF  }
0xeb: {  	v5 =	vshll.u32 v5, $0xF;
	v3 =	vadd.s32 v3, v2;
	v12 =	vshrl.u32 v2, $0x11  }
0xec: {  	v7 =	vadd.s32 v7, v9;
	v13 =	vshrl.u32 v9, $0x11;
	v2 =	vshll.u32 v2, $0xF  }
0xed: {  	v9 =	vshll.u32 v9, $0xF;
	v5 =	vor.u32 v11, v5;
	v8 =	vor.u32 v10, v8  }
0xee: {  	v9 =	vor.u32 v13, v9;
	v2 =	vor.u32 v12, v2;
	v8 =	vxor.u32 v6, v8  }
0xef: {  	v9 =	vxor.u32 v7, v9;
	v5 =	vxor.u32 v4, v5;
	v2 =	vxor.u32 v3, v2  }
0xf0: {  	v6 =	vadd.s32 v6, v8;
	v10 =	vshrl.u32 v8, $0x6;
	v8 =	vshll.u32 v8, $0x1A  }
0xf1: {  	v4 =	vadd.s32 v4, v5;
	v11 =	vshrl.u32 v5, $0x6;
	v5 =	vshll.u32 v5, $0x1A  }
0xf2: {  	v3 =	vadd.s32 v3, v2;
	v12 =	vshrl.u32 v2, $0x6;
	v2 =	vshll.u32 v2, $0x1A  }
0xf3: {  	v7 =	vadd.s32 v7, v9;
	v13 =	vshrl.u32 v9, $0x6;
	v9 =	vshll.u32 v9, $0x1A  }
0xf4: {  	v5 =	vor.u32 v11, v5;
	v8 =	vor.u32 v10, v8;
	v2 =	vor.u32 v12, v2  }
0xf5: {  	v9 =	vor.u32 v13, v9;
	v5 =	vxor.u32 v4, v5;
	v8 =	vxor.u32 v6, v8  }
0xf6: {  	v9 =	vxor.u32 v7, v9;
	v2 =	vxor.u32 v3, v2;
	v6 =	vadd.s32 v6, v8  }
0xf7: {  	v4 =	vadd.s32 v4, v5;
	v10 =	vshrl.u32 v8, $0x1A;
	v8 =	vshll.u32 v8, $0x6  }
0xf8: {  	v11 =	vshrl.u32 v5, $0x1A;
	v5 =	vshll.u32 v5, $0x6;
	v3 =	vadd.s32 v3, v2  }
0xf9: {  	v7 =	vadd.s32 v7, v9;
	v12 =	vshrl.u32 v2, $0x1A;
	v2 =	vshll.u32 v2, $0x6  }
0xfa: {  	v13 =	vshrl.u32 v9, $0x1A;
	v9 =	vshll.u32 v9, $0x6;
	v8 =	vor.u32 v10, v8  }
0xfb: {  	v9 =	vor.u32 v13, v9;
	v5 =	vor.u32 v11, v5;
	v2 =	vor.u32 v12, v2  }
0xfc: {  	v5 =	vxor.u32 v4, v5;
	v8 =	vxor.u32 v6, v8;
	v2 =	vxor.u32 v3, v2  }
0xfd: {  	v9 =	vxor.u32 v7, v9;
	v5 =	vadd.s32 $0x2D, v5;
	v8 =	vadd.s32 $0x2D, v8  }
0xfe: {  	v9 =	vadd.s32 $0x2D, v9;
	v2 =	vadd.s32 $0x2D, v2;
	v6 =	vadd.s32 v6, v8  }
0xff: {  	v4 =	vadd.s32 v4, v5;
	v10 =	vshrl.u32 v8, $0xF;
	v8 =	vshll.u32 v8, $0x11  }
0x100: {  	v11 =	vshrl.u32 v5, $0xF;
	v5 =	vshll.u32 v5, $0x11;
	v3 =	vadd.s32 v3, v2  }
0x101: {  	v7 =	vadd.s32 v7, v9;
	v12 =	vshrl.u32 v2, $0xF;
	v2 =	vshll.u32 v2, $0x11  }
0x102: {  	v13 =	vshrl.u32 v9, $0xF;
	v9 =	vshll.u32 v9, $0x11;
	v8 =	vor.u32 v10, v8  }
0x103: {  	v9 =	vor.u32 v13, v9;
	v5 =	vor.u32 v11, v5;
	v2 =	vor.u32 v12, v2  }
0x104: {  	v5 =	vxor.u32 v4, v5;
	v8 =	vxor.u32 v6, v8;
	v2 =	vxor.u32 v3, v2  }
0x105: {  	v9 =	vxor.u32 v7, v9;
	v6 =	vadd.s32 v6, v8;
	v10 =	vshrl.u32 v8, $0x3  }
0x106: {  	v4 =	vadd.s32 v4, v5;
	v11 =	vshrl.u32 v5, $0x3;
	v8 =	vshll.u32 v8, $0x1D  }
0x107: {  	v5 =	vshll.u32 v5, $0x1D;
	v3 =	vadd.s32 v3, v2;
	v12 =	vshrl.u32 v2, $0x3  }
0x108: {  	v7 =	vadd.s32 v7, v9;
	v13 =	vshrl.u32 v9, $0x3;
	v2 =	vshll.u32 v2, $0x1D  }
0x109: {  	v9 =	vshll.u32 v9, $0x1D;
	v5 =	vor.u32 v11, v5;
	v8 =	vor.u32 v10, v8  }
0x10a: {  	v9 =	vor.u32 v13, v9;
	v2 =	vor.u32 v12, v2;
	v8 =	vxor.u32 v6, v8  }
0x10b: {  	v9 =	vxor.u32 v7, v9;
	v5 =	vxor.u32 v4, v5;
	v2 =	vxor.u32 v3, v2  }
0x10c: {  	v6 =	vadd.s32 v6, v8;
	v10 =	vshrl.u32 v8, $0x10;
	v8 =	vshll.u32 v8, $0x10  }
0x10d: {  	v4 =	vadd.s32 v4, v5;
	v11 =	vshrl.u32 v5, $0x10;
	v5 =	vshll.u32 v5, $0x10  }
0x10e: {  	v3 =	vadd.s32 v3, v2;
	v12 =	vshrl.u32 v2, $0x10;
	v2 =	vshll.u32 v2, $0x10  }
0x10f: {  	v7 =	vadd.s32 v7, v9;
	v13 =	vshrl.u32 v9, $0x10;
	v9 =	vshll.u32 v9, $0x10  }
0x110: {  	v5 =	vor.u32 v11, v5;
	v8 =	vor.u32 v10, v8;
	v2 =	vor.u32 v12, v2  }
0x111: {  	v9 =	vor.u32 v13, v9;
	v5 =	vxor.u32 v4, v5;
	v8 =	vxor.u32 v6, v8  }
0x112: {  	v9 =	vxor.u32 v7, v9;
	v2 =	vxor.u32 v3, v2;
	v6 =	vadd.s32 v6, v8  }
0x113: {  	v4 =	vadd.s32 v4, v5;
	v10 =	vshrl.u32 v8, $0x8;
	v8 =	vshll.u32 v8, $0x18  }
0x114: {  	v11 =	vshrl.u32 v9, $0x8;
	v12 =	vshll.u32 v9, $0x18;
	v13 =	vshrl.u32 v5, $0x8  }
0x115: {  	v7 =	vadd.s32 v7, v9;
	v5 =	vshll.u32 v5, $0x18;
	v9 =	vor.u32 v11, v12  }
0x116: {  	v3 =	vadd.s32 v3, v2;
	v11 =	vshrl.u32 v2, $0x8;
	v9 =	vxor.u32 v7, v9  }
0x117: {  	v2 =	vshll.u32 v2, $0x18;
	v8 =	vor.u32 v10, v8;
	v9 =	vadd.s32 $0x1BD11BF4, v9  }
0x118: {  	v7 =	vadd.s32 v9, v7;
	v10 =	vshrl.u32 v9, $0x13;
	v9 =	vshll.u32 v9, $0xD  }
0x119: {  	v5 =	vor.u32 v13, v5;
	v7 =	vadd.s32 $0x2A, v7;
	v9 =	vor.u32 v10, v9  }
0x11a: {  	v2 =	vor.u32 v11, v2;
	v8 =	vxor.u32 v6, v8;
	v9 =	vxor.u32 v7, v9  }
0x11b: {  	v5 =	vxor.u32 v4, v5;
	v10 =	vshrl.u32 v9, $0x11;
	v11 =	vshll.u32 v9, $0xF  }
0x11c: {  	v2 =	vxor.u32 v3, v2;
	v7 =	vadd.s32 v7, v9;
	v9 =	vor.u32 v10, v11  }
0x11d: {  	v8 =	vadd.s32 $0x1BD11BF4, v8;
	v2 =	vadd.s32 $0x1BD11BF4, v2;
	v9 =	vxor.u32 v7, v9  }
0x11e: {  	v3 =	vadd.s32 v2, v3;
	v10 =	vshrl.u32 v9, $0x6;
	v11 =	vshll.u32 v9, $0x1A  }
0x11f: {  	v7 =	vadd.s32 v7, v9;
	v9 =	vor.u32 v10, v11;
	v10 =	vshrl.u32 v2, $0x13  }
0x120: {  	v3 =	vadd.s32 $0x2A, v3;
	v2 =	vshll.u32 v2, $0xD;
	v9 =	vxor.u32 v7, v9  }
0x121: {  	v2 =	vor.u32 v10, v2;
	v11 =	vshrl.u32 v9, $0x1A;
	v12 =	vshll.u32 v9, $0x6  }
0x122: {  	v7 =	vadd.s32 v7, v9;
	v2 =	vxor.u32 v3, v2;
	v9 =	vor.u32 v11, v12  }
0x123: {  	v5 =	vadd.s32 $0x1BD11BF4, v5;
	v10 =	vshrl.u32 v2, $0x11;
	v9 =	vxor.u32 v7, v9  }
0x124: {  	v11 =	vshll.u32 v2, $0xF;
	v7 =	vadd.s32 $0x1BD11BF0, v7;
	v9 =	vadd.s32 $0x5, v9  }
0x125: {  	v2 =	vadd.s32 v3, v2;
	v3 =	vor.u32 v10, v11;
	v7 =	vxor.u32 v7, v9  }
0x126: {  	v4 =	vadd.s32 v5, v4;
	v3 =	vxor.u32 v2, v3;
	vm0 =	vgt.s32 v7, $0xFFFFFFFF  }
0x127: {  	s24 =	sadd.s32 $0x40, s24;
	v9 =	vshll.u32 v3, $0x1A;
	v7 =	vshrl.u32 v3, $0x6;
	v1 =	vnsel vm0, $0x0, v1  }
0x128: {  	[tilespmem:s24+$0xFFFFFFE0] =	vst v1;
	v1 =	vadd.s32 v2, v3;
	v2 =	vor.u32 v7, v9;
	v3 =	vshrl.u32 v5, $0x13  }
0x129: {  	v4 =	vadd.s32 $0x2A, v4;
	v5 =	vshll.u32 v5, $0xD;
	v2 =	vxor.u32 v1, v2;
	v7 =	vld [tilespmem:s23+$0xFFFFFFF0]  }
0x12a: {  	v3 =	vor.u32 v3, v5;
	v9 =	vshrl.u32 v2, $0x1A;
	v10 =	vshll.u32 v2, $0x6  }
0x12b: {  	v1 =	vadd.s32 v1, v2;
	v3 =	vxor.u32 v4, v3;
	v2 =	vor.u32 v9, v10  }
0x12c: {  	v4 =	vadd.s32 v4, v3;
	v5 =	vshrl.u32 v3, $0x11;
	v2 =	vxor.u32 v1, v2  }
0x12d: {  	v3 =	vshll.u32 v3, $0xF;
	v1 =	vadd.s32 $0x1BD11BF0, v1;
	v2 =	vadd.s32 $0x5, v2  }
0x12e: {  	v3 =	vor.u32 v5, v3;
	v1 =	vxor.u32 v1, v2;
	v2 =	vadd.f32 v7, v7  }
0x12f: {  	vm0 =	vgt.s32 v1, $0xFFFFFFFF;
	v1 =	vxor.u32 v4, v3;
	v3 =	vadd.s32 v8, v6  }
0x130: {  	v2 =	vnsel vm0, $0x0, v2;
	v5 =	vshrl.u32 v1, $0x6;
	v6 =	vshll.u32 v1, $0x1A  }
0x131: {  	v1 =	vadd.s32 v4, v1;
	v4 =	vshrl.u32 v8, $0x13;
	[tilespmem:s24+$0xFFFFFFF0] =	vst v2;
	v2 =	vor.u32 v5, v6  }
0x132: {  	v3 =	vadd.s32 $0x2A, v3;
	v6 =	vshll.u32 v8, $0xD;
	v2 =	vxor.u32 v1, v2;
	v5 =	vld [tilespmem:s23+$0x0]  }
.Ltmp0:
0x133: {  	v4 =	vor.u32 v4, v6;
	v7 =	vshrl.u32 v2, $0x1A;
	v8 =	vshll.u32 v2, $0x6;
	(pc) =	sbr.rel @p1 .LBB2_3-.Ltmp0, $4  }
0x134: {  	v2 =	vadd.s32 v1, v2;
	v4 =	vxor.u32 v3, v4;
	v1 =	vor.u32 v7, v8  }
0x135: {  	v7 =	vshrl.u32 v4, $0x11;
	v6 =	vxor.u32 v2, v1;
	v1 =	vadd.s32 v3, v4  }
0x136: {  	v2 =	vadd.s32 $0x1BD11BF0, v2;
	v4 =	vshll.u32 v4, $0xF;
	v3 =	vadd.s32 $0x5, v6  }
0x137: {  	v4 =	vor.u32 v7, v4;
	v3 =	vxor.u32 v2, v3;
	v2 =	vadd.f32 v5, v5  }
0x138: {  	vm0 =	vgt.s32 v3, $0xFFFFFFFF;
	v3 =	vxor.u32 v1, v4  }
0x139: {  	v2 =	vnsel vm0, $0x0, v2;
	v4 =	vshrl.u32 v3, $0x6;
	v5 =	vshll.u32 v3, $0x1A  }
0x13a: {  	v1 =	vadd.s32 v1, v3;
	[tilespmem:s24+$0x0] =	vst v2;
	v2 =	vor.u32 v4, v5  }
0x13b: {  	v2 =	vxor.u32 v1, v2;
	v3 =	vld [tilespmem:s23+$0x10]  }
0x13c: {  	v62 =	vshrl.u32 v2, $0x1A;
	v63 =	vshll.u32 v2, $0x6  }
0x13d: {  	v1 =	vadd.s32 v1, v2;
	v2 =	vor.u32 v62, v63  }
0x13e: {  	v2 =	vxor.u32 v1, v2  }
0x13f: {  	p1 =	sne.s32 s20, $0x3;
	v1 =	vadd.s32 $0x1BD11BF0, v1;
	v2 =	vadd.s32 $0x5, v2  }
.Ltmp1:
0x140: {  	v1 =	vxor.u32 v1, v2;
	v2 =	vadd.f32 v3, v3;
	(pc) =	sbr.rel @p1 .LBB2_6-.Ltmp1, $4  }
0x141: {  	s31 =	sadd.s32 s4, s22;
	vm15 =	vgt.s32 v1, $0xFFFFFFFF  }
0x142: {  	s23 =	sshrl.u32 s31, $0x3;
	v1 =	vnsel vm15, $0x0, v2  }
0x143: {  	s23 =	sadd.s32 s5, s23;
	[tilespmem:s24+$0x10] =	vst v1  }
0x144: {  	[hbm4b:s23+s3] =	stream.linear.scatter [tilespmem:s13], [sflag:$0x3], $0x5000, $0x38;
	[tilespmem:$0x14000] =	vst v63  }
.Ltmp2:
0x145: {  	(pc) =	sbr.rel .LBB2_7-.Ltmp2, $4  }
0x146: {  	_ = 	snop  }
0x147: {  	_ =	swait.ge [sflag:s14], $0x5000  }
0x148: {  	[sflag:s14] =	ssyncset.done $0x0  }
0x149: {  	[sflag:s14] =	ssyncadd.s32 $0xFFFFB000  }
.LBB2_6:
0x14a: {  	s22 =	sadd.s32 s22, s8  }
0x14b: {  	s22 =	sshrl.u32 s22, $0x3  }
.Ltmp3:
0x14c: {  	s22 =	sadd.s32 s2, s22;
	(pc) =	sbr.rel @p0 .LBB2_8-.Ltmp3, $4  }
0x14d: {  	[tilespmem:s3], [sflag:$0x1] =	stream.linear.gather [hbm4b:s22+s3], $0x5000, $0x38;
	[tilespmem:$0x14000] =	vst v63  }
0x14e: {  	_ =	swait.ge [sflag:s14], $0x5000  }
0x14f: {  	[sflag:s14] =	ssyncset.done $0x0  }
0x150: {  	[sflag:s14] =	ssyncadd.s32 $0xFFFFB000  }
.LBB2_7:
0x151: {  	_ =	swait.ge [sflag:s15], $0x5000  }
0x152: {  	[sflag:s15] =	ssyncset.done $0x0  }
0x153: {  	[sflag:s15] =	ssyncadd.s32 $0xFFFFB000  }
.LBB2_8:
0x154: {  	s22 =	sadd.s32 $0xFFFFFFC0, s19  }
0x155: {  	s23 =	sadd.s32 $0xE8D09A, s22;
	s24 =	sadd.s32 $0xE8D07A, s22  }
0x156: {  	s25 =	sadd.s32 $0xE8D08A, s22;
	s31 =	sadd.s32 $0xE8D06A, s22;
	v2 =	vadd.s32 s23, v0  }
0x157: {  	v3 =	vadd.s32 s24, v0;
	v4 =	vadd.s32 s25, v0;
	v5 =	vadd.s32 s31, v0  }
0x158: {  	v1 =	vshrl.u32 v2, $0x13;
	v6 =	vshrl.u32 v4, $0x13;
	v7 =	vshll.u32 v2, $0xD  }
0x159: {  	v9 =	vshll.u32 v4, $0xD;
	v10 =	vshrl.u32 v3, $0x13;
	v11 =	vshrl.u32 v5, $0x13  }
0x15a: {  	v12 =	vshll.u32 v3, $0xD;
	v13 =	vshll.u32 v5, $0xD;
	v1 =	vor.u32 v1, v7  }
0x15b: {  	s22 =	simm.s32 $0x5020;
	v7 =	vor.u32 v11, v13;
	v10 =	vor.u32 v10, v12;
	v6 =	vor.u32 v6, v9  }
0x15c: {  	v8 =	vld [tilespmem:s22+$0xFFFFFFE0];
	v35 =	vxor.u32 v3, v10;
	v6 =	vxor.u32 v4, v6;
	v36 =	vxor.u32 v2, v1  }
0x15d: {  	v7 =	vxor.u32 v5, v7;
	v2 =	vadd.s32 v2, v36;
	v4 =	vadd.s32 v4, v6  }
0x15e: {  	v37 =	vshrl.u32 v36, $0x11;
	v10 =	vshll.u32 v36, $0xF;
	v3 =	vadd.s32 v3, v35  }
0x15f: {  	v38 =	vshrl.u32 v6, $0x11;
	v6 =	vshll.u32 v6, $0xF;
	v5 =	vadd.s32 v5, v7  }
0x160: {  	v39 =	vshrl.u32 v35, $0x11;
	v9 =	vshll.u32 v35, $0xF;
	v40 =	vshrl.u32 v7, $0x11  }
0x161: {  	v7 =	vshll.u32 v7, $0xF;
	v1 =	vadd.f32 v8, v8;
	v8 =	vor.u32 v37, v10  }
0x162: {  	v7 =	vor.u32 v40, v7;
	v9 =	vor.u32 v39, v9;
	v6 =	vor.u32 v38, v6  }
0x163: {  	v9 =	vxor.u32 v3, v9;
	v6 =	vxor.u32 v4, v6;
	v8 =	vxor.u32 v2, v8  }
0x164: {  	v7 =	vxor.u32 v5, v7;
	v2 =	vadd.s32 v2, v8;
	v41 =	vshrl.u32 v8, $0x6  }
0x165: {  	v4 =	vadd.s32 v4, v6;
	v42 =	vshrl.u32 v6, $0x6;
	v8 =	vshll.u32 v8, $0x1A  }
0x166: {  	v3 =	vadd.s32 v3, v9;
	v43 =	vshrl.u32 v9, $0x6;
	v6 =	vshll.u32 v6, $0x1A  }
0x167: {  	v5 =	vadd.s32 v5, v7;
	v44 =	vshrl.u32 v7, $0x6;
	v9 =	vshll.u32 v9, $0x1A  }
0x168: {  	v7 =	vshll.u32 v7, $0x1A;
	v6 =	vor.u32 v42, v6;
	v8 =	vor.u32 v41, v8  }
0x169: {  	v7 =	vor.u32 v44, v7;
	v9 =	vor.u32 v43, v9;
	v8 =	vxor.u32 v2, v8  }
0x16a: {  	v7 =	vxor.u32 v5, v7;
	v9 =	vxor.u32 v3, v9;
	v6 =	vxor.u32 v4, v6  }
0x16b: {  	v2 =	vadd.s32 v2, v8;
	v45 =	vshrl.u32 v8, $0x1A;
	v8 =	vshll.u32 v8, $0x6  }
0x16c: {  	v4 =	vadd.s32 v4, v6;
	v46 =	vshrl.u32 v6, $0x1A;
	v6 =	vshll.u32 v6, $0x6  }
0x16d: {  	v3 =	vadd.s32 v3, v9;
	v47 =	vshrl.u32 v9, $0x1A;
	v9 =	vshll.u32 v9, $0x6  }
0x16e: {  	v5 =	vadd.s32 v5, v7;
	v48 =	vshrl.u32 v7, $0x1A;
	v7 =	vshll.u32 v7, $0x6  }
0x16f: {  	v9 =	vor.u32 v47, v9;
	v6 =	vor.u32 v46, v6;
	v8 =	vor.u32 v45, v8  }
0x170: {  	v7 =	vor.u32 v48, v7;
	v6 =	vxor.u32 v4, v6;
	v8 =	vxor.u32 v2, v8  }
0x171: {  	v7 =	vxor.u32 v5, v7;
	v9 =	vxor.u32 v3, v9;
	v8 =	vadd.s32 $0x1BD11BF1, v8  }
0x172: {  	v7 =	vadd.s32 $0x1BD11BF1, v7;
	v9 =	vadd.s32 $0x1BD11BF1, v9;
	v6 =	vadd.s32 $0x1BD11BF1, v6  }
0x173: {  	v2 =	vadd.s32 v8, v2;
	v49 =	vshrl.u32 v8, $0xF;
	v8 =	vshll.u32 v8, $0x11  }
0x174: {  	v4 =	vadd.s32 v6, v4;
	v50 =	vshrl.u32 v6, $0xF;
	v6 =	vshll.u32 v6, $0x11  }
0x175: {  	v3 =	vadd.s32 v9, v3;
	v51 =	vshrl.u32 v9, $0xF;
	v9 =	vshll.u32 v9, $0x11  }
0x176: {  	v5 =	vadd.s32 v7, v5;
	v52 =	vshrl.u32 v7, $0xF;
	v7 =	vshll.u32 v7, $0x11  }
0x177: {  	v4 =	vadd.s32 $0x2A, v4;
	v2 =	vadd.s32 $0x2A, v2;
	v8 =	vor.u32 v49, v8  }
0x178: {  	v3 =	vadd.s32 $0x2A, v3;
	v9 =	vor.u32 v51, v9;
	v6 =	vor.u32 v50, v6  }
0x179: {  	v5 =	vadd.s32 $0x2A, v5;
	v7 =	vor.u32 v52, v7;
	v8 =	vxor.u32 v2, v8  }
0x17a: {  	v7 =	vxor.u32 v5, v7;
	v9 =	vxor.u32 v3, v9;
	v6 =	vxor.u32 v4, v6  }
0x17b: {  	v2 =	vadd.s32 v2, v8;
	v53 =	vshrl.u32 v8, $0x3;
	v8 =	vshll.u32 v8, $0x1D  }
0x17c: {  	v4 =	vadd.s32 v4, v6;
	v54 =	vshrl.u32 v6, $0x3;
	v6 =	vshll.u32 v6, $0x1D  }
0x17d: {  	v3 =	vadd.s32 v3, v9;
	v55 =	vshrl.u32 v9, $0x3;
	v9 =	vshll.u32 v9, $0x1D  }
0x17e: {  	v5 =	vadd.s32 v5, v7;
	v56 =	vshrl.u32 v7, $0x3;
	v7 =	vshll.u32 v7, $0x1D  }
0x17f: {  	v9 =	vor.u32 v55, v9;
	v6 =	vor.u32 v54, v6;
	v8 =	vor.u32 v53, v8  }
0x180: {  	v7 =	vor.u32 v56, v7;
	v6 =	vxor.u32 v4, v6;
	v8 =	vxor.u32 v2, v8  }
0x181: {  	v7 =	vxor.u32 v5, v7;
	v9 =	vxor.u32 v3, v9;
	v2 =	vadd.s32 v2, v8  }
0x182: {  	v4 =	vadd.s32 v4, v6;
	v57 =	vshrl.u32 v8, $0x10;
	v8 =	vshll.u32 v8, $0x10  }
0x183: {  	v3 =	vadd.s32 v3, v9;
	v58 =	vshrl.u32 v6, $0x10;
	v6 =	vshll.u32 v6, $0x10  }
0x184: {  	v5 =	vadd.s32 v5, v7;
	v59 =	vshrl.u32 v9, $0x10;
	v9 =	vshll.u32 v9, $0x10  }
0x185: {  	v60 =	vshrl.u32 v7, $0x10;
	v7 =	vshll.u32 v7, $0x10;
	v8 =	vor.u32 v57, v8  }
0x186: {  	v7 =	vor.u32 v60, v7;
	v9 =	vor.u32 v59, v9;
	v6 =	vor.u32 v58, v6  }
0x187: {  	v9 =	vxor.u32 v3, v9;
	v6 =	vxor.u32 v4, v6;
	v8 =	vxor.u32 v2, v8  }
0x188: {  	v7 =	vxor.u32 v5, v7;
	v2 =	vadd.s32 v2, v8;
	v61 =	vshrl.u32 v8, $0x8  }
0x189: {  	v4 =	vadd.s32 v4, v6;
	v62 =	vshrl.u32 v6, $0x8;
	v8 =	vshll.u32 v8, $0x18  }
0x18a: {  	v3 =	vadd.s32 v3, v9;
	v63 =	vshrl.u32 v9, $0x8;
	v6 =	vshll.u32 v6, $0x18  }
0x18b: {  	v5 =	vadd.s32 v5, v7;
	v16 =	vshrl.u32 v7, $0x8;
	v9 =	vshll.u32 v9, $0x18  }
0x18c: {  	v7 =	vshll.u32 v7, $0x18;
	v6 =	vor.u32 v62, v6;
	v8 =	vor.u32 v61, v8  }
0x18d: {  	v7 =	vor.u32 v16, v7;
	v9 =	vor.u32 v63, v9;
	v8 =	vxor.u32 v2, v8  }
0x18e: {  	v7 =	vxor.u32 v5, v7;
	v9 =	vxor.u32 v3, v9;
	v6 =	vxor.u32 v4, v6  }
0x18f: {  	v9 =	vadd.s32 $0x2, v9;
	v6 =	vadd.s32 $0x2, v6;
	v8 =	vadd.s32 $0x2, v8  }
0x190: {  	v7 =	vadd.s32 $0x2, v7;
	v2 =	vadd.s32 v8, v2;
	v17 =	vshrl.u32 v8, $0x13  }
0x191: {  	v4 =	vadd.s32 v6, v4;
	v18 =	vshrl.u32 v6, $0x13;
	v8 =	vshll.u32 v8, $0xD  }
0x192: {  	v3 =	vadd.s32 v9, v3;
	v19 =	vshrl.u32 v9, $0x13;
	v6 =	vshll.u32 v6, $0xD  }
0x193: {  	v5 =	vadd.s32 v7, v5;
	v20 =	vshrl.u32 v7, $0x13;
	v9 =	vshll.u32 v9, $0xD  }
0x194: {  	v7 =	vshll.u32 v7, $0xD;
	v2 =	vadd.s32 $0x1BD11BF0, v2;
	v8 =	vor.u32 v17, v8  }
0x195: {  	v3 =	vadd.s32 $0x1BD11BF0, v3;
	v4 =	vadd.s32 $0x1BD11BF0, v4;
	v6 =	vor.u32 v18, v6  }
0x196: {  	v5 =	vadd.s32 $0x1BD11BF0, v5;
	v7 =	vor.u32 v20, v7;
	v9 =	vor.u32 v19, v9  }
0x197: {  	v9 =	vxor.u32 v3, v9;
	v6 =	vxor.u32 v4, v6;
	v8 =	vxor.u32 v2, v8  }
0x198: {  	v7 =	vxor.u32 v5, v7;
	v2 =	vadd.s32 v2, v8;
	v21 =	vshrl.u32 v8, $0x11  }
0x199: {  	v4 =	vadd.s32 v4, v6;
	v22 =	vshrl.u32 v6, $0x11;
	v8 =	vshll.u32 v8, $0xF  }
0x19a: {  	v3 =	vadd.s32 v3, v9;
	v23 =	vshrl.u32 v9, $0x11;
	v6 =	vshll.u32 v6, $0xF  }
0x19b: {  	v5 =	vadd.s32 v5, v7;
	v24 =	vshrl.u32 v7, $0x11;
	v9 =	vshll.u32 v9, $0xF  }
0x19c: {  	v7 =	vshll.u32 v7, $0xF;
	v6 =	vor.u32 v22, v6;
	v8 =	vor.u32 v21, v8  }
0x19d: {  	v7 =	vor.u32 v24, v7;
	v9 =	vor.u32 v23, v9;
	v8 =	vxor.u32 v2, v8  }
0x19e: {  	v7 =	vxor.u32 v5, v7;
	v9 =	vxor.u32 v3, v9;
	v6 =	vxor.u32 v4, v6  }
0x19f: {  	v2 =	vadd.s32 v2, v8;
	v25 =	vshrl.u32 v8, $0x6;
	v8 =	vshll.u32 v8, $0x1A  }
0x1a0: {  	v4 =	vadd.s32 v4, v6;
	v26 =	vshrl.u32 v6, $0x6;
	v6 =	vshll.u32 v6, $0x1A  }
0x1a1: {  	v3 =	vadd.s32 v3, v9;
	v27 =	vshrl.u32 v9, $0x6;
	v9 =	vshll.u32 v9, $0x1A  }
0x1a2: {  	v5 =	vadd.s32 v5, v7;
	v28 =	vshrl.u32 v7, $0x6;
	v7 =	vshll.u32 v7, $0x1A  }
0x1a3: {  	v9 =	vor.u32 v27, v9;
	v6 =	vor.u32 v26, v6;
	v8 =	vor.u32 v25, v8  }
0x1a4: {  	v7 =	vor.u32 v28, v7;
	v6 =	vxor.u32 v4, v6;
	v8 =	vxor.u32 v2, v8  }
0x1a5: {  	v7 =	vxor.u32 v5, v7;
	v9 =	vxor.u32 v3, v9;
	v2 =	vadd.s32 v2, v8  }
0x1a6: {  	v4 =	vadd.s32 v4, v6;
	v29 =	vshrl.u32 v8, $0x1A;
	v8 =	vshll.u32 v8, $0x6  }
0x1a7: {  	v3 =	vadd.s32 v3, v9;
	v30 =	vshrl.u32 v6, $0x1A;
	v6 =	vshll.u32 v6, $0x6  }
0x1a8: {  	v5 =	vadd.s32 v5, v7;
	v31 =	vshrl.u32 v9, $0x1A;
	v9 =	vshll.u32 v9, $0x6  }
0x1a9: {  	v32 =	vshrl.u32 v7, $0x1A;
	v7 =	vshll.u32 v7, $0x6;
	v8 =	vor.u32 v29, v8  }
0x1aa: {  	v7 =	vor.u32 v32, v7;
	v9 =	vor.u32 v31, v9;
	v6 =	vor.u32 v30, v6  }
0x1ab: {  	v9 =	vxor.u32 v3, v9;
	v6 =	vxor.u32 v4, v6;
	v8 =	vxor.u32 v2, v8  }
0x1ac: {  	v7 =	vxor.u32 v5, v7;
	v6 =	vadd.s32 $0x2D, v6;
	v8 =	vadd.s32 $0x2D, v8  }
0x1ad: {  	v7 =	vadd.s32 $0x2D, v7;
	v9 =	vadd.s32 $0x2D, v9;
	v2 =	vadd.s32 v2, v8  }
0x1ae: {  	v4 =	vadd.s32 v4, v6;
	v33 =	vshrl.u32 v8, $0xF;
	v8 =	vshll.u32 v8, $0x11  }
0x1af: {  	v3 =	vadd.s32 v3, v9;
	v34 =	vshrl.u32 v6, $0xF;
	v6 =	vshll.u32 v6, $0x11  }
0x1b0: {  	v5 =	vadd.s32 v5, v7;
	v35 =	vshrl.u32 v9, $0xF;
	v9 =	vshll.u32 v9, $0x11  }
0x1b1: {  	v36 =	vshrl.u32 v7, $0xF;
	v7 =	vshll.u32 v7, $0x11;
	v8 =	vor.u32 v33, v8  }
0x1b2: {  	v7 =	vor.u32 v36, v7;
	v9 =	vor.u32 v35, v9;
	v6 =	vor.u32 v34, v6  }
0x1b3: {  	v9 =	vxor.u32 v3, v9;
	v6 =	vxor.u32 v4, v6;
	v8 =	vxor.u32 v2, v8  }
0x1b4: {  	v7 =	vxor.u32 v5, v7;
	v2 =	vadd.s32 v2, v8;
	v37 =	vshrl.u32 v8, $0x3  }
0x1b5: {  	v4 =	vadd.s32 v4, v6;
	v38 =	vshrl.u32 v6, $0x3;
	v8 =	vshll.u32 v8, $0x1D  }
0x1b6: {  	v3 =	vadd.s32 v3, v9;
	v39 =	vshrl.u32 v9, $0x3;
	v6 =	vshll.u32 v6, $0x1D  }
0x1b7: {  	v5 =	vadd.s32 v5, v7;
	v40 =	vshrl.u32 v7, $0x3;
	v9 =	vshll.u32 v9, $0x1D  }
0x1b8: {  	v7 =	vshll.u32 v7, $0x1D;
	v6 =	vor.u32 v38, v6;
	v8 =	vor.u32 v37, v8  }
0x1b9: {  	v7 =	vor.u32 v40, v7;
	v9 =	vor.u32 v39, v9;
	v8 =	vxor.u32 v2, v8  }
0x1ba: {  	v7 =	vxor.u32 v5, v7;
	v9 =	vxor.u32 v3, v9;
	v6 =	vxor.u32 v4, v6  }
0x1bb: {  	v2 =	vadd.s32 v2, v8;
	v41 =	vshrl.u32 v8, $0x10;
	v8 =	vshll.u32 v8, $0x10  }
0x1bc: {  	v4 =	vadd.s32 v4, v6;
	v42 =	vshrl.u32 v6, $0x10;
	v6 =	vshll.u32 v6, $0x10  }
0x1bd: {  	v3 =	vadd.s32 v3, v9;
	v43 =	vshrl.u32 v9, $0x10;
	v9 =	vshll.u32 v9, $0x10  }
0x1be: {  	v5 =	vadd.s32 v5, v7;
	v44 =	vshrl.u32 v7, $0x10;
	v7 =	vshll.u32 v7, $0x10  }
0x1bf: {  	v9 =	vor.u32 v43, v9;
	v6 =	vor.u32 v42, v6;
	v8 =	vor.u32 v41, v8  }
0x1c0: {  	v7 =	vor.u32 v44, v7;
	v6 =	vxor.u32 v4, v6;
	v8 =	vxor.u32 v2, v8  }
0x1c1: {  	v7 =	vxor.u32 v5, v7;
	v9 =	vxor.u32 v3, v9;
	v2 =	vadd.s32 v2, v8  }
0x1c2: {  	v4 =	vadd.s32 v4, v6;
	v45 =	vshrl.u32 v8, $0x8;
	v8 =	vshll.u32 v8, $0x18  }
0x1c3: {  	v46 =	vshrl.u32 v7, $0x8;
	v47 =	vshll.u32 v7, $0x18;
	v48 =	vshrl.u32 v6, $0x8  }
0x1c4: {  	v5 =	vadd.s32 v5, v7;
	v6 =	vshll.u32 v6, $0x18;
	v7 =	vor.u32 v46, v47  }
0x1c5: {  	v3 =	vadd.s32 v3, v9;
	v49 =	vshrl.u32 v9, $0x8;
	v7 =	vxor.u32 v5, v7  }
0x1c6: {  	v9 =	vshll.u32 v9, $0x18;
	v8 =	vor.u32 v45, v8;
	v7 =	vadd.s32 $0x1BD11BF4, v7  }
0x1c7: {  	v5 =	vadd.s32 v7, v5;
	v50 =	vshrl.u32 v7, $0x13;
	v7 =	vshll.u32 v7, $0xD  }
0x1c8: {  	v6 =	vor.u32 v48, v6;
	v5 =	vadd.s32 $0x2A, v5;
	v7 =	vor.u32 v50, v7  }
0x1c9: {  	v9 =	vor.u32 v49, v9;
	v8 =	vxor.u32 v2, v8;
	v7 =	vxor.u32 v5, v7  }
0x1ca: {  	v6 =	vxor.u32 v4, v6;
	v51 =	vshrl.u32 v7, $0x11;
	v52 =	vshll.u32 v7, $0xF  }
0x1cb: {  	v9 =	vxor.u32 v3, v9;
	v5 =	vadd.s32 v5, v7;
	v7 =	vor.u32 v51, v52  }
0x1cc: {  	v9 =	vadd.s32 $0x1BD11BF4, v9;
	v8 =	vadd.s32 $0x1BD11BF4, v8;
	v7 =	vxor.u32 v5, v7  }
0x1cd: {  	v3 =	vadd.s32 v9, v3;
	v53 =	vshrl.u32 v7, $0x6;
	v54 =	vshll.u32 v7, $0x1A  }
0x1ce: {  	v55 =	vshrl.u32 v9, $0x13;
	v5 =	vadd.s32 v5, v7;
	v7 =	vor.u32 v53, v54  }
0x1cf: {  	v9 =	vshll.u32 v9, $0xD;
	v3 =	vadd.s32 $0x2A, v3;
	v7 =	vxor.u32 v5, v7  }
0x1d0: {  	v9 =	vor.u32 v55, v9;
	v56 =	vshrl.u32 v7, $0x1A;
	v57 =	vshll.u32 v7, $0x6  }
0x1d1: {  	v9 =	vxor.u32 v3, v9;
	v5 =	vadd.s32 v5, v7;
	v7 =	vor.u32 v56, v57  }
0x1d2: {  	v6 =	vadd.s32 $0x1BD11BF4, v6;
	v58 =	vshrl.u32 v9, $0x11;
	v7 =	vxor.u32 v5, v7  }
0x1d3: {  	v59 =	vshll.u32 v9, $0xF;
	v5 =	vadd.s32 $0x1BD11BF0, v5;
	v7 =	vadd.s32 $0x5, v7  }
0x1d4: {  	v3 =	vadd.s32 v3, v9;
	v5 =	vxor.u32 v5, v7;
	v7 =	vor.u32 v58, v59  }
0x1d5: {  	v4 =	vadd.s32 v6, v4;
	vm0 =	vgt.s32 v5, $0xFFFFFFFF;
	v5 =	vxor.u32 v3, v7  }
0x1d6: {  	s23 =	simm.s32 $0xF020;
	v1 =	vnsel vm0, $0x0, v1;
	v7 =	vshrl.u32 v5, $0x6;
	v60 =	vshll.u32 v5, $0x1A  }
0x1d7: {  	v4 =	vadd.s32 $0x2A, v4;
	[tilespmem:s23+$0xFFFFFFE0] =	vst v1;
	v1 =	vadd.s32 v3, v5;
	v3 =	vor.u32 v7, v60  }
0x1d8: {  	v5 =	vshrl.u32 v6, $0x13;
	v6 =	vshll.u32 v6, $0xD;
	v3 =	vxor.u32 v1, v3;
	v7 =	vld [tilespmem:s22+$0xFFFFFFF0]  }
0x1d9: {  	v5 =	vor.u32 v5, v6;
	v61 =	vshrl.u32 v3, $0x1A;
	v62 =	vshll.u32 v3, $0x6  }
0x1da: {  	v1 =	vadd.s32 v1, v3;
	v5 =	vxor.u32 v4, v5;
	v3 =	vor.u32 v61, v62  }
0x1db: {  	v4 =	vadd.s32 v4, v5;
	v6 =	vshrl.u32 v5, $0x11;
	v3 =	vxor.u32 v1, v3  }
0x1dc: {  	v5 =	vshll.u32 v5, $0xF;
	v1 =	vadd.s32 $0x1BD11BF0, v1;
	v3 =	vadd.s32 $0x5, v3  }
0x1dd: {  	v5 =	vor.u32 v6, v5;
	v1 =	vxor.u32 v1, v3;
	v3 =	vadd.f32 v7, v7  }
0x1de: {  	v2 =	vadd.s32 v8, v2;
	vm15 =	vgt.s32 v1, $0xFFFFFFFF;
	v1 =	vxor.u32 v4, v5  }
0x1df: {  	v3 =	vnsel vm15, $0x0, v3;
	v5 =	vshrl.u32 v1, $0x6;
	v6 =	vshll.u32 v1, $0x1A  }
0x1e0: {  	v2 =	vadd.s32 $0x2A, v2;
	v1 =	vadd.s32 v4, v1;
	[tilespmem:s23+$0xFFFFFFF0] =	vst v3;
	v3 =	vor.u32 v5, v6  }
0x1e1: {  	v4 =	vshrl.u32 v8, $0x13;
	v6 =	vshll.u32 v8, $0xD;
	v3 =	vxor.u32 v1, v3;
	v5 =	vld [tilespmem:s22+$0x0]  }
0x1e2: {  	v4 =	vor.u32 v4, v6;
	v7 =	vshrl.u32 v3, $0x1A;
	v63 =	vshll.u32 v3, $0x6  }
0x1e3: {  	v3 =	vadd.s32 v1, v3;
	v4 =	vxor.u32 v2, v4;
	v1 =	vor.u32 v7, v63  }
0x1e4: {  	v7 =	vshrl.u32 v4, $0x11;
	v6 =	vxor.u32 v3, v1;
	v1 =	vadd.s32 v2, v4  }
0x1e5: {  	v2 =	vadd.s32 $0x1BD11BF0, v3;
	v4 =	vshll.u32 v4, $0xF;
	v3 =	vadd.s32 $0x5, v6  }
0x1e6: {  	s20 =	sadd.s32 $0x1, s20;
	s24 =	simm.s32 $0x0;
	v4 =	vor.u32 v7, v4;
	v3 =	vxor.u32 v2, v3;
	v2 =	vadd.f32 v5, v5  }
.LBB2_9:
0x1e7: {  	s25 =	sadd.s32 s24, s19;
	vm0 =	vgt.s32 v3, $0xFFFFFFFF;
	v3 =	vxor.u32 v1, v4  }
0x1e8: {  	s26 =	sadd.s32 $0xE8D09A, s25;
	v2 =	vnsel vm0, $0x0, v2;
	v4 =	vshrl.u32 v3, $0x6;
	v5 =	vshll.u32 v3, $0x1A  }
0x1e9: {  	s28 =	sadd.s32 $0xE8D07A, s25;
	s29 =	sadd.s32 $0xE8D08A, s25;
	v1 =	vadd.s32 v1, v3;
	v6 =	vadd.s32 s26, v0;
	[tilespmem:s23+$0x0] =	vst v2;
	v2 =	vor.u32 v4, v5  }
0x1ea: {  	s25 =	sadd.s32 $0xE8D06A, s25;
	v3 =	vadd.s32 s28, v0;
	v4 =	vadd.s32 s29, v0;
	v2 =	vxor.u32 v1, v2;
	v5 =	vld [tilespmem:s22+$0x10]  }
0x1eb: {  	v7 =	vadd.s32 s25, v0;
	v8 =	vshrl.u32 v2, $0x1A;
	v9 =	vshll.u32 v2, $0x6  }
0x1ec: {  	v10 =	vshrl.u32 v6, $0x13;
	v1 =	vadd.s32 v1, v2;
	v2 =	vor.u32 v8, v9  }
0x1ed: {  	v8 =	vshrl.u32 v4, $0x13;
	v9 =	vshll.u32 v6, $0xD;
	v2 =	vxor.u32 v1, v2  }
0x1ee: {  	v11 =	vshll.u32 v4, $0xD;
	s22 =	sadd.s32 $0x40, s22;
	v1 =	vadd.s32 $0x1BD11BF0, v1;
	v2 =	vadd.s32 $0x5, v2  }
0x1ef: {  	v13 =	vshrl.u32 v3, $0x13;
	v12 =	vld [tilespmem:s22+$0xFFFFFFE0];
	v1 =	vxor.u32 v1, v2;
	v2 =	vadd.f32 v5, v5  }
0x1f0: {  	v14 =	vshll.u32 v3, $0xD;
	v5 =	vshrl.u32 v7, $0x13;
	vm0 =	vgt.s32 v1, $0xFFFFFFFF  }
0x1f1: {  	v9 =	vor.u32 v10, v9;
	v1 =	vshll.u32 v7, $0xD;
	v2 =	vnsel vm0, $0x0, v2  }
0x1f2: {  	v8 =	vor.u32 v8, v11;
	v1 =	vor.u32 v5, v1;
	v5 =	vor.u32 v13, v14;
	[tilespmem:s23+$0x10] =	vst v2  }
0x1f3: {  	v2 =	vxor.u32 v3, v5;
	v5 =	vxor.u32 v4, v8;
	v8 =	vxor.u32 v6, v9  }
0x1f4: {  	v9 =	vxor.u32 v7, v1;
	v6 =	vadd.s32 v6, v8;
	v1 =	vadd.f32 v12, v12  }
0x1f5: {  	v4 =	vadd.s32 v4, v5;
	v10 =	vshrl.u32 v8, $0x11;
	v8 =	vshll.u32 v8, $0xF  }
0x1f6: {  	v3 =	vadd.s32 v3, v2;
	v11 =	vshrl.u32 v5, $0x11;
	v5 =	vshll.u32 v5, $0xF  }
0x1f7: {  	v7 =	vadd.s32 v7, v9;
	v12 =	vshrl.u32 v2, $0x11;
	v2 =	vshll.u32 v2, $0xF  }
0x1f8: {  	v13 =	vshrl.u32 v9, $0x11;
	v9 =	vshll.u32 v9, $0xF;
	v8 =	vor.u32 v10, v8  }
0x1f9: {  	v9 =	vor.u32 v13, v9;
	v5 =	vor.u32 v11, v5;
	v2 =	vor.u32 v12, v2  }
0x1fa: {  	v5 =	vxor.u32 v4, v5;
	v8 =	vxor.u32 v6, v8;
	v2 =	vxor.u32 v3, v2  }
0x1fb: {  	v9 =	vxor.u32 v7, v9;
	v6 =	vadd.s32 v6, v8;
	v10 =	vshrl.u32 v8, $0x6  }
0x1fc: {  	v4 =	vadd.s32 v4, v5;
	v11 =	vshrl.u32 v5, $0x6;
	v8 =	vshll.u32 v8, $0x1A  }
0x1fd: {  	v5 =	vshll.u32 v5, $0x1A;
	v3 =	vadd.s32 v3, v2;
	v12 =	vshrl.u32 v2, $0x6  }
0x1fe: {  	v7 =	vadd.s32 v7, v9;
	v13 =	vshrl.u32 v9, $0x6;
	v2 =	vshll.u32 v2, $0x1A  }
0x1ff: {  	v9 =	vshll.u32 v9, $0x1A;
	v5 =	vor.u32 v11, v5;
	v8 =	vor.u32 v10, v8  }
0x200: {  	v9 =	vor.u32 v13, v9;
	v2 =	vor.u32 v12, v2;
	v8 =	vxor.u32 v6, v8  }
0x201: {  	v9 =	vxor.u32 v7, v9;
	v5 =	vxor.u32 v4, v5;
	v2 =	vxor.u32 v3, v2  }
0x202: {  	v6 =	vadd.s32 v6, v8;
	v10 =	vshrl.u32 v8, $0x1A;
	v8 =	vshll.u32 v8, $0x6  }
0x203: {  	v4 =	vadd.s32 v4, v5;
	v11 =	vshrl.u32 v5, $0x1A;
	v5 =	vshll.u32 v5, $0x6  }
0x204: {  	v3 =	vadd.s32 v3, v2;
	v12 =	vshrl.u32 v2, $0x1A;
	v2 =	vshll.u32 v2, $0x6  }
0x205: {  	v7 =	vadd.s32 v7, v9;
	v13 =	vshrl.u32 v9, $0x1A;
	v9 =	vshll.u32 v9, $0x6  }
0x206: {  	v5 =	vor.u32 v11, v5;
	v8 =	vor.u32 v10, v8;
	v2 =	vor.u32 v12, v2  }
0x207: {  	v9 =	vor.u32 v13, v9;
	v5 =	vxor.u32 v4, v5;
	v8 =	vxor.u32 v6, v8  }
0x208: {  	v9 =	vxor.u32 v7, v9;
	v2 =	vxor.u32 v3, v2;
	v8 =	vadd.s32 $0x1BD11BF1, v8  }
0x209: {  	v9 =	vadd.s32 $0x1BD11BF1, v9;
	v5 =	vadd.s32 $0x1BD11BF1, v5;
	v2 =	vadd.s32 $0x1BD11BF1, v2  }
0x20a: {  	v6 =	vadd.s32 v8, v6;
	v10 =	vshrl.u32 v8, $0xF;
	v8 =	vshll.u32 v8, $0x11  }
0x20b: {  	v4 =	vadd.s32 v5, v4;
	v11 =	vshrl.u32 v5, $0xF;
	v5 =	vshll.u32 v5, $0x11  }
0x20c: {  	v3 =	vadd.s32 v2, v3;
	v12 =	vshrl.u32 v2, $0xF;
	v2 =	vshll.u32 v2, $0x11  }
0x20d: {  	v7 =	vadd.s32 v9, v7;
	v13 =	vshrl.u32 v9, $0xF;
	v9 =	vshll.u32 v9, $0x11  }
0x20e: {  	v4 =	vadd.s32 $0x2A, v4;
	v6 =	vadd.s32 $0x2A, v6;
	v8 =	vor.u32 v10, v8  }
0x20f: {  	v5 =	vor.u32 v11, v5;
	v3 =	vadd.s32 $0x2A, v3;
	v2 =	vor.u32 v12, v2  }
0x210: {  	v7 =	vadd.s32 $0x2A, v7;
	v9 =	vor.u32 v13, v9;
	v8 =	vxor.u32 v6, v8  }
0x211: {  	v9 =	vxor.u32 v7, v9;
	v5 =	vxor.u32 v4, v5;
	v2 =	vxor.u32 v3, v2  }
0x212: {  	v6 =	vadd.s32 v6, v8;
	v10 =	vshrl.u32 v8, $0x3;
	v8 =	vshll.u32 v8, $0x1D  }
0x213: {  	v4 =	vadd.s32 v4, v5;
	v11 =	vshrl.u32 v5, $0x3;
	v5 =	vshll.u32 v5, $0x1D  }
0x214: {  	v3 =	vadd.s32 v3, v2;
	v12 =	vshrl.u32 v2, $0x3;
	v2 =	vshll.u32 v2, $0x1D  }
0x215: {  	v7 =	vadd.s32 v7, v9;
	v13 =	vshrl.u32 v9, $0x3;
	v9 =	vshll.u32 v9, $0x1D  }
0x216: {  	v5 =	vor.u32 v11, v5;
	v8 =	vor.u32 v10, v8;
	v2 =	vor.u32 v12, v2  }
0x217: {  	v9 =	vor.u32 v13, v9;
	v5 =	vxor.u32 v4, v5;
	v8 =	vxor.u32 v6, v8  }
0x218: {  	v9 =	vxor.u32 v7, v9;
	v2 =	vxor.u32 v3, v2;
	v6 =	vadd.s32 v6, v8  }
0x219: {  	v4 =	vadd.s32 v4, v5;
	v10 =	vshrl.u32 v8, $0x10;
	v8 =	vshll.u32 v8, $0x10  }
0x21a: {  	v11 =	vshrl.u32 v5, $0x10;
	v5 =	vshll.u32 v5, $0x10;
	v3 =	vadd.s32 v3, v2  }
0x21b: {  	v7 =	vadd.s32 v7, v9;
	v12 =	vshrl.u32 v2, $0x10;
	v2 =	vshll.u32 v2, $0x10  }
0x21c: {  	v13 =	vshrl.u32 v9, $0x10;
	v9 =	vshll.u32 v9, $0x10;
	v8 =	vor.u32 v10, v8  }
0x21d: {  	v9 =	vor.u32 v13, v9;
	v5 =	vor.u32 v11, v5;
	v2 =	vor.u32 v12, v2  }
0x21e: {  	v5 =	vxor.u32 v4, v5;
	v8 =	vxor.u32 v6, v8;
	v2 =	vxor.u32 v3, v2  }
0x21f: {  	v9 =	vxor.u32 v7, v9;
	v6 =	vadd.s32 v6, v8;
	v10 =	vshrl.u32 v8, $0x8  }
0x220: {  	v4 =	vadd.s32 v4, v5;
	v11 =	vshrl.u32 v5, $0x8;
	v8 =	vshll.u32 v8, $0x18  }
0x221: {  	v5 =	vshll.u32 v5, $0x18;
	v3 =	vadd.s32 v3, v2;
	v12 =	vshrl.u32 v2, $0x8  }
0x222: {  	v7 =	vadd.s32 v7, v9;
	v13 =	vshrl.u32 v9, $0x8;
	v2 =	vshll.u32 v2, $0x18  }
0x223: {  	v9 =	vshll.u32 v9, $0x18;
	v5 =	vor.u32 v11, v5;
	v8 =	vor.u32 v10, v8  }
0x224: {  	v9 =	vor.u32 v13, v9;
	v2 =	vor.u32 v12, v2;
	v8 =	vxor.u32 v6, v8  }
0x225: {  	v9 =	vxor.u32 v7, v9;
	v5 =	vxor.u32 v4, v5;
	v2 =	vxor.u32 v3, v2  }
0x226: {  	v5 =	vadd.s32 $0x2, v5;
	v8 =	vadd.s32 $0x2, v8;
	v2 =	vadd.s32 $0x2, v2  }
0x227: {  	s24 =	sadd.s32 $0x40, s24;
	v9 =	vadd.s32 $0x2, v9;
	v6 =	vadd.s32 v8, v6;
	v10 =	vshrl.u32 v8, $0x13  }
0x228: {  	p0 =	slt.u32 s24, $0x4FC0;
	v4 =	vadd.s32 v5, v4;
	v11 =	vshrl.u32 v5, $0x13;
	v8 =	vshll.u32 v8, $0xD  }
0x229: {  	v5 =	vshll.u32 v5, $0xD;
	v3 =	vadd.s32 v2, v3;
	v12 =	vshrl.u32 v2, $0x13  }
0x22a: {  	v7 =	vadd.s32 v9, v7;
	v13 =	vshrl.u32 v9, $0x13;
	v2 =	vshll.u32 v2, $0xD  }
0x22b: {  	v9 =	vshll.u32 v9, $0xD;
	v6 =	vadd.s32 $0x1BD11BF0, v6;
	v8 =	vor.u32 v10, v8  }
0x22c: {  	v4 =	vadd.s32 $0x1BD11BF0, v4;
	v5 =	vor.u32 v11, v5;
	v3 =	vadd.s32 $0x1BD11BF0, v3  }
0x22d: {  	v7 =	vadd.s32 $0x1BD11BF0, v7;
	v9 =	vor.u32 v13, v9;
	v2 =	vor.u32 v12, v2  }
0x22e: {  	v5 =	vxor.u32 v4, v5;
	v8 =	vxor.u32 v6, v8;
	v2 =	vxor.u32 v3, v2  }
0x22f: {  	v9 =	vxor.u32 v7, v9;
	v6 =	vadd.s32 v6, v8;
	v10 =	vshrl.u32 v8, $0x11  }
0x230: {  	v4 =	vadd.s32 v4, v5;
	v11 =	vshrl.u32 v5, $0x11;
	v8 =	vshll.u32 v8, $0xF  }
0x231: {  	v5 =	vshll.u32 v5, $0xF;
	v3 =	vadd.s32 v3, v2;
	v12 =	vshrl.u32 v2, $0x11  }
0x232: {  	v7 =	vadd.s32 v7, v9;
	v13 =	vshrl.u32 v9, $0x11;
	v2 =	vshll.u32 v2, $0xF  }
0x233: {  	v9 =	vshll.u32 v9, $0xF;
	v5 =	vor.u32 v11, v5;
	v8 =	vor.u32 v10, v8  }
0x234: {  	v9 =	vor.u32 v13, v9;
	v2 =	vor.u32 v12, v2;
	v8 =	vxor.u32 v6, v8  }
0x235: {  	v9 =	vxor.u32 v7, v9;
	v5 =	vxor.u32 v4, v5;
	v2 =	vxor.u32 v3, v2  }
0x236: {  	v6 =	vadd.s32 v6, v8;
	v10 =	vshrl.u32 v8, $0x6;
	v8 =	vshll.u32 v8, $0x1A  }
0x237: {  	v4 =	vadd.s32 v4, v5;
	v11 =	vshrl.u32 v5, $0x6;
	v5 =	vshll.u32 v5, $0x1A  }
0x238: {  	v3 =	vadd.s32 v3, v2;
	v12 =	vshrl.u32 v2, $0x6;
	v2 =	vshll.u32 v2, $0x1A  }
0x239: {  	v7 =	vadd.s32 v7, v9;
	v13 =	vshrl.u32 v9, $0x6;
	v9 =	vshll.u32 v9, $0x1A  }
0x23a: {  	v5 =	vor.u32 v11, v5;
	v8 =	vor.u32 v10, v8;
	v2 =	vor.u32 v12, v2  }
0x23b: {  	v9 =	vor.u32 v13, v9;
	v5 =	vxor.u32 v4, v5;
	v8 =	vxor.u32 v6, v8  }
0x23c: {  	v9 =	vxor.u32 v7, v9;
	v2 =	vxor.u32 v3, v2;
	v6 =	vadd.s32 v6, v8  }
0x23d: {  	v4 =	vadd.s32 v4, v5;
	v10 =	vshrl.u32 v8, $0x1A;
	v8 =	vshll.u32 v8, $0x6  }
0x23e: {  	v11 =	vshrl.u32 v5, $0x1A;
	v5 =	vshll.u32 v5, $0x6;
	v3 =	vadd.s32 v3, v2  }
0x23f: {  	v7 =	vadd.s32 v7, v9;
	v12 =	vshrl.u32 v2, $0x1A;
	v2 =	vshll.u32 v2, $0x6  }
0x240: {  	v13 =	vshrl.u32 v9, $0x1A;
	v9 =	vshll.u32 v9, $0x6;
	v8 =	vor.u32 v10, v8  }
0x241: {  	v9 =	vor.u32 v13, v9;
	v5 =	vor.u32 v11, v5;
	v2 =	vor.u32 v12, v2  }
0x242: {  	v5 =	vxor.u32 v4, v5;
	v8 =	vxor.u32 v6, v8;
	v2 =	vxor.u32 v3, v2  }
0x243: {  	v9 =	vxor.u32 v7, v9;
	v5 =	vadd.s32 $0x2D, v5;
	v8 =	vadd.s32 $0x2D, v8  }
0x244: {  	v9 =	vadd.s32 $0x2D, v9;
	v2 =	vadd.s32 $0x2D, v2;
	v6 =	vadd.s32 v6, v8  }
0x245: {  	v4 =	vadd.s32 v4, v5;
	v10 =	vshrl.u32 v8, $0xF;
	v8 =	vshll.u32 v8, $0x11  }
0x246: {  	v11 =	vshrl.u32 v5, $0xF;
	v5 =	vshll.u32 v5, $0x11;
	v3 =	vadd.s32 v3, v2  }
0x247: {  	v7 =	vadd.s32 v7, v9;
	v12 =	vshrl.u32 v2, $0xF;
	v2 =	vshll.u32 v2, $0x11  }
0x248: {  	v13 =	vshrl.u32 v9, $0xF;
	v9 =	vshll.u32 v9, $0x11;
	v8 =	vor.u32 v10, v8  }
0x249: {  	v9 =	vor.u32 v13, v9;
	v5 =	vor.u32 v11, v5;
	v2 =	vor.u32 v12, v2  }
0x24a: {  	v5 =	vxor.u32 v4, v5;
	v8 =	vxor.u32 v6, v8;
	v2 =	vxor.u32 v3, v2  }
0x24b: {  	v9 =	vxor.u32 v7, v9;
	v6 =	vadd.s32 v6, v8;
	v10 =	vshrl.u32 v8, $0x3  }
0x24c: {  	v4 =	vadd.s32 v4, v5;
	v11 =	vshrl.u32 v5, $0x3;
	v8 =	vshll.u32 v8, $0x1D  }
0x24d: {  	v5 =	vshll.u32 v5, $0x1D;
	v3 =	vadd.s32 v3, v2;
	v12 =	vshrl.u32 v2, $0x3  }
0x24e: {  	v7 =	vadd.s32 v7, v9;
	v13 =	vshrl.u32 v9, $0x3;
	v2 =	vshll.u32 v2, $0x1D  }
0x24f: {  	v9 =	vshll.u32 v9, $0x1D;
	v5 =	vor.u32 v11, v5;
	v8 =	vor.u32 v10, v8  }
0x250: {  	v9 =	vor.u32 v13, v9;
	v2 =	vor.u32 v12, v2;
	v8 =	vxor.u32 v6, v8  }
0x251: {  	v9 =	vxor.u32 v7, v9;
	v5 =	vxor.u32 v4, v5;
	v2 =	vxor.u32 v3, v2  }
0x252: {  	v6 =	vadd.s32 v6, v8;
	v10 =	vshrl.u32 v8, $0x10;
	v8 =	vshll.u32 v8, $0x10  }
0x253: {  	v4 =	vadd.s32 v4, v5;
	v11 =	vshrl.u32 v5, $0x10;
	v5 =	vshll.u32 v5, $0x10  }
0x254: {  	v3 =	vadd.s32 v3, v2;
	v12 =	vshrl.u32 v2, $0x10;
	v2 =	vshll.u32 v2, $0x10  }
0x255: {  	v7 =	vadd.s32 v7, v9;
	v13 =	vshrl.u32 v9, $0x10;
	v9 =	vshll.u32 v9, $0x10  }
0x256: {  	v5 =	vor.u32 v11, v5;
	v8 =	vor.u32 v10, v8;
	v2 =	vor.u32 v12, v2  }
0x257: {  	v9 =	vor.u32 v13, v9;
	v5 =	vxor.u32 v4, v5;
	v8 =	vxor.u32 v6, v8  }
0x258: {  	v9 =	vxor.u32 v7, v9;
	v2 =	vxor.u32 v3, v2;
	v6 =	vadd.s32 v6, v8  }
0x259: {  	v4 =	vadd.s32 v4, v5;
	v10 =	vshrl.u32 v8, $0x8;
	v8 =	vshll.u32 v8, $0x18  }
0x25a: {  	v11 =	vshrl.u32 v9, $0x8;
	v12 =	vshll.u32 v9, $0x18;
	v13 =	vshrl.u32 v5, $0x8  }
0x25b: {  	v7 =	vadd.s32 v7, v9;
	v5 =	vshll.u32 v5, $0x18;
	v9 =	vor.u32 v11, v12  }
0x25c: {  	v3 =	vadd.s32 v3, v2;
	v11 =	vshrl.u32 v2, $0x8;
	v9 =	vxor.u32 v7, v9  }
0x25d: {  	v2 =	vshll.u32 v2, $0x18;
	v8 =	vor.u32 v10, v8;
	v9 =	vadd.s32 $0x1BD11BF4, v9  }
0x25e: {  	v7 =	vadd.s32 v9, v7;
	v10 =	vshrl.u32 v9, $0x13;
	v9 =	vshll.u32 v9, $0xD  }
0x25f: {  	v5 =	vor.u32 v13, v5;
	v7 =	vadd.s32 $0x2A, v7;
	v9 =	vor.u32 v10, v9  }
0x260: {  	v2 =	vor.u32 v11, v2;
	v8 =	vxor.u32 v6, v8;
	v9 =	vxor.u32 v7, v9  }
0x261: {  	v5 =	vxor.u32 v4, v5;
	v10 =	vshrl.u32 v9, $0x11;
	v11 =	vshll.u32 v9, $0xF  }
0x262: {  	v2 =	vxor.u32 v3, v2;
	v7 =	vadd.s32 v7, v9;
	v9 =	vor.u32 v10, v11  }
0x263: {  	v8 =	vadd.s32 $0x1BD11BF4, v8;
	v2 =	vadd.s32 $0x1BD11BF4, v2;
	v9 =	vxor.u32 v7, v9  }
0x264: {  	v3 =	vadd.s32 v2, v3;
	v10 =	vshrl.u32 v9, $0x6;
	v11 =	vshll.u32 v9, $0x1A  }
0x265: {  	v7 =	vadd.s32 v7, v9;
	v9 =	vor.u32 v10, v11;
	v10 =	vshrl.u32 v2, $0x13  }
0x266: {  	v3 =	vadd.s32 $0x2A, v3;
	v2 =	vshll.u32 v2, $0xD;
	v9 =	vxor.u32 v7, v9  }
0x267: {  	v2 =	vor.u32 v10, v2;
	v11 =	vshrl.u32 v9, $0x1A;
	v12 =	vshll.u32 v9, $0x6  }
0x268: {  	v7 =	vadd.s32 v7, v9;
	v2 =	vxor.u32 v3, v2;
	v9 =	vor.u32 v11, v12  }
0x269: {  	v5 =	vadd.s32 $0x1BD11BF4, v5;
	v10 =	vshrl.u32 v2, $0x11;
	v9 =	vxor.u32 v7, v9  }
0x26a: {  	v11 =	vshll.u32 v2, $0xF;
	v7 =	vadd.s32 $0x1BD11BF0, v7;
	v9 =	vadd.s32 $0x5, v9  }
0x26b: {  	v2 =	vadd.s32 v3, v2;
	v3 =	vor.u32 v10, v11;
	v7 =	vxor.u32 v7, v9  }
0x26c: {  	v4 =	vadd.s32 v5, v4;
	v3 =	vxor.u32 v2, v3;
	vm0 =	vgt.s32 v7, $0xFFFFFFFF  }
0x26d: {  	s23 =	sadd.s32 $0x40, s23;
	v9 =	vshll.u32 v3, $0x1A;
	v7 =	vshrl.u32 v3, $0x6;
	v1 =	vnsel vm0, $0x0, v1  }
0x26e: {  	[tilespmem:s23+$0xFFFFFFE0] =	vst v1;
	v1 =	vadd.s32 v2, v3;
	v2 =	vor.u32 v7, v9;
	v3 =	vshrl.u32 v5, $0x13  }
0x26f: {  	v4 =	vadd.s32 $0x2A, v4;
	v5 =	vshll.u32 v5, $0xD;
	v2 =	vxor.u32 v1, v2;
	v7 =	vld [tilespmem:s22+$0xFFFFFFF0]  }
0x270: {  	v3 =	vor.u32 v3, v5;
	v9 =	vshrl.u32 v2, $0x1A;
	v10 =	vshll.u32 v2, $0x6  }
0x271: {  	v1 =	vadd.s32 v1, v2;
	v3 =	vxor.u32 v4, v3;
	v2 =	vor.u32 v9, v10  }
0x272: {  	v4 =	vadd.s32 v4, v3;
	v5 =	vshrl.u32 v3, $0x11;
	v2 =	vxor.u32 v1, v2  }
0x273: {  	v3 =	vshll.u32 v3, $0xF;
	v1 =	vadd.s32 $0x1BD11BF0, v1;
	v2 =	vadd.s32 $0x5, v2  }
0x274: {  	v3 =	vor.u32 v5, v3;
	v1 =	vxor.u32 v1, v2;
	v2 =	vadd.f32 v7, v7  }
0x275: {  	vm0 =	vgt.s32 v1, $0xFFFFFFFF;
	v1 =	vxor.u32 v4, v3;
	v3 =	vadd.s32 v8, v6  }
0x276: {  	v2 =	vnsel vm0, $0x0, v2;
	v5 =	vshrl.u32 v1, $0x6;
	v6 =	vshll.u32 v1, $0x1A  }
0x277: {  	v1 =	vadd.s32 v4, v1;
	v4 =	vshrl.u32 v8, $0x13;
	[tilespmem:s23+$0xFFFFFFF0] =	vst v2;
	v2 =	vor.u32 v5, v6  }
0x278: {  	v3 =	vadd.s32 $0x2A, v3;
	v6 =	vshll.u32 v8, $0xD;
	v2 =	vxor.u32 v1, v2;
	v5 =	vld [tilespmem:s22+$0x0]  }
.Ltmp4:
0x279: {  	v4 =	vor.u32 v4, v6;
	v7 =	vshrl.u32 v2, $0x1A;
	v8 =	vshll.u32 v2, $0x6;
	(pc) =	sbr.rel @p0 .LBB2_9-.Ltmp4, $4  }
0x27a: {  	v2 =	vadd.s32 v1, v2;
	v4 =	vxor.u32 v3, v4;
	v1 =	vor.u32 v7, v8  }
0x27b: {  	v7 =	vshrl.u32 v4, $0x11;
	v6 =	vxor.u32 v2, v1;
	v1 =	vadd.s32 v3, v4  }
0x27c: {  	v2 =	vadd.s32 $0x1BD11BF0, v2;
	v4 =	vshll.u32 v4, $0xF;
	v3 =	vadd.s32 $0x5, v6  }
0x27d: {  	v4 =	vor.u32 v7, v4;
	v3 =	vxor.u32 v2, v3;
	v2 =	vadd.f32 v5, v5  }
0x27e: {  	vm0 =	vgt.s32 v3, $0xFFFFFFFF;
	v3 =	vxor.u32 v1, v4  }
0x27f: {  	v2 =	vnsel vm0, $0x0, v2;
	v4 =	vshrl.u32 v3, $0x6;
	v5 =	vshll.u32 v3, $0x1A  }
0x280: {  	v1 =	vadd.s32 v1, v3;
	[tilespmem:s23+$0x0] =	vst v2;
	v2 =	vor.u32 v4, v5  }
0x281: {  	v2 =	vxor.u32 v1, v2;
	v3 =	vld [tilespmem:s22+$0x10]  }
0x282: {  	v62 =	vshrl.u32 v2, $0x1A;
	v63 =	vshll.u32 v2, $0x6  }
0x283: {  	v1 =	vadd.s32 v1, v2;
	v2 =	vor.u32 v62, v63  }
0x284: {  	v2 =	vxor.u32 v1, v2  }
0x285: {  	p0 =	sne.s32 s20, $0x4;
	v1 =	vadd.s32 $0x1BD11BF0, v1;
	v2 =	vadd.s32 $0x5, v2  }
.Ltmp5:
0x286: {  	v1 =	vxor.u32 v1, v2;
	v2 =	vadd.f32 v3, v3;
	(pc) =	sbr.rel @p0 .LBB2_2-.Ltmp5, $4  }
0x287: {  	s21 =	sadd.s32 s4, s21;
	vm15 =	vgt.s32 v1, $0xFFFFFFFF  }
0x288: {  	s21 =	sshrl.u32 s21, $0x3;
	v1 =	vnsel vm15, $0x0, v2  }
0x289: {  	s19 =	sadd.s32 $0xA000, s19;
	s21 =	sadd.s32 s5, s21;
	[tilespmem:s23+$0x10] =	vst v1  }
0x28a: {  	[hbm4b:s21+s3] =	stream.linear.scatter [tilespmem:s16], [sflag:$0x4], $0x5000, $0x38;
	[tilespmem:$0x14000] =	vst v63  }
0x28b: {  	s18 =	sadd.s32 $0x1, s18  }
0x28c: {  	_ =	swait.ge [sflag:s17], $0x5000;
	p0 =	sne.s32 s18, s9  }
.Ltmp6:
0x28d: {  	[sflag:s17] =	ssyncset.done $0x0;
	(pc) =	sbr.rel @p0 .LBB2_1-.Ltmp6, $4  }
0x28e: {  	[sflag:s17] =	ssyncadd.s32 $0xFFFFB000  }
0x28f: {  	_ =	swait.ge [sflag:s15], $0x5000  }
0x290: {  	[sflag:s15] =	ssyncset.done $0x0  }
0x291: {  	[sflag:s15] =	ssyncadd.s32 $0xFFFFB000  }
0x292: {  	_ =	sfence.sel $0x180000  }
0x293: {  	[bflag:$0x0] =	sbarrier.arrive $0xFFFF  }
0x294: {  	p0 =	sne.s32 s0, $0x0;
	_ =	strace $0x90000047  }
0x295: {  	s0 =	sadd.s32 @!p0 $0x100000, s1;
	[bflag:$0x2] =	sbarrier.arrive $0xFFFF  }
0x296: {  	[sflag:s0] =	ssyncadd.tile.s32 @!p0 $0x1;
	_ =	shalt  }
.Lfunc_end2:
_tile_overlayer_lowered:
.L_overlay_start_2:
0x297: {  	(tag) =	ssettag $0x2  }
0x298: {  	s0 =	rddreg [dreg:$0x0];
	s2 =	stileid.u32  }
0x299: {  	s1 =	rddreg [dreg:$0x1];
	p0 =	sne.s32 s2, $0x0  }
0x29a: {  	s3 =	rddreg [dreg:$0x2];
	[bflag:$0x3] =	sbarrier.arrive $0xFFFF;
	s2 =	simm.s32 @!p0 $0x1C05  }
0x29b: {  	[timem:s3], [sflag:s2] =	dma.local @!p0 [hbm:s0], s1  }
0x29c: {  	s0 =	simm.s32 @!p0 $0x5  }
0x29d: {  	_ =	swait.ge @!p0 [sflag:s0], s1  }
0x29e: {  	s1 =	ssub.s32 @!p0 $0x0, s1;
	[sflag:s0] =	ssyncset.done @!p0 $0x0  }
0x29f: {  	[sflag:s0] =	ssyncadd.s32 @!p0 s1  }
0x2a0: {  	[bflag:$0x3] =	sbarrier.arrive $0xFFFF  }
0x2a1: {  	_ =	shalt  }

</sc_bundles>
